<compile_context>
chip_gen: v7x
topology: tpu7x:2x2x1
jax: 0.10.2.dev20260603
libtpu: 0.0.44.dev20260713+nightly
codegen_flags: <defaults>
</compile_context>

<pallas_src>
import functools

import jax
import jax.numpy as jnp
from jax import lax
from jax.experimental import pallas as pl
from jax.experimental.pallas import tpu as pltpu
from jax.experimental.pallas import tpu_sc as plsc

N = 10000
NP = 10240
E = 320000
D = 128
D_OUT = 64

NC = 2
NS = 16
NW = NC * NS
CK = 128
CH = 80
EPW = E // NW
K = 80
RPS = NP // NS
ZR = 128

R = 1000


def _mesh():
    return plsc.VectorSubcoreMesh(core_axis_name="c", subcore_axis_name="s")


def _sc_degrees(srcw, dstw, ones_h, zeros_h):
    @functools.partial(
        pl.kernel,
        mesh=_mesh(),
        out_type=jax.ShapeDtypeStruct((NC, 2, NP), jnp.float32),
        scratch_types=[
            pltpu.VMEM((CH, CK), jnp.int32),
            pltpu.VMEM((CH, CK), jnp.int32),
            pltpu.VMEM((CK,), jnp.float32),
            pltpu.VMEM_SHARED((NP,), jnp.float32),
            pltpu.VMEM_SHARED((NP,), jnp.float32),
            pltpu.SemaphoreType.DMA,
        ],
    )
    def deg_kernel(srcw_hbm, dstw_hbm, ones_hbm, zeros_hbm, out_hbm,
                   src_v, dst_v, ones_v, acc_o, acc_i, sem):
        c = lax.axis_index("c")
        s = lax.axis_index("s")
        wid = s * NC + c
        pltpu.sync_copy(zeros_hbm, acc_o.at[pl.ds(s * RPS, RPS)])
        pltpu.sync_copy(zeros_hbm, acc_i.at[pl.ds(s * RPS, RPS)])
        pltpu.sync_copy(srcw_hbm.at[wid], src_v)
        pltpu.sync_copy(dstw_hbm.at[wid], dst_v)
        pltpu.sync_copy(ones_hbm, ones_v)
        plsc.subcore_barrier()

        def step(i, carry):
            pltpu.async_copy(ones_v, acc_o.at[src_v.at[i]], sem, add=True)
            pltpu.async_copy(ones_v, acc_i.at[dst_v.at[i]], sem, add=True)
            return carry

        lax.fori_loop(0, CH, step, 0)

        def drain(i, carry):
            pltpu.make_async_copy(ones_hbm, ones_v, sem).wait()
            return carry

        lax.fori_loop(0, 2 * CH, drain, 0)
        plsc.subcore_barrier()
        pltpu.sync_copy(acc_o.at[pl.ds(s * RPS, RPS)],
                        out_hbm.at[c, 0, pl.ds(s * RPS, RPS)])
        pltpu.sync_copy(acc_i.at[pl.ds(s * RPS, RPS)],
                        out_hbm.at[c, 1, pl.ds(s * RPS, RPS)])

    return deg_kernel(srcw, dstw, ones_h, zeros_h)


def _sc_scatter(x, sd_h, zeros_h):
    nch = EPW // K

    @functools.partial(
        pl.kernel,
        mesh=_mesh(),
        out_type=jax.ShapeDtypeStruct((NC, NP, D), jnp.float32),
        scratch_types=[
            pltpu.VMEM((2, K), jnp.int32),
            pltpu.VMEM((2, K), jnp.int32),
            pltpu.VMEM((2, K), jnp.int32),
            pltpu.VMEM((2, K), jnp.int32),
            pltpu.VMEM((K, D), jnp.float32),
            pltpu.VMEM((K, D), jnp.float32),
            pltpu.VMEM_SHARED((NP, D), jnp.float32),
        ] + [pltpu.SemaphoreType.DMA for _ in range(6)],
    )
    def scat_kernel(x_hbm, sd_hbm, zeros_hbm, out_hbm,
                    ia0, ia1, ib0, ib1, bufa, bufb, acc,
                    sia0, sia1, sib0, sib1, sga, sgb):
        iv = ((ia0, ia1), (ib0, ib1))
        isem = ((sia0, sia1), (sib0, sib1))
        gsem = (sga, sgb)
        bufs = (bufa, bufb)
        c = lax.axis_index("c")
        s = lax.axis_index("s")
        wid = s * NC + c

        def wait_idx(b, p):
            pltpu.make_async_copy(sd_hbm.at[0, 0], iv[b][p], isem[b][p]).wait()

        def wait_rows(b):
            pltpu.make_async_copy(x_hbm.at[pl.ds(0, K)], bufs[b],
                                  gsem[b]).wait()

        for z in range(RPS // ZR):
            pltpu.sync_copy(zeros_hbm, acc.at[pl.ds(s * RPS + z * ZR, ZR)])
        pltpu.sync_copy(sd_hbm.at[wid, 0], iv[0][0])
        pltpu.sync_copy(sd_hbm.at[wid, 1], iv[1][0])
        pltpu.async_copy(sd_hbm.at[wid, 2], iv[0][1], isem[0][1])
        pltpu.async_copy(sd_hbm.at[wid, 3], iv[1][1], isem[1][1])
        pltpu.async_copy(x_hbm.at[iv[0][0].at[0]], bufa, sga)
        pltpu.async_copy(x_hbm.at[iv[1][0].at[0]], bufb, sgb)
        plsc.subcore_barrier()

        def quad(g, carry):
            for t in range(4):
                b = t % 2
                p = (t // 2) % 2
                i = 4 * g + t
                wait_rows(b)
                pltpu.sync_copy(bufs[b], acc.at[iv[b][p].at[1]], add=True)

                @pl.when(i + 4 < nch)
                def _():
                    pltpu.async_copy(sd_hbm.at[wid, i + 4], iv[b][p],
                                     isem[b][p])

                @pl.when(i + 2 < nch)
                def _():
                    wait_idx(b, 1 - p)
                    pltpu.async_copy(x_hbm.at[iv[b][1 - p].at[0]], bufs[b],
                                     gsem[b])

            return carry

        lax.fori_loop(0, nch // 4, quad, 0)
        wait_rows(0)
        pltpu.sync_copy(bufa, acc.at[iv[0][0].at[1]], add=True)
        plsc.subcore_barrier()
        pltpu.sync_copy(acc.at[pl.ds(s * RPS, RPS)],
                        out_hbm.at[c, pl.ds(s * RPS, RPS)])

    return scat_kernel(x, sd_h, zeros_h)


def _scales(deg_ref):
    s_out = lax.rsqrt(jnp.maximum(deg_ref[0, 0] + deg_ref[1, 0], 1.0))
    s_in = lax.rsqrt(jnp.maximum(deg_ref[0, 1] + deg_ref[1, 1], 1.0))
    return s_out, s_in


def _dot(a, b):
    return jnp.dot(a, b, preferred_element_type=jnp.float32)


def _tc_in_body(deg_ref, x_ref, win_ref, bin_ref, wc_ref, h_ref, x0_ref):
    s_out, _ = _scales(deg_ref)
    h = jnp.maximum(_dot(x_ref[...], win_ref[...]) + bin_ref[...], 0.0)
    h_ref[...] = h
    x0_ref[...] = _dot(h * s_out, wc_ref[...])


def _tc_gate_body(deg_ref, h_ref, p_ref, bc_ref, wg_ref, bg_ref, wc_ref,
                  h1_ref, x1_ref):
    s_out, s_in = _scales(deg_ref)
    cell = (p_ref[0] + p_ref[1]) * s_in + bc_ref[...]
    h = h_ref[...]
    wg = wg_ref[...]
    cc = jax.nn.sigmoid(_dot(h, wg[0:D]) + _dot(cell, wg[D:2 * D])
                        + bg_ref[...])
    h1_ref[...] = h * cc[:, 0:1] + cell * cc[:, 1:2]
    x1_ref[...] = _dot(cell * cc[:, 3:4] * s_out, wc_ref[...])


def _tc_out_body(deg_ref, h_ref, p_ref, bc_ref, wg_ref, bg_ref, wcls_ref,
                 bcls_ref, out_ref):
    _, s_in = _scales(deg_ref)
    cell = (p_ref[0] + p_ref[1]) * s_in + bc_ref[...]
    h = h_ref[...]
    wg = wg_ref[...]
    cc = jax.nn.sigmoid(_dot(h, wg[0:D]) + _dot(cell, wg[D:2 * D])
                        + bg_ref[...])
    h2 = h * cc[:, 0:1] + cell * cc[:, 1:2]
    out_ref[...] = _dot(h2, wcls_ref[...]) + bcls_ref[...]


def _spec_deg():
    return pl.BlockSpec((NC, 2, R, 1), lambda i: (0, 0, i, 0))


def _spec_rows():
    return pl.BlockSpec((R, D), lambda i: (i, 0))


def _spec_full(shape):
    nd = len(shape)
    return pl.BlockSpec(shape, lambda i: (0,) * nd)


def _tc_in(degp, x, w_in, b_in, w_conv):
    return pl.pallas_call(
        _tc_in_body,
        grid=(N // R,),
        in_specs=[
            _spec_deg(), _spec_rows(),
            _spec_full((D, D)), _spec_full((1, D)), _spec_full((D, D)),
        ],
        out_specs=[_spec_rows(), _spec_rows()],
        out_shape=[jax.ShapeDtypeStruct((N, D), jnp.float32),
                   jax.ShapeDtypeStruct((N, D), jnp.float32)],
    )(degp, x, w_in, b_in, w_conv)


def _tc_gate(degp, h, p, b_conv, w_gate, b_gate, w_conv_next):
    return pl.pallas_call(
        _tc_gate_body,
        grid=(N // R,),
        in_specs=[
            _spec_deg(), _spec_rows(),
            pl.BlockSpec((NC, R, D), lambda i: (0, i, 0)),
            _spec_full((1, D)), _spec_full((2 * D, 4)), _spec_full((1, 4)),
            _spec_full((D, D)),
        ],
        out_specs=[_spec_rows(), _spec_rows()],
        out_shape=[jax.ShapeDtypeStruct((N, D), jnp.float32),
                   jax.ShapeDtypeStruct((N, D), jnp.float32)],
    )(degp, h, p, b_conv, w_gate, b_gate, w_conv_next)


def _tc_out(degp, h, p, b_conv, w_gate, b_gate, w_cls, b_cls):
    return pl.pallas_call(
        _tc_out_body,
        grid=(N // R,),
        in_specs=[
            _spec_deg(), _spec_rows(),
            pl.BlockSpec((NC, R, D), lambda i: (0, i, 0)),
            _spec_full((1, D)), _spec_full((2 * D, 4)), _spec_full((1, 4)),
            _spec_full((D, D_OUT)), _spec_full((1, D_OUT)),
        ],
        out_specs=pl.BlockSpec((R, D_OUT), lambda i: (i, 0)),
        out_shape=jax.ShapeDtypeStruct((N, D_OUT), jnp.float32),
    )(degp, h, p, b_conv, w_gate, b_gate, w_cls, b_cls)


def kernel(inputs, graph, W_in, b_in, W_conv0, b_conv0, W_conv1, b_conv1,
           W_gate, b_gate, W_cls, b_cls):
    padw = CH * CK - E // NW
    srcw = jnp.pad(graph[0].reshape(NW, E // NW),
                   ((0, 0), (0, padw))).reshape(NW, CH, CK)
    dummy = jnp.arange(padw, dtype=jnp.int32) % (NP - N) + N
    dstw = jnp.concatenate(
        [graph[1].reshape(NW, E // NW),
         jnp.broadcast_to(dummy, (NW, padw))], axis=1).reshape(NW, CH, CK)
    ones_h = jnp.ones((CK,), jnp.float32)
    zeros_deg = jnp.zeros((RPS,), jnp.float32)
    zeros_row = jnp.zeros((ZR, D), jnp.float32)
    sd_h = jnp.stack([graph[0].reshape(NW, EPW // K, K),
                      graph[1].reshape(NW, EPW // K, K)], axis=2)

    degp = _sc_degrees(srcw, dstw, ones_h, zeros_deg).reshape(NC, 2, NP, 1)

    h, x0 = _tc_in(degp, inputs, W_in, b_in.reshape(1, D), W_conv0)
    p0 = _sc_scatter(x0, sd_h, zeros_row)
    h1, x1 = _tc_gate(degp, h, p0, b_conv0.reshape(1, D), W_gate,
                      b_gate.reshape(1, 4), W_conv1)
    p1 = _sc_scatter(x1, sd_h, zeros_row)
    out = _tc_out(degp, h1, p1, b_conv1.reshape(1, D), W_gate,
                  b_gate.reshape(1, 4), W_cls, b_cls.reshape(1, D_OUT))
    return out

# --- scband reference (transcript-rebuilt; emitter-appended) ---
"""Pipeline reference for scband-mmp-70342974374584 (READ-ONLY COPY).

The authoritative reference and input builder live on the scoring server;
editing this copy changes nothing except your own understanding.
"""

import jax, jax.numpy as jnp
import numpy as np

N = 10000
E = 320000
D_IN = 128
D_HID = 128
D_OUT = 64
NUM_LAYERS = 2


def setup_inputs(seed: int = 0) -> dict:
    key = jax.random.key(seed)
    ks = jax.random.split(key, 12)
    s = 0.05
    inputs = jax.random.normal(ks[0], (N, D_IN), dtype=jnp.float32)
    graph = jax.random.randint(ks[1], (2, E), 0, N, dtype=jnp.int32)
    W_in = jax.random.normal(ks[2], (D_IN, D_HID), dtype=jnp.float32) * s
    b_in = jnp.zeros((D_HID,), dtype=jnp.float32)
    W_conv0 = jax.random.normal(ks[3], (D_HID, D_HID), dtype=jnp.float32) * s
    b_conv0 = jnp.zeros((D_HID,), dtype=jnp.float32)
    W_conv1 = jax.random.normal(ks[4], (D_HID, D_HID), dtype=jnp.float32) * s
    b_conv1 = jnp.zeros((D_HID,), dtype=jnp.float32)
    W_gate = jax.random.normal(ks[5], (2 * D_HID, 4), dtype=jnp.float32) * s
    b_gate = jnp.zeros((4,), dtype=jnp.float32)
    W_cls = jax.random.normal(ks[6], (D_HID, D_OUT), dtype=jnp.float32) * s
    b_cls = jnp.zeros((D_OUT,), dtype=jnp.float32)
    return {
        "inputs": inputs,
        "graph": graph,
        "W_in": W_in, "b_in": b_in,
        "W_conv0": W_conv0, "b_conv0": b_conv0,
        "W_conv1": W_conv1, "b_conv1": b_conv1,
        "W_gate": W_gate, "b_gate": b_gate,
        "W_cls": W_cls, "b_cls": b_cls,
    }


def _gcn_conv(h, edge_index, W, b):
    # DGL-style GraphConv with symmetric ('both') normalization:
    # h' = D_out^{-1/2} A D_in^{-1/2} (h W) + b, implemented via gather + scatter-add.
    src = edge_index[0]
    dst = edge_index[1]
    ones = jnp.ones((src.shape[0],), dtype=jnp.float32)
    deg_out = jnp.clip(jnp.zeros((N,), dtype=jnp.float32).at[src].add(ones), 1.0, None)
    deg_in = jnp.clip(jnp.zeros((N,), dtype=jnp.float32).at[dst].add(ones), 1.0, None)
    hw = h @ W
    norm = (1.0 / jnp.sqrt(deg_out[src])) * (1.0 / jnp.sqrt(deg_in[dst]))
    msgs = jnp.take(hw, src, axis=0) * norm[:, None]
    agg = jax.ops.segment_sum(msgs, dst, num_segments=N)
    return agg + b


def _gate(h_s, h_m, W_gate, b_gate):
    combined = jnp.concatenate([h_s, h_m], axis=1)
    cc = jax.nn.sigmoid(combined @ W_gate + b_gate)
    a_h = cc[:, 0:1]
    a_m = cc[:, 1:2]
    a_c = cc[:, 3:4]
    h_s_new = h_s * a_h + h_m * a_m
    h_m_new = h_m * a_c
    return h_s_new, h_m_new


def reference(inputs, graph, W_in, b_in, W_conv0, b_conv0, W_conv1, b_conv1, W_gate, b_gate, W_cls, b_cls):
    # input_fc: Linear + ReLU (dropout=0 -> identity in eval)
    h = jax.nn.relu(inputs @ W_in + b_in)
    memory = h
    conv_params = [(W_conv0, b_conv0), (W_conv1, b_conv1)]
    for i in range(NUM_LAYERS):
        Wc, bc = conv_params[i]
        cell = _gcn_conv(memory, graph, Wc, bc)
        h, memory = _gate(h, cell, W_gate, b_gate)
    out = h @ W_cls + b_cls
    return out

if __name__ == "__main__":
    import jax
    _d = setup_inputs()
    print(jax.jit(kernel)(*tuple(_d.values())))

</pallas_src>

<mosaic_0001>
#map = affine_map<(d0, d1) -> (0, 0)>
#map1 = affine_map<(d0, d1) -> (0, 0, 0, 0)>
#map2 = affine_map<(d0, d1) -> (0, 0, 0)>
module attributes {stable_mosaic.version = 14 : i64} {
  func.func @scat_kernel(%arg0: i32, %arg1: i32, %arg2: memref<10000x128xf32, #tpu.memory_space<hbm>>, %arg3: memref<32x125x2x80xi32, #tpu.memory_space<hbm>>, %arg4: memref<128x128xf32, #tpu.memory_space<hbm>>, %arg5: memref<2x10240x128xf32, #tpu.memory_space<hbm>>, %arg6: memref<2x80xi32, #tpu.memory_space<vmem>>, %arg7: memref<2x80xi32, #tpu.memory_space<vmem>>, %arg8: memref<2x80xi32, #tpu.memory_space<vmem>>, %arg9: memref<2x80xi32, #tpu.memory_space<vmem>>, %arg10: memref<80x128xf32, #tpu.memory_space<vmem>>, %arg11: memref<80x128xf32, #tpu.memory_space<vmem>>, %arg12: memref<10240x128xf32, #tpu.memory_space<vmem_shared>>, %arg13: memref<!tpu.dma_semaphore, #tpu.memory_space<semaphore_mem>>, %arg14: memref<!tpu.dma_semaphore, #tpu.memory_space<semaphore_mem>>, %arg15: memref<!tpu.dma_semaphore, #tpu.memory_space<semaphore_mem>>, %arg16: memref<!tpu.dma_semaphore, #tpu.memory_space<semaphore_mem>>, %arg17: memref<!tpu.dma_semaphore, #tpu.memory_space<semaphore_mem>>, %arg18: memref<!tpu.dma_semaphore, #tpu.memory_space<semaphore_mem>>) attributes {dimension_semantics = [#tpu.dimension_semantics<core_parallel>, #tpu.dimension_semantics<subcore_parallel>], iteration_bounds = array<i64: 2, 16>, scalar_prefetch = 0 : i64, scratch_operands = 13 : i64, tpu.core_type = #tpu.core_type<sc_vector_subcore>, window_params = [{transform_indices = #map}, {transform_indices = #map1}, {transform_indices = #map}, {transform_indices = #map2}]} {
    %mul3A = arith.constant 2 : i32
    %mul3A_0 = arith.muli %arg1, %mul3A : i32
    %add3A = arith.addi %mul3A_0, %arg0 : i32
    %mul3A_1 = arith.constant 640 : i32
    %mul3A_2 = arith.muli %arg1, %mul3A_1 : i32
    %add3A_3 = arith.constant 0 : i32
    %add3A_4 = arith.addi %mul3A_2, %add3A_3 : i32
    "tpu.region"() ({
      %run_scoped3A_69 = tpu.sem_alloc : memref<!tpu.dma_semaphore, #tpu.memory_space<semaphore_mem>>
      %dma_start3A_70 = arith.constant 0 : i32
      %dma_start3A_71 = tpu.memref_slice %arg12[%add3A_4, %dma_start3A_70] : memref<10240x128xf32, #tpu.memory_space<vmem_shared>> -> memref<128x128xf32, #tpu.memory_space<vmem_shared>>
      tpu.enqueue_dma source(%arg4 : memref<128x128xf32, #tpu.memory_space<hbm>>) target(%dma_start3A_71 : memref<128x128xf32, #tpu.memory_space<vmem_shared>>) target_semaphore(%run_scoped3A_69 : memref<!tpu.dma_semaphore, #tpu.memory_space<semaphore_mem>>)
      %dma_wait3A_72 = arith.constant 0 : i32
      %dma_wait3A_73 = tpu.memref_slice %arg12[%add3A_4, %dma_wait3A_72] : memref<10240x128xf32, #tpu.memory_space<vmem_shared>> -> memref<128x128xf32, #tpu.memory_space<vmem_shared>>
      tpu.wait_dma2 semaphore(%run_scoped3A_69 : memref<!tpu.dma_semaphore, #tpu.memory_space<semaphore_mem>>) src(%arg4 : memref<128x128xf32, #tpu.memory_space<hbm>>) dst(%dma_wait3A_73 : memref<128x128xf32, #tpu.memory_space<vmem_shared>>)
      tpu.yield
    }) : () -> ()
    %mul3A_5 = arith.constant 640 : i32
    %mul3A_6 = arith.muli %arg1, %mul3A_5 : i32
    %add3A_7 = arith.constant 128 : i32
    %add3A_8 = arith.addi %mul3A_6, %add3A_7 : i32
    "tpu.region"() ({
      %run_scoped3A_69 = tpu.sem_alloc : memref<!tpu.dma_semaphore, #tpu.memory_space<semaphore_mem>>
      %dma_start3A_70 = arith.constant 0 : i32
      %dma_start3A_71 = tpu.memref_slice %arg12[%add3A_8, %dma_start3A_70] : memref<10240x128xf32, #tpu.memory_space<vmem_shared>> -> memref<128x128xf32, #tpu.memory_space<vmem_shared>>
      tpu.enqueue_dma source(%arg4 : memref<128x128xf32, #tpu.memory_space<hbm>>) target(%dma_start3A_71 : memref<128x128xf32, #tpu.memory_space<vmem_shared>>) target_semaphore(%run_scoped3A_69 : memref<!tpu.dma_semaphore, #tpu.memory_space<semaphore_mem>>)
      %dma_wait3A_72 = arith.constant 0 : i32
      %dma_wait3A_73 = tpu.memref_slice %arg12[%add3A_8, %dma_wait3A_72] : memref<10240x128xf32, #tpu.memory_space<vmem_shared>> -> memref<128x128xf32, #tpu.memory_space<vmem_shared>>
      tpu.wait_dma2 semaphore(%run_scoped3A_69 : memref<!tpu.dma_semaphore, #tpu.memory_space<semaphore_mem>>) src(%arg4 : memref<128x128xf32, #tpu.memory_space<hbm>>) dst(%dma_wait3A_73 : memref<128x128xf32, #tpu.memory_space<vmem_shared>>)
      tpu.yield
    }) : () -> ()
    %mul3A_9 = arith.constant 640 : i32
    %mul3A_10 = arith.muli %arg1, %mul3A_9 : i32
    %add3A_11 = arith.constant 256 : i32
    %add3A_12 = arith.addi %mul3A_10, %add3A_11 : i32
    "tpu.region"() ({
      %run_scoped3A_69 = tpu.sem_alloc : memref<!tpu.dma_semaphore, #tpu.memory_space<semaphore_mem>>
      %dma_start3A_70 = arith.constant 0 : i32
      %dma_start3A_71 = tpu.memref_slice %arg12[%add3A_12, %dma_start3A_70] : memref<10240x128xf32, #tpu.memory_space<vmem_shared>> -> memref<128x128xf32, #tpu.memory_space<vmem_shared>>
      tpu.enqueue_dma source(%arg4 : memref<128x128xf32, #tpu.memory_space<hbm>>) target(%dma_start3A_71 : memref<128x128xf32, #tpu.memory_space<vmem_shared>>) target_semaphore(%run_scoped3A_69 : memref<!tpu.dma_semaphore, #tpu.memory_space<semaphore_mem>>)
      %dma_wait3A_72 = arith.constant 0 : i32
      %dma_wait3A_73 = tpu.memref_slice %arg12[%add3A_12, %dma_wait3A_72] : memref<10240x128xf32, #tpu.memory_space<vmem_shared>> -> memref<128x128xf32, #tpu.memory_space<vmem_shared>>
      tpu.wait_dma2 semaphore(%run_scoped3A_69 : memref<!tpu.dma_semaphore, #tpu.memory_space<semaphore_mem>>) src(%arg4 : memref<128x128xf32, #tpu.memory_space<hbm>>) dst(%dma_wait3A_73 : memref<128x128xf32, #tpu.memory_space<vmem_shared>>)
      tpu.yield
    }) : () -> ()
    %mul3A_13 = arith.constant 640 : i32
    %mul3A_14 = arith.muli %arg1, %mul3A_13 : i32
    %add3A_15 = arith.constant 384 : i32
    %add3A_16 = arith.addi %mul3A_14, %add3A_15 : i32
    "tpu.region"() ({
      %run_scoped3A_69 = tpu.sem_alloc : memref<!tpu.dma_semaphore, #tpu.memory_space<semaphore_mem>>
      %dma_start3A_70 = arith.constant 0 : i32
      %dma_start3A_71 = tpu.memref_slice %arg12[%add3A_16, %dma_start3A_70] : memref<10240x128xf32, #tpu.memory_space<vmem_shared>> -> memref<128x128xf32, #tpu.memory_space<vmem_shared>>
      tpu.enqueue_dma source(%arg4 : memref<128x128xf32, #tpu.memory_space<hbm>>) target(%dma_start3A_71 : memref<128x128xf32, #tpu.memory_space<vmem_shared>>) target_semaphore(%run_scoped3A_69 : memref<!tpu.dma_semaphore, #tpu.memory_space<semaphore_mem>>)
      %dma_wait3A_72 = arith.constant 0 : i32
      %dma_wait3A_73 = tpu.memref_slice %arg12[%add3A_16, %dma_wait3A_72] : memref<10240x128xf32, #tpu.memory_space<vmem_shared>> -> memref<128x128xf32, #tpu.memory_space<vmem_shared>>
      tpu.wait_dma2 semaphore(%run_scoped3A_69 : memref<!tpu.dma_semaphore, #tpu.memory_space<semaphore_mem>>) src(%arg4 : memref<128x128xf32, #tpu.memory_space<hbm>>) dst(%dma_wait3A_73 : memref<128x128xf32, #tpu.memory_space<vmem_shared>>)
      tpu.yield
    }) : () -> ()
    %mul3A_17 = arith.constant 640 : i32
    %mul3A_18 = arith.muli %arg1, %mul3A_17 : i32
    %add3A_19 = arith.constant 512 : i32
    %add3A_20 = arith.addi %mul3A_18, %add3A_19 : i32
    "tpu.region"() ({
      %run_scoped3A_69 = tpu.sem_alloc : memref<!tpu.dma_semaphore, #tpu.memory_space<semaphore_mem>>
      %dma_start3A_70 = arith.constant 0 : i32
      %dma_start3A_71 = tpu.memref_slice %arg12[%add3A_20, %dma_start3A_70] : memref<10240x128xf32, #tpu.memory_space<vmem_shared>> -> memref<128x128xf32, #tpu.memory_space<vmem_shared>>
      tpu.enqueue_dma source(%arg4 : memref<128x128xf32, #tpu.memory_space<hbm>>) target(%dma_start3A_71 : memref<128x128xf32, #tpu.memory_space<vmem_shared>>) target_semaphore(%run_scoped3A_69 : memref<!tpu.dma_semaphore, #tpu.memory_space<semaphore_mem>>)
      %dma_wait3A_72 = arith.constant 0 : i32
      %dma_wait3A_73 = tpu.memref_slice %arg12[%add3A_20, %dma_wait3A_72] : memref<10240x128xf32, #tpu.memory_space<vmem_shared>> -> memref<128x128xf32, #tpu.memory_space<vmem_shared>>
      tpu.wait_dma2 semaphore(%run_scoped3A_69 : memref<!tpu.dma_semaphore, #tpu.memory_space<semaphore_mem>>) src(%arg4 : memref<128x128xf32, #tpu.memory_space<hbm>>) dst(%dma_wait3A_73 : memref<128x128xf32, #tpu.memory_space<vmem_shared>>)
      tpu.yield
    }) : () -> ()
    %run_scoped3A = arith.constant 0 : i32
    "tpu.region"() ({
      %run_scoped3A_69 = tpu.sem_alloc : memref<!tpu.dma_semaphore, #tpu.memory_space<semaphore_mem>>
      %dma_start3A_70 = arith.constant 0 : i32
      %dma_start3A_71 = arith.constant 0 : i32
      %dma_start3A_72 = tpu.memref_slice %arg3[%add3A, %run_scoped3A, %dma_start3A_70, %dma_start3A_71] : memref<32x125x2x80xi32, #tpu.memory_space<hbm>> -> memref<1x1x2x80xi32, #tpu.memory_space<hbm>>
      %dma_start3A_73 = tpu.memref_squeeze %dma_start3A_72 : memref<1x1x2x80xi32, #tpu.memory_space<hbm>> -> memref<2x80xi32, #tpu.memory_space<hbm>>
      %dma_start3A_74 = arith.constant 0 : i32
      %dma_start3A_75 = arith.constant 0 : i32
      %dma_start3A_76 = tpu.memref_slice %arg3[%add3A, %run_scoped3A, %dma_start3A_74, %dma_start3A_75] : memref<32x125x2x80xi32, #tpu.memory_space<hbm>> -> memref<1x1x2x80xi32, #tpu.memory_space<hbm>>
      %dma_start3A_77 = tpu.memref_squeeze %dma_start3A_76 : memref<1x1x2x80xi32, #tpu.memory_space<hbm>> -> memref<2x80xi32, #tpu.memory_space<hbm>>
      tpu.enqueue_dma source(%dma_start3A_77 : memref<2x80xi32, #tpu.memory_space<hbm>>) target(%arg6 : memref<2x80xi32, #tpu.memory_space<vmem>>) target_semaphore(%run_scoped3A_69 : memref<!tpu.dma_semaphore, #tpu.memory_space<semaphore_mem>>)
      %dma_wait3A_78 = arith.constant 0 : i32
      %dma_wait3A_79 = arith.constant 0 : i32
      %dma_wait3A_80 = tpu.memref_slice %arg3[%add3A, %run_scoped3A, %dma_wait3A_78, %dma_wait3A_79] : memref<32x125x2x80xi32, #tpu.memory_space<hbm>> -> memref<1x1x2x80xi32, #tpu.memory_space<hbm>>
      %dma_wait3A_81 = tpu.memref_squeeze %dma_wait3A_80 : memref<1x1x2x80xi32, #tpu.memory_space<hbm>> -> memref<2x80xi32, #tpu.memory_space<hbm>>
      %dma_wait3A_82 = arith.constant 0 : i32
      %dma_wait3A_83 = arith.constant 0 : i32
      %dma_wait3A_84 = tpu.memref_slice %arg3[%add3A, %run_scoped3A, %dma_wait3A_82, %dma_wait3A_83] : memref<32x125x2x80xi32, #tpu.memory_space<hbm>> -> memref<1x1x2x80xi32, #tpu.memory_space<hbm>>
      %dma_wait3A_85 = tpu.memref_squeeze %dma_wait3A_84 : memref<1x1x2x80xi32, #tpu.memory_space<hbm>> -> memref<2x80xi32, #tpu.memory_space<hbm>>
      tpu.wait_dma2 semaphore(%run_scoped3A_69 : memref<!tpu.dma_semaphore, #tpu.memory_space<semaphore_mem>>) src(%dma_wait3A_85 : memref<2x80xi32, #tpu.memory_space<hbm>>) dst(%arg6 : memref<2x80xi32, #tpu.memory_space<vmem>>)
      tpu.yield
    }) : () -> ()
    %run_scoped3A_21 = arith.constant 1 : i32
    "tpu.region"() ({
      %run_scoped3A_69 = tpu.sem_alloc : memref<!tpu.dma_semaphore, #tpu.memory_space<semaphore_mem>>
      %dma_start3A_70 = arith.constant 0 : i32
      %dma_start3A_71 = arith.constant 0 : i32
      %dma_start3A_72 = tpu.memref_slice %arg3[%add3A, %run_scoped3A_21, %dma_start3A_70, %dma_start3A_71] : memref<32x125x2x80xi32, #tpu.memory_space<hbm>> -> memref<1x1x2x80xi32, #tpu.memory_space<hbm>>
      %dma_start3A_73 = tpu.memref_squeeze %dma_start3A_72 : memref<1x1x2x80xi32, #tpu.memory_space<hbm>> -> memref<2x80xi32, #tpu.memory_space<hbm>>
      %dma_start3A_74 = arith.constant 0 : i32
      %dma_start3A_75 = arith.constant 0 : i32
      %dma_start3A_76 = tpu.memref_slice %arg3[%add3A, %run_scoped3A_21, %dma_start3A_74, %dma_start3A_75] : memref<32x125x2x80xi32, #tpu.memory_space<hbm>> -> memref<1x1x2x80xi32, #tpu.memory_space<hbm>>
      %dma_start3A_77 = tpu.memref_squeeze %dma_start3A_76 : memref<1x1x2x80xi32, #tpu.memory_space<hbm>> -> memref<2x80xi32, #tpu.memory_space<hbm>>
      tpu.enqueue_dma source(%dma_start3A_77 : memref<2x80xi32, #tpu.memory_space<hbm>>) target(%arg8 : memref<2x80xi32, #tpu.memory_space<vmem>>) target_semaphore(%run_scoped3A_69 : memref<!tpu.dma_semaphore, #tpu.memory_space<semaphore_mem>>)
      %dma_wait3A_78 = arith.constant 0 : i32
      %dma_wait3A_79 = arith.constant 0 : i32
      %dma_wait3A_80 = tpu.memref_slice %arg3[%add3A, %run_scoped3A_21, %dma_wait3A_78, %dma_wait3A_79] : memref<32x125x2x80xi32, #tpu.memory_space<hbm>> -> memref<1x1x2x80xi32, #tpu.memory_space<hbm>>
      %dma_wait3A_81 = tpu.memref_squeeze %dma_wait3A_80 : memref<1x1x2x80xi32, #tpu.memory_space<hbm>> -> memref<2x80xi32, #tpu.memory_space<hbm>>
      %dma_wait3A_82 = arith.constant 0 : i32
      %dma_wait3A_83 = arith.constant 0 : i32
      %dma_wait3A_84 = tpu.memref_slice %arg3[%add3A, %run_scoped3A_21, %dma_wait3A_82, %dma_wait3A_83] : memref<32x125x2x80xi32, #tpu.memory_space<hbm>> -> memref<1x1x2x80xi32, #tpu.memory_space<hbm>>
      %dma_wait3A_85 = tpu.memref_squeeze %dma_wait3A_84 : memref<1x1x2x80xi32, #tpu.memory_space<hbm>> -> memref<2x80xi32, #tpu.memory_space<hbm>>
      tpu.wait_dma2 semaphore(%run_scoped3A_69 : memref<!tpu.dma_semaphore, #tpu.memory_space<semaphore_mem>>) src(%dma_wait3A_85 : memref<2x80xi32, #tpu.memory_space<hbm>>) dst(%arg8 : memref<2x80xi32, #tpu.memory_space<vmem>>)
      tpu.yield
    }) : () -> ()
    %dma_start3A = arith.constant 2 : i32
    %dma_start3A_22 = arith.constant 0 : i32
    %dma_start3A_23 = arith.constant 0 : i32
    %dma_start3A_24 = tpu.memref_slice %arg3[%add3A, %dma_start3A, %dma_start3A_22, %dma_start3A_23] : memref<32x125x2x80xi32, #tpu.memory_space<hbm>> -> memref<1x1x2x80xi32, #tpu.memory_space<hbm>>
    %dma_start3A_25 = tpu.memref_squeeze %dma_start3A_24 : memref<1x1x2x80xi32, #tpu.memory_space<hbm>> -> memref<2x80xi32, #tpu.memory_space<hbm>>
    %dma_start3A_26 = arith.constant 0 : i32
    %dma_start3A_27 = arith.constant 0 : i32
    %dma_start3A_28 = tpu.memref_slice %arg3[%add3A, %dma_start3A, %dma_start3A_26, %dma_start3A_27] : memref<32x125x2x80xi32, #tpu.memory_space<hbm>> -> memref<1x1x2x80xi32, #tpu.memory_space<hbm>>
    %dma_start3A_29 = tpu.memref_squeeze %dma_start3A_28 : memref<1x1x2x80xi32, #tpu.memory_space<hbm>> -> memref<2x80xi32, #tpu.memory_space<hbm>>
    tpu.enqueue_dma source(%dma_start3A_29 : memref<2x80xi32, #tpu.memory_space<hbm>>) target(%arg7 : memref<2x80xi32, #tpu.memory_space<vmem>>) target_semaphore(%arg14 : memref<!tpu.dma_semaphore, #tpu.memory_space<semaphore_mem>>)
    %dma_start3A_30 = arith.constant 3 : i32
    %dma_start3A_31 = arith.constant 0 : i32
    %dma_start3A_32 = arith.constant 0 : i32
    %dma_start3A_33 = tpu.memref_slice %arg3[%add3A, %dma_start3A_30, %dma_start3A_31, %dma_start3A_32] : memref<32x125x2x80xi32, #tpu.memory_space<hbm>> -> memref<1x1x2x80xi32, #tpu.memory_space<hbm>>
    %dma_start3A_34 = tpu.memref_squeeze %dma_start3A_33 : memref<1x1x2x80xi32, #tpu.memory_space<hbm>> -> memref<2x80xi32, #tpu.memory_space<hbm>>
    %dma_start3A_35 = arith.constant 0 : i32
    %dma_start3A_36 = arith.constant 0 : i32
    %dma_start3A_37 = tpu.memref_slice %arg3[%add3A, %dma_start3A_30, %dma_start3A_35, %dma_start3A_36] : memref<32x125x2x80xi32, #tpu.memory_space<hbm>> -> memref<1x1x2x80xi32, #tpu.memory_space<hbm>>
    %dma_start3A_38 = tpu.memref_squeeze %dma_start3A_37 : memref<1x1x2x80xi32, #tpu.memory_space<hbm>> -> memref<2x80xi32, #tpu.memory_space<hbm>>
    tpu.enqueue_dma source(%dma_start3A_38 : memref<2x80xi32, #tpu.memory_space<hbm>>) target(%arg9 : memref<2x80xi32, #tpu.memory_space<vmem>>) target_semaphore(%arg16 : memref<!tpu.dma_semaphore, #tpu.memory_space<semaphore_mem>>)
    %dma_start3A_39 = arith.constant 0 : i32
    %dma_start3A_40 = arith.constant 0 : i32
    %dma_start3A_41 = tpu.memref_slice %arg6[%dma_start3A_39, %dma_start3A_40] : memref<2x80xi32, #tpu.memory_space<vmem>> -> memref<1x80xi32, #tpu.memory_space<vmem>>
    %dma_start3A_42 = tpu.memref_squeeze %dma_start3A_41 : memref<1x80xi32, #tpu.memory_space<vmem>> -> memref<80xi32, #tpu.memory_space<vmem>>
    %dma_start3A_43 = arith.constant 0 : i32
    %dma_start3A_44 = arith.constant 0 : i32
    %dma_start3A_45 = tpu.memref_slice %arg2[%dma_start3A_43, %dma_start3A_44] : memref<10000x128xf32, #tpu.memory_space<hbm>> -> memref<10000x128xf32, #tpu.memory_space<hbm>>
    tpu.enqueue_indirect_dma source(%dma_start3A_45 : memref<10000x128xf32, #tpu.memory_space<hbm>>) target(%arg10 : memref<80x128xf32, #tpu.memory_space<vmem>>) offsets(%dma_start3A_42 : memref<80xi32, #tpu.memory_space<vmem>>) semaphore(%arg17 : memref<!tpu.dma_semaphore, #tpu.memory_space<semaphore_mem>>)
    %dma_start3A_46 = arith.constant 0 : i32
    %dma_start3A_47 = arith.constant 0 : i32
    %dma_start3A_48 = tpu.memref_slice %arg8[%dma_start3A_46, %dma_start3A_47] : memref<2x80xi32, #tpu.memory_space<vmem>> -> memref<1x80xi32, #tpu.memory_space<vmem>>
    %dma_start3A_49 = tpu.memref_squeeze %dma_start3A_48 : memref<1x80xi32, #tpu.memory_space<vmem>> -> memref<80xi32, #tpu.memory_space<vmem>>
    %dma_start3A_50 = arith.constant 0 : i32
    %dma_start3A_51 = arith.constant 0 : i32
    %dma_start3A_52 = tpu.memref_slice %arg2[%dma_start3A_50, %dma_start3A_51] : memref<10000x128xf32, #tpu.memory_space<hbm>> -> memref<10000x128xf32, #tpu.memory_space<hbm>>
    tpu.enqueue_indirect_dma source(%dma_start3A_52 : memref<10000x128xf32, #tpu.memory_space<hbm>>) target(%arg11 : memref<80x128xf32, #tpu.memory_space<vmem>>) offsets(%dma_start3A_49 : memref<80xi32, #tpu.memory_space<vmem>>) semaphore(%arg18 : memref<!tpu.dma_semaphore, #tpu.memory_space<semaphore_mem>>)
    %barrier3A = arith.constant 0 : index
    tpu.barrier barrier_id(%barrier3A)
    %scan3A = arith.constant 0 : i32
    %scan3A_53 = arith.constant 0 : i32
    %scan3A_54 = arith.constant 31 : i32
    %scan3A_55 = arith.addi %scan3A_53, %scan3A_54 : i32
    %scan3A_56 = arith.constant 1 : i32
    scf.for %scan3A_69 = %scan3A_53 to %scan3A_55 step %scan3A_56  : i32 {
      %mul3A_70 = arith.constant 4 : i32
      %mul3A_71 = arith.muli %mul3A_70, %scan3A_69 : i32
      %add3A_72 = arith.constant 0 : i32
      %add3A_73 = arith.addi %mul3A_71, %add3A_72 : i32
      %dma_wait3A_74 = arith.constant 0 : i32
      %dma_wait3A_75 = arith.constant 0 : i32
      %dma_wait3A_76 = tpu.memref_slice %arg2[%dma_wait3A_74, %dma_wait3A_75] : memref<10000x128xf32, #tpu.memory_space<hbm>> -> memref<80x128xf32, #tpu.memory_space<hbm>>
      %dma_wait3A_77 = arith.constant 0 : i32
      %dma_wait3A_78 = arith.constant 0 : i32
      %dma_wait3A_79 = tpu.memref_slice %arg2[%dma_wait3A_77, %dma_wait3A_78] : memref<10000x128xf32, #tpu.memory_space<hbm>> -> memref<80x128xf32, #tpu.memory_space<hbm>>
      tpu.wait_dma2 semaphore(%arg17 : memref<!tpu.dma_semaphore, #tpu.memory_space<semaphore_mem>>) src(%dma_wait3A_79 : memref<80x128xf32, #tpu.memory_space<hbm>>) dst(%arg10 : memref<80x128xf32, #tpu.memory_space<vmem>>)
      %run_scoped3A_80 = arith.constant 1 : i32
      "tpu.region"() ({
        %run_scoped3A_167 = tpu.sem_alloc : memref<!tpu.dma_semaphore, #tpu.memory_space<semaphore_mem>>
        %dma_start3A_168 = arith.constant 0 : i32
        %dma_start3A_169 = tpu.memref_slice %arg6[%run_scoped3A_80, %dma_start3A_168] : memref<2x80xi32, #tpu.memory_space<vmem>> -> memref<1x80xi32, #tpu.memory_space<vmem>>
        %dma_start3A_170 = tpu.memref_squeeze %dma_start3A_169 : memref<1x80xi32, #tpu.memory_space<vmem>> -> memref<80xi32, #tpu.memory_space<vmem>>
        %dma_start3A_171 = arith.constant 0 : i32
        %dma_start3A_172 = arith.constant 0 : i32
        %dma_start3A_173 = tpu.memref_slice %arg12[%dma_start3A_171, %dma_start3A_172] : memref<10240x128xf32, #tpu.memory_space<vmem_shared>> -> memref<10240x128xf32, #tpu.memory_space<vmem_shared>>
        tpu.enqueue_indirect_dma source(%arg10 : memref<80x128xf32, #tpu.memory_space<vmem>>) target(%dma_start3A_173 : memref<10240x128xf32, #tpu.memory_space<vmem_shared>>) offsets(%dma_start3A_170 : memref<80xi32, #tpu.memory_space<vmem>>) semaphore(%run_scoped3A_167 : memref<!tpu.dma_semaphore, #tpu.memory_space<semaphore_mem>>) {add = true}
        %dma_wait3A_174 = arith.constant 0 : i32
        %dma_wait3A_175 = tpu.memref_slice %arg6[%run_scoped3A_80, %dma_wait3A_174] : memref<2x80xi32, #tpu.memory_space<vmem>> -> memref<1x80xi32, #tpu.memory_space<vmem>>
        %dma_wait3A_176 = tpu.memref_squeeze %dma_wait3A_175 : memref<1x80xi32, #tpu.memory_space<vmem>> -> memref<80xi32, #tpu.memory_space<vmem>>
        %dma_wait3A_177 = arith.constant 0 : i32
        %dma_wait3A_178 = arith.constant 0 : i32
        %dma_wait3A_179 = tpu.memref_slice %arg12[%dma_wait3A_177, %dma_wait3A_178] : memref<10240x128xf32, #tpu.memory_space<vmem_shared>> -> memref<10240x128xf32, #tpu.memory_space<vmem_shared>>
        tpu.wait_indirect_dma semaphore(%run_scoped3A_167 : memref<!tpu.dma_semaphore, #tpu.memory_space<semaphore_mem>>) src(%arg10 : memref<80x128xf32, #tpu.memory_space<vmem>>) dst(%dma_wait3A_179 : memref<10240x128xf32, #tpu.memory_space<vmem_shared>>)
        tpu.yield
      }) : () -> ()
      %add3A_81 = arith.constant 4 : i32
      %add3A_82 = arith.addi %add3A_73, %add3A_81 : i32
      %lt3A = arith.constant 125 : i32
      %lt3A_83 = arith.cmpi slt, %add3A_82, %lt3A : i32
      %convert_element_type3A = arith.extui %lt3A_83 : i1 to i32
      %cond3A = arith.constant 0 : i32
      %cond3A_84 = arith.cmpi ne, %convert_element_type3A, %cond3A : i32
      scf.if %cond3A_84 {
        %add3A_167 = arith.constant 4 : i32
        %add3A_168 = arith.addi %add3A_73, %add3A_167 : i32
        %dma_start3A_169 = arith.constant 0 : i32
        %dma_start3A_170 = arith.constant 0 : i32
        %dma_start3A_171 = tpu.memref_slice %arg3[%add3A, %add3A_168, %dma_start3A_169, %dma_start3A_170] : memref<32x125x2x80xi32, #tpu.memory_space<hbm>> -> memref<1x1x2x80xi32, #tpu.memory_space<hbm>>
        %dma_start3A_172 = tpu.memref_squeeze %dma_start3A_171 : memref<1x1x2x80xi32, #tpu.memory_space<hbm>> -> memref<2x80xi32, #tpu.memory_space<hbm>>
        %dma_start3A_173 = arith.constant 0 : i32
        %dma_start3A_174 = arith.constant 0 : i32
        %dma_start3A_175 = tpu.memref_slice %arg3[%add3A, %add3A_168, %dma_start3A_173, %dma_start3A_174] : memref<32x125x2x80xi32, #tpu.memory_space<hbm>> -> memref<1x1x2x80xi32, #tpu.memory_space<hbm>>
        %dma_start3A_176 = tpu.memref_squeeze %dma_start3A_175 : memref<1x1x2x80xi32, #tpu.memory_space<hbm>> -> memref<2x80xi32, #tpu.memory_space<hbm>>
        tpu.enqueue_dma source(%dma_start3A_176 : memref<2x80xi32, #tpu.memory_space<hbm>>) target(%arg6 : memref<2x80xi32, #tpu.memory_space<vmem>>) target_semaphore(%arg13 : memref<!tpu.dma_semaphore, #tpu.memory_space<semaphore_mem>>)
      } else {
      }
      %add3A_85 = arith.constant 2 : i32
      %add3A_86 = arith.addi %add3A_73, %add3A_85 : i32
      %lt3A_87 = arith.constant 125 : i32
      %lt3A_88 = arith.cmpi slt, %add3A_86, %lt3A_87 : i32
      %convert_element_type3A_89 = arith.extui %lt3A_88 : i1 to i32
      %cond3A_90 = arith.constant 0 : i32
      %cond3A_91 = arith.cmpi ne, %convert_element_type3A_89, %cond3A_90 : i32
      scf.if %cond3A_91 {
        %dma_wait3A_167 = arith.constant 0 : i32
        %dma_wait3A_168 = arith.constant 0 : i32
        %dma_wait3A_169 = arith.constant 0 : i32
        %dma_wait3A_170 = arith.constant 0 : i32
        %dma_wait3A_171 = tpu.memref_slice %arg3[%dma_wait3A_167, %dma_wait3A_168, %dma_wait3A_169, %dma_wait3A_170] : memref<32x125x2x80xi32, #tpu.memory_space<hbm>> -> memref<1x1x2x80xi32, #tpu.memory_space<hbm>>
        %dma_wait3A_172 = tpu.memref_squeeze %dma_wait3A_171 : memref<1x1x2x80xi32, #tpu.memory_space<hbm>> -> memref<2x80xi32, #tpu.memory_space<hbm>>
        %dma_wait3A_173 = arith.constant 0 : i32
        %dma_wait3A_174 = arith.constant 0 : i32
        %dma_wait3A_175 = tpu.memref_slice %arg3[%dma_wait3A_167, %dma_wait3A_168, %dma_wait3A_173, %dma_wait3A_174] : memref<32x125x2x80xi32, #tpu.memory_space<hbm>> -> memref<1x1x2x80xi32, #tpu.memory_space<hbm>>
        %dma_wait3A_176 = tpu.memref_squeeze %dma_wait3A_175 : memref<1x1x2x80xi32, #tpu.memory_space<hbm>> -> memref<2x80xi32, #tpu.memory_space<hbm>>
        tpu.wait_dma2 semaphore(%arg14 : memref<!tpu.dma_semaphore, #tpu.memory_space<semaphore_mem>>) src(%dma_wait3A_176 : memref<2x80xi32, #tpu.memory_space<hbm>>) dst(%arg7 : memref<2x80xi32, #tpu.memory_space<vmem>>)
        %dma_start3A_177 = arith.constant 0 : i32
        %dma_start3A_178 = arith.constant 0 : i32
        %dma_start3A_179 = tpu.memref_slice %arg7[%dma_start3A_177, %dma_start3A_178] : memref<2x80xi32, #tpu.memory_space<vmem>> -> memref<1x80xi32, #tpu.memory_space<vmem>>
        %dma_start3A_180 = tpu.memref_squeeze %dma_start3A_179 : memref<1x80xi32, #tpu.memory_space<vmem>> -> memref<80xi32, #tpu.memory_space<vmem>>
        %dma_start3A_181 = arith.constant 0 : i32
        %dma_start3A_182 = arith.constant 0 : i32
        %dma_start3A_183 = tpu.memref_slice %arg2[%dma_start3A_181, %dma_start3A_182] : memref<10000x128xf32, #tpu.memory_space<hbm>> -> memref<10000x128xf32, #tpu.memory_space<hbm>>
        tpu.enqueue_indirect_dma source(%dma_start3A_183 : memref<10000x128xf32, #tpu.memory_space<hbm>>) target(%arg10 : memref<80x128xf32, #tpu.memory_space<vmem>>) offsets(%dma_start3A_180 : memref<80xi32, #tpu.memory_space<vmem>>) semaphore(%arg17 : memref<!tpu.dma_semaphore, #tpu.memory_space<semaphore_mem>>)
      } else {
      }
      %mul3A_92 = arith.constant 4 : i32
      %mul3A_93 = arith.muli %mul3A_92, %scan3A_69 : i32
      %add3A_94 = arith.constant 1 : i32
      %add3A_95 = arith.addi %mul3A_93, %add3A_94 : i32
      %dma_wait3A_96 = arith.constant 0 : i32
      %dma_wait3A_97 = arith.constant 0 : i32
      %dma_wait3A_98 = tpu.memref_slice %arg2[%dma_wait3A_96, %dma_wait3A_97] : memref<10000x128xf32, #tpu.memory_space<hbm>> -> memref<80x128xf32, #tpu.memory_space<hbm>>
      %dma_wait3A_99 = arith.constant 0 : i32
      %dma_wait3A_100 = arith.constant 0 : i32
      %dma_wait3A_101 = tpu.memref_slice %arg2[%dma_wait3A_99, %dma_wait3A_100] : memref<10000x128xf32, #tpu.memory_space<hbm>> -> memref<80x128xf32, #tpu.memory_space<hbm>>
      tpu.wait_dma2 semaphore(%arg18 : memref<!tpu.dma_semaphore, #tpu.memory_space<semaphore_mem>>) src(%dma_wait3A_101 : memref<80x128xf32, #tpu.memory_space<hbm>>) dst(%arg11 : memref<80x128xf32, #tpu.memory_space<vmem>>)
      %run_scoped3A_102 = arith.constant 1 : i32
      "tpu.region"() ({
        %run_scoped3A_167 = tpu.sem_alloc : memref<!tpu.dma_semaphore, #tpu.memory_space<semaphore_mem>>
        %dma_start3A_168 = arith.constant 0 : i32
        %dma_start3A_169 = tpu.memref_slice %arg8[%run_scoped3A_102, %dma_start3A_168] : memref<2x80xi32, #tpu.memory_space<vmem>> -> memref<1x80xi32, #tpu.memory_space<vmem>>
        %dma_start3A_170 = tpu.memref_squeeze %dma_start3A_169 : memref<1x80xi32, #tpu.memory_space<vmem>> -> memref<80xi32, #tpu.memory_space<vmem>>
        %dma_start3A_171 = arith.constant 0 : i32
        %dma_start3A_172 = arith.constant 0 : i32
        %dma_start3A_173 = tpu.memref_slice %arg12[%dma_start3A_171, %dma_start3A_172] : memref<10240x128xf32, #tpu.memory_space<vmem_shared>> -> memref<10240x128xf32, #tpu.memory_space<vmem_shared>>
        tpu.enqueue_indirect_dma source(%arg11 : memref<80x128xf32, #tpu.memory_space<vmem>>) target(%dma_start3A_173 : memref<10240x128xf32, #tpu.memory_space<vmem_shared>>) offsets(%dma_start3A_170 : memref<80xi32, #tpu.memory_space<vmem>>) semaphore(%run_scoped3A_167 : memref<!tpu.dma_semaphore, #tpu.memory_space<semaphore_mem>>) {add = true}
        %dma_wait3A_174 = arith.constant 0 : i32
        %dma_wait3A_175 = tpu.memref_slice %arg8[%run_scoped3A_102, %dma_wait3A_174] : memref<2x80xi32, #tpu.memory_space<vmem>> -> memref<1x80xi32, #tpu.memory_space<vmem>>
        %dma_wait3A_176 = tpu.memref_squeeze %dma_wait3A_175 : memref<1x80xi32, #tpu.memory_space<vmem>> -> memref<80xi32, #tpu.memory_space<vmem>>
        %dma_wait3A_177 = arith.constant 0 : i32
        %dma_wait3A_178 = arith.constant 0 : i32
        %dma_wait3A_179 = tpu.memref_slice %arg12[%dma_wait3A_177, %dma_wait3A_178] : memref<10240x128xf32, #tpu.memory_space<vmem_shared>> -> memref<10240x128xf32, #tpu.memory_space<vmem_shared>>
        tpu.wait_indirect_dma semaphore(%run_scoped3A_167 : memref<!tpu.dma_semaphore, #tpu.memory_space<semaphore_mem>>) src(%arg11 : memref<80x128xf32, #tpu.memory_space<vmem>>) dst(%dma_wait3A_179 : memref<10240x128xf32, #tpu.memory_space<vmem_shared>>)
        tpu.yield
      }) : () -> ()
      %add3A_103 = arith.constant 4 : i32
      %add3A_104 = arith.addi %add3A_95, %add3A_103 : i32
      %lt3A_105 = arith.constant 125 : i32
      %lt3A_106 = arith.cmpi slt, %add3A_104, %lt3A_105 : i32
      %convert_element_type3A_107 = arith.extui %lt3A_106 : i1 to i32
      %cond3A_108 = arith.constant 0 : i32
      %cond3A_109 = arith.cmpi ne, %convert_element_type3A_107, %cond3A_108 : i32
      scf.if %cond3A_109 {
        %add3A_167 = arith.constant 4 : i32
        %add3A_168 = arith.addi %add3A_95, %add3A_167 : i32
        %dma_start3A_169 = arith.constant 0 : i32
        %dma_start3A_170 = arith.constant 0 : i32
        %dma_start3A_171 = tpu.memref_slice %arg3[%add3A, %add3A_168, %dma_start3A_169, %dma_start3A_170] : memref<32x125x2x80xi32, #tpu.memory_space<hbm>> -> memref<1x1x2x80xi32, #tpu.memory_space<hbm>>
        %dma_start3A_172 = tpu.memref_squeeze %dma_start3A_171 : memref<1x1x2x80xi32, #tpu.memory_space<hbm>> -> memref<2x80xi32, #tpu.memory_space<hbm>>
        %dma_start3A_173 = arith.constant 0 : i32
        %dma_start3A_174 = arith.constant 0 : i32
        %dma_start3A_175 = tpu.memref_slice %arg3[%add3A, %add3A_168, %dma_start3A_173, %dma_start3A_174] : memref<32x125x2x80xi32, #tpu.memory_space<hbm>> -> memref<1x1x2x80xi32, #tpu.memory_space<hbm>>
        %dma_start3A_176 = tpu.memref_squeeze %dma_start3A_175 : memref<1x1x2x80xi32, #tpu.memory_space<hbm>> -> memref<2x80xi32, #tpu.memory_space<hbm>>
        tpu.enqueue_dma source(%dma_start3A_176 : memref<2x80xi32, #tpu.memory_space<hbm>>) target(%arg8 : memref<2x80xi32, #tpu.memory_space<vmem>>) target_semaphore(%arg15 : memref<!tpu.dma_semaphore, #tpu.memory_space<semaphore_mem>>)
      } else {
      }
      %add3A_110 = arith.constant 2 : i32
      %add3A_111 = arith.addi %add3A_95, %add3A_110 : i32
      %lt3A_112 = arith.constant 125 : i32
      %lt3A_113 = arith.cmpi slt, %add3A_111, %lt3A_112 : i32
      %convert_element_type3A_114 = arith.extui %lt3A_113 : i1 to i32
      %cond3A_115 = arith.constant 0 : i32
      %cond3A_116 = arith.cmpi ne, %convert_element_type3A_114, %cond3A_115 : i32
      scf.if %cond3A_116 {
        %dma_wait3A_167 = arith.constant 0 : i32
        %dma_wait3A_168 = arith.constant 0 : i32
        %dma_wait3A_169 = arith.constant 0 : i32
        %dma_wait3A_170 = arith.constant 0 : i32
        %dma_wait3A_171 = tpu.memref_slice %arg3[%dma_wait3A_167, %dma_wait3A_168, %dma_wait3A_169, %dma_wait3A_170] : memref<32x125x2x80xi32, #tpu.memory_space<hbm>> -> memref<1x1x2x80xi32, #tpu.memory_space<hbm>>
        %dma_wait3A_172 = tpu.memref_squeeze %dma_wait3A_171 : memref<1x1x2x80xi32, #tpu.memory_space<hbm>> -> memref<2x80xi32, #tpu.memory_space<hbm>>
        %dma_wait3A_173 = arith.constant 0 : i32
        %dma_wait3A_174 = arith.constant 0 : i32
        %dma_wait3A_175 = tpu.memref_slice %arg3[%dma_wait3A_167, %dma_wait3A_168, %dma_wait3A_173, %dma_wait3A_174] : memref<32x125x2x80xi32, #tpu.memory_space<hbm>> -> memref<1x1x2x80xi32, #tpu.memory_space<hbm>>
        %dma_wait3A_176 = tpu.memref_squeeze %dma_wait3A_175 : memref<1x1x2x80xi32, #tpu.memory_space<hbm>> -> memref<2x80xi32, #tpu.memory_space<hbm>>
        tpu.wait_dma2 semaphore(%arg16 : memref<!tpu.dma_semaphore, #tpu.memory_space<semaphore_mem>>) src(%dma_wait3A_176 : memref<2x80xi32, #tpu.memory_space<hbm>>) dst(%arg9 : memref<2x80xi32, #tpu.memory_space<vmem>>)
        %dma_start3A_177 = arith.constant 0 : i32
        %dma_start3A_178 = arith.constant 0 : i32
        %dma_start3A_179 = tpu.memref_slice %arg9[%dma_start3A_177, %dma_start3A_178] : memref<2x80xi32, #tpu.memory_space<vmem>> -> memref<1x80xi32, #tpu.memory_space<vmem>>
        %dma_start3A_180 = tpu.memref_squeeze %dma_start3A_179 : memref<1x80xi32, #tpu.memory_space<vmem>> -> memref<80xi32, #tpu.memory_space<vmem>>
        %dma_start3A_181 = arith.constant 0 : i32
        %dma_start3A_182 = arith.constant 0 : i32
        %dma_start3A_183 = tpu.memref_slice %arg2[%dma_start3A_181, %dma_start3A_182] : memref<10000x128xf32, #tpu.memory_space<hbm>> -> memref<10000x128xf32, #tpu.memory_space<hbm>>
        tpu.enqueue_indirect_dma source(%dma_start3A_183 : memref<10000x128xf32, #tpu.memory_space<hbm>>) target(%arg11 : memref<80x128xf32, #tpu.memory_space<vmem>>) offsets(%dma_start3A_180 : memref<80xi32, #tpu.memory_space<vmem>>) semaphore(%arg18 : memref<!tpu.dma_semaphore, #tpu.memory_space<semaphore_mem>>)
      } else {
      }
      %mul3A_117 = arith.constant 4 : i32
      %mul3A_118 = arith.muli %mul3A_117, %scan3A_69 : i32
      %add3A_119 = arith.constant 2 : i32
      %add3A_120 = arith.addi %mul3A_118, %add3A_119 : i32
      %dma_wait3A_121 = arith.constant 0 : i32
      %dma_wait3A_122 = arith.constant 0 : i32
      %dma_wait3A_123 = tpu.memref_slice %arg2[%dma_wait3A_121, %dma_wait3A_122] : memref<10000x128xf32, #tpu.memory_space<hbm>> -> memref<80x128xf32, #tpu.memory_space<hbm>>
      %dma_wait3A_124 = arith.constant 0 : i32
      %dma_wait3A_125 = arith.constant 0 : i32
      %dma_wait3A_126 = tpu.memref_slice %arg2[%dma_wait3A_124, %dma_wait3A_125] : memref<10000x128xf32, #tpu.memory_space<hbm>> -> memref<80x128xf32, #tpu.memory_space<hbm>>
      tpu.wait_dma2 semaphore(%arg17 : memref<!tpu.dma_semaphore, #tpu.memory_space<semaphore_mem>>) src(%dma_wait3A_126 : memref<80x128xf32, #tpu.memory_space<hbm>>) dst(%arg10 : memref<80x128xf32, #tpu.memory_space<vmem>>)
      %run_scoped3A_127 = arith.constant 1 : i32
      "tpu.region"() ({
        %run_scoped3A_167 = tpu.sem_alloc : memref<!tpu.dma_semaphore, #tpu.memory_space<semaphore_mem>>
        %dma_start3A_168 = arith.constant 0 : i32
        %dma_start3A_169 = tpu.memref_slice %arg7[%run_scoped3A_127, %dma_start3A_168] : memref<2x80xi32, #tpu.memory_space<vmem>> -> memref<1x80xi32, #tpu.memory_space<vmem>>
        %dma_start3A_170 = tpu.memref_squeeze %dma_start3A_169 : memref<1x80xi32, #tpu.memory_space<vmem>> -> memref<80xi32, #tpu.memory_space<vmem>>
        %dma_start3A_171 = arith.constant 0 : i32
        %dma_start3A_172 = arith.constant 0 : i32
        %dma_start3A_173 = tpu.memref_slice %arg12[%dma_start3A_171, %dma_start3A_172] : memref<10240x128xf32, #tpu.memory_space<vmem_shared>> -> memref<10240x128xf32, #tpu.memory_space<vmem_shared>>
        tpu.enqueue_indirect_dma source(%arg10 : memref<80x128xf32, #tpu.memory_space<vmem>>) target(%dma_start3A_173 : memref<10240x128xf32, #tpu.memory_space<vmem_shared>>) offsets(%dma_start3A_170 : memref<80xi32, #tpu.memory_space<vmem>>) semaphore(%run_scoped3A_167 : memref<!tpu.dma_semaphore, #tpu.memory_space<semaphore_mem>>) {add = true}
        %dma_wait3A_174 = arith.constant 0 : i32
        %dma_wait3A_175 = tpu.memref_slice %arg7[%run_scoped3A_127, %dma_wait3A_174] : memref<2x80xi32, #tpu.memory_space<vmem>> -> memref<1x80xi32, #tpu.memory_space<vmem>>
        %dma_wait3A_176 = tpu.memref_squeeze %dma_wait3A_175 : memref<1x80xi32, #tpu.memory_space<vmem>> -> memref<80xi32, #tpu.memory_space<vmem>>
        %dma_wait3A_177 = arith.constant 0 : i32
        %dma_wait3A_178 = arith.constant 0 : i32
        %dma_wait3A_179 = tpu.memref_slice %arg12[%dma_wait3A_177, %dma_wait3A_178] : memref<10240x128xf32, #tpu.memory_space<vmem_shared>> -> memref<10240x128xf32, #tpu.memory_space<vmem_shared>>
        tpu.wait_indirect_dma semaphore(%run_scoped3A_167 : memref<!tpu.dma_semaphore, #tpu.memory_space<semaphore_mem>>) src(%arg10 : memref<80x128xf32, #tpu.memory_space<vmem>>) dst(%dma_wait3A_179 : memref<10240x128xf32, #tpu.memory_space<vmem_shared>>)
        tpu.yield
      }) : () -> ()
      %add3A_128 = arith.constant 4 : i32
      %add3A_129 = arith.addi %add3A_120, %add3A_128 : i32
      %lt3A_130 = arith.constant 125 : i32
      %lt3A_131 = arith.cmpi slt, %add3A_129, %lt3A_130 : i32
      %convert_element_type3A_132 = arith.extui %lt3A_131 : i1 to i32
      %cond3A_133 = arith.constant 0 : i32
      %cond3A_134 = arith.cmpi ne, %convert_element_type3A_132, %cond3A_133 : i32
      scf.if %cond3A_134 {
        %add3A_167 = arith.constant 4 : i32
        %add3A_168 = arith.addi %add3A_120, %add3A_167 : i32
        %dma_start3A_169 = arith.constant 0 : i32
        %dma_start3A_170 = arith.constant 0 : i32
        %dma_start3A_171 = tpu.memref_slice %arg3[%add3A, %add3A_168, %dma_start3A_169, %dma_start3A_170] : memref<32x125x2x80xi32, #tpu.memory_space<hbm>> -> memref<1x1x2x80xi32, #tpu.memory_space<hbm>>
        %dma_start3A_172 = tpu.memref_squeeze %dma_start3A_171 : memref<1x1x2x80xi32, #tpu.memory_space<hbm>> -> memref<2x80xi32, #tpu.memory_space<hbm>>
        %dma_start3A_173 = arith.constant 0 : i32
        %dma_start3A_174 = arith.constant 0 : i32
        %dma_start3A_175 = tpu.memref_slice %arg3[%add3A, %add3A_168, %dma_start3A_173, %dma_start3A_174] : memref<32x125x2x80xi32, #tpu.memory_space<hbm>> -> memref<1x1x2x80xi32, #tpu.memory_space<hbm>>
        %dma_start3A_176 = tpu.memref_squeeze %dma_start3A_175 : memref<1x1x2x80xi32, #tpu.memory_space<hbm>> -> memref<2x80xi32, #tpu.memory_space<hbm>>
        tpu.enqueue_dma source(%dma_start3A_176 : memref<2x80xi32, #tpu.memory_space<hbm>>) target(%arg7 : memref<2x80xi32, #tpu.memory_space<vmem>>) target_semaphore(%arg14 : memref<!tpu.dma_semaphore, #tpu.memory_space<semaphore_mem>>)
      } else {
      }
      %add3A_135 = arith.constant 2 : i32
      %add3A_136 = arith.addi %add3A_120, %add3A_135 : i32
      %lt3A_137 = arith.constant 125 : i32
      %lt3A_138 = arith.cmpi slt, %add3A_136, %lt3A_137 : i32
      %convert_element_type3A_139 = arith.extui %lt3A_138 : i1 to i32
      %cond3A_140 = arith.constant 0 : i32
      %cond3A_141 = arith.cmpi ne, %convert_element_type3A_139, %cond3A_140 : i32
      scf.if %cond3A_141 {
        %dma_wait3A_167 = arith.constant 0 : i32
        %dma_wait3A_168 = arith.constant 0 : i32
        %dma_wait3A_169 = arith.constant 0 : i32
        %dma_wait3A_170 = arith.constant 0 : i32
        %dma_wait3A_171 = tpu.memref_slice %arg3[%dma_wait3A_167, %dma_wait3A_168, %dma_wait3A_169, %dma_wait3A_170] : memref<32x125x2x80xi32, #tpu.memory_space<hbm>> -> memref<1x1x2x80xi32, #tpu.memory_space<hbm>>
        %dma_wait3A_172 = tpu.memref_squeeze %dma_wait3A_171 : memref<1x1x2x80xi32, #tpu.memory_space<hbm>> -> memref<2x80xi32, #tpu.memory_space<hbm>>
        %dma_wait3A_173 = arith.constant 0 : i32
        %dma_wait3A_174 = arith.constant 0 : i32
        %dma_wait3A_175 = tpu.memref_slice %arg3[%dma_wait3A_167, %dma_wait3A_168, %dma_wait3A_173, %dma_wait3A_174] : memref<32x125x2x80xi32, #tpu.memory_space<hbm>> -> memref<1x1x2x80xi32, #tpu.memory_space<hbm>>
        %dma_wait3A_176 = tpu.memref_squeeze %dma_wait3A_175 : memref<1x1x2x80xi32, #tpu.memory_space<hbm>> -> memref<2x80xi32, #tpu.memory_space<hbm>>
        tpu.wait_dma2 semaphore(%arg13 : memref<!tpu.dma_semaphore, #tpu.memory_space<semaphore_mem>>) src(%dma_wait3A_176 : memref<2x80xi32, #tpu.memory_space<hbm>>) dst(%arg6 : memref<2x80xi32, #tpu.memory_space<vmem>>)
        %dma_start3A_177 = arith.constant 0 : i32
        %dma_start3A_178 = arith.constant 0 : i32
        %dma_start3A_179 = tpu.memref_slice %arg6[%dma_start3A_177, %dma_start3A_178] : memref<2x80xi32, #tpu.memory_space<vmem>> -> memref<1x80xi32, #tpu.memory_space<vmem>>
        %dma_start3A_180 = tpu.memref_squeeze %dma_start3A_179 : memref<1x80xi32, #tpu.memory_space<vmem>> -> memref<80xi32, #tpu.memory_space<vmem>>
        %dma_start3A_181 = arith.constant 0 : i32
        %dma_start3A_182 = arith.constant 0 : i32
        %dma_start3A_183 = tpu.memref_slice %arg2[%dma_start3A_181, %dma_start3A_182] : memref<10000x128xf32, #tpu.memory_space<hbm>> -> memref<10000x128xf32, #tpu.memory_space<hbm>>
        tpu.enqueue_indirect_dma source(%dma_start3A_183 : memref<10000x128xf32, #tpu.memory_space<hbm>>) target(%arg10 : memref<80x128xf32, #tpu.memory_space<vmem>>) offsets(%dma_start3A_180 : memref<80xi32, #tpu.memory_space<vmem>>) semaphore(%arg17 : memref<!tpu.dma_semaphore, #tpu.memory_space<semaphore_mem>>)
      } else {
      }
      %mul3A_142 = arith.constant 4 : i32
      %mul3A_143 = arith.muli %mul3A_142, %scan3A_69 : i32
      %add3A_144 = arith.constant 3 : i32
      %add3A_145 = arith.addi %mul3A_143, %add3A_144 : i32
      %dma_wait3A_146 = arith.constant 0 : i32
      %dma_wait3A_147 = arith.constant 0 : i32
      %dma_wait3A_148 = tpu.memref_slice %arg2[%dma_wait3A_146, %dma_wait3A_147] : memref<10000x128xf32, #tpu.memory_space<hbm>> -> memref<80x128xf32, #tpu.memory_space<hbm>>
      %dma_wait3A_149 = arith.constant 0 : i32
      %dma_wait3A_150 = arith.constant 0 : i32
      %dma_wait3A_151 = tpu.memref_slice %arg2[%dma_wait3A_149, %dma_wait3A_150] : memref<10000x128xf32, #tpu.memory_space<hbm>> -> memref<80x128xf32, #tpu.memory_space<hbm>>
      tpu.wait_dma2 semaphore(%arg18 : memref<!tpu.dma_semaphore, #tpu.memory_space<semaphore_mem>>) src(%dma_wait3A_151 : memref<80x128xf32, #tpu.memory_space<hbm>>) dst(%arg11 : memref<80x128xf32, #tpu.memory_space<vmem>>)
      %run_scoped3A_152 = arith.constant 1 : i32
      "tpu.region"() ({
        %run_scoped3A_167 = tpu.sem_alloc : memref<!tpu.dma_semaphore, #tpu.memory_space<semaphore_mem>>
        %dma_start3A_168 = arith.constant 0 : i32
        %dma_start3A_169 = tpu.memref_slice %arg9[%run_scoped3A_152, %dma_start3A_168] : memref<2x80xi32, #tpu.memory_space<vmem>> -> memref<1x80xi32, #tpu.memory_space<vmem>>
        %dma_start3A_170 = tpu.memref_squeeze %dma_start3A_169 : memref<1x80xi32, #tpu.memory_space<vmem>> -> memref<80xi32, #tpu.memory_space<vmem>>
        %dma_start3A_171 = arith.constant 0 : i32
        %dma_start3A_172 = arith.constant 0 : i32
        %dma_start3A_173 = tpu.memref_slice %arg12[%dma_start3A_171, %dma_start3A_172] : memref<10240x128xf32, #tpu.memory_space<vmem_shared>> -> memref<10240x128xf32, #tpu.memory_space<vmem_shared>>
        tpu.enqueue_indirect_dma source(%arg11 : memref<80x128xf32, #tpu.memory_space<vmem>>) target(%dma_start3A_173 : memref<10240x128xf32, #tpu.memory_space<vmem_shared>>) offsets(%dma_start3A_170 : memref<80xi32, #tpu.memory_space<vmem>>) semaphore(%run_scoped3A_167 : memref<!tpu.dma_semaphore, #tpu.memory_space<semaphore_mem>>) {add = true}
        %dma_wait3A_174 = arith.constant 0 : i32
        %dma_wait3A_175 = tpu.memref_slice %arg9[%run_scoped3A_152, %dma_wait3A_174] : memref<2x80xi32, #tpu.memory_space<vmem>> -> memref<1x80xi32, #tpu.memory_space<vmem>>
        %dma_wait3A_176 = tpu.memref_squeeze %dma_wait3A_175 : memref<1x80xi32, #tpu.memory_space<vmem>> -> memref<80xi32, #tpu.memory_space<vmem>>
        %dma_wait3A_177 = arith.constant 0 : i32
        %dma_wait3A_178 = arith.constant 0 : i32
        %dma_wait3A_179 = tpu.memref_slice %arg12[%dma_wait3A_177, %dma_wait3A_178] : memref<10240x128xf32, #tpu.memory_space<vmem_shared>> -> memref<10240x128xf32, #tpu.memory_space<vmem_shared>>
        tpu.wait_indirect_dma semaphore(%run_scoped3A_167 : memref<!tpu.dma_semaphore, #tpu.memory_space<semaphore_mem>>) src(%arg11 : memref<80x128xf32, #tpu.memory_space<vmem>>) dst(%dma_wait3A_179 : memref<10240x128xf32, #tpu.memory_space<vmem_shared>>)
        tpu.yield
      }) : () -> ()
      %add3A_153 = arith.constant 4 : i32
      %add3A_154 = arith.addi %add3A_145, %add3A_153 : i32
      %lt3A_155 = arith.constant 125 : i32
      %lt3A_156 = arith.cmpi slt, %add3A_154, %lt3A_155 : i32
      %convert_element_type3A_157 = arith.extui %lt3A_156 : i1 to i32
      %cond3A_158 = arith.constant 0 : i32
      %cond3A_159 = arith.cmpi ne, %convert_element_type3A_157, %cond3A_158 : i32
      scf.if %cond3A_159 {
        %add3A_167 = arith.constant 4 : i32
        %add3A_168 = arith.addi %add3A_145, %add3A_167 : i32
        %dma_start3A_169 = arith.constant 0 : i32
        %dma_start3A_170 = arith.constant 0 : i32
        %dma_start3A_171 = tpu.memref_slice %arg3[%add3A, %add3A_168, %dma_start3A_169, %dma_start3A_170] : memref<32x125x2x80xi32, #tpu.memory_space<hbm>> -> memref<1x1x2x80xi32, #tpu.memory_space<hbm>>
        %dma_start3A_172 = tpu.memref_squeeze %dma_start3A_171 : memref<1x1x2x80xi32, #tpu.memory_space<hbm>> -> memref<2x80xi32, #tpu.memory_space<hbm>>
        %dma_start3A_173 = arith.constant 0 : i32
        %dma_start3A_174 = arith.constant 0 : i32
        %dma_start3A_175 = tpu.memref_slice %arg3[%add3A, %add3A_168, %dma_start3A_173, %dma_start3A_174] : memref<32x125x2x80xi32, #tpu.memory_space<hbm>> -> memref<1x1x2x80xi32, #tpu.memory_space<hbm>>
        %dma_start3A_176 = tpu.memref_squeeze %dma_start3A_175 : memref<1x1x2x80xi32, #tpu.memory_space<hbm>> -> memref<2x80xi32, #tpu.memory_space<hbm>>
        tpu.enqueue_dma source(%dma_start3A_176 : memref<2x80xi32, #tpu.memory_space<hbm>>) target(%arg9 : memref<2x80xi32, #tpu.memory_space<vmem>>) target_semaphore(%arg16 : memref<!tpu.dma_semaphore, #tpu.memory_space<semaphore_mem>>)
      } else {
      }
      %add3A_160 = arith.constant 2 : i32
      %add3A_161 = arith.addi %add3A_145, %add3A_160 : i32
      %lt3A_162 = arith.constant 125 : i32
      %lt3A_163 = arith.cmpi slt, %add3A_161, %lt3A_162 : i32
      %convert_element_type3A_164 = arith.extui %lt3A_163 : i1 to i32
      %cond3A_165 = arith.constant 0 : i32
      %cond3A_166 = arith.cmpi ne, %convert_element_type3A_164, %cond3A_165 : i32
      scf.if %cond3A_166 {
        %dma_wait3A_167 = arith.constant 0 : i32
        %dma_wait3A_168 = arith.constant 0 : i32
        %dma_wait3A_169 = arith.constant 0 : i32
        %dma_wait3A_170 = arith.constant 0 : i32
        %dma_wait3A_171 = tpu.memref_slice %arg3[%dma_wait3A_167, %dma_wait3A_168, %dma_wait3A_169, %dma_wait3A_170] : memref<32x125x2x80xi32, #tpu.memory_space<hbm>> -> memref<1x1x2x80xi32, #tpu.memory_space<hbm>>
        %dma_wait3A_172 = tpu.memref_squeeze %dma_wait3A_171 : memref<1x1x2x80xi32, #tpu.memory_space<hbm>> -> memref<2x80xi32, #tpu.memory_space<hbm>>
        %dma_wait3A_173 = arith.constant 0 : i32
        %dma_wait3A_174 = arith.constant 0 : i32
        %dma_wait3A_175 = tpu.memref_slice %arg3[%dma_wait3A_167, %dma_wait3A_168, %dma_wait3A_173, %dma_wait3A_174] : memref<32x125x2x80xi32, #tpu.memory_space<hbm>> -> memref<1x1x2x80xi32, #tpu.memory_space<hbm>>
        %dma_wait3A_176 = tpu.memref_squeeze %dma_wait3A_175 : memref<1x1x2x80xi32, #tpu.memory_space<hbm>> -> memref<2x80xi32, #tpu.memory_space<hbm>>
        tpu.wait_dma2 semaphore(%arg15 : memref<!tpu.dma_semaphore, #tpu.memory_space<semaphore_mem>>) src(%dma_wait3A_176 : memref<2x80xi32, #tpu.memory_space<hbm>>) dst(%arg8 : memref<2x80xi32, #tpu.memory_space<vmem>>)
        %dma_start3A_177 = arith.constant 0 : i32
        %dma_start3A_178 = arith.constant 0 : i32
        %dma_start3A_179 = tpu.memref_slice %arg8[%dma_start3A_177, %dma_start3A_178] : memref<2x80xi32, #tpu.memory_space<vmem>> -> memref<1x80xi32, #tpu.memory_space<vmem>>
        %dma_start3A_180 = tpu.memref_squeeze %dma_start3A_179 : memref<1x80xi32, #tpu.memory_space<vmem>> -> memref<80xi32, #tpu.memory_space<vmem>>
        %dma_start3A_181 = arith.constant 0 : i32
        %dma_start3A_182 = arith.constant 0 : i32
        %dma_start3A_183 = tpu.memref_slice %arg2[%dma_start3A_181, %dma_start3A_182] : memref<10000x128xf32, #tpu.memory_space<hbm>> -> memref<10000x128xf32, #tpu.memory_space<hbm>>
        tpu.enqueue_indirect_dma source(%dma_start3A_183 : memref<10000x128xf32, #tpu.memory_space<hbm>>) target(%arg11 : memref<80x128xf32, #tpu.memory_space<vmem>>) offsets(%dma_start3A_180 : memref<80xi32, #tpu.memory_space<vmem>>) semaphore(%arg18 : memref<!tpu.dma_semaphore, #tpu.memory_space<semaphore_mem>>)
      } else {
      }
    }
    %scan3A_57 = arith.constant 31 : i32
    %dma_wait3A = arith.constant 0 : i32
    %dma_wait3A_58 = arith.constant 0 : i32
    %dma_wait3A_59 = tpu.memref_slice %arg2[%dma_wait3A, %dma_wait3A_58] : memref<10000x128xf32, #tpu.memory_space<hbm>> -> memref<80x128xf32, #tpu.memory_space<hbm>>
    %dma_wait3A_60 = arith.constant 0 : i32
    %dma_wait3A_61 = arith.constant 0 : i32
    %dma_wait3A_62 = tpu.memref_slice %arg2[%dma_wait3A_60, %dma_wait3A_61] : memref<10000x128xf32, #tpu.memory_space<hbm>> -> memref<80x128xf32, #tpu.memory_space<hbm>>
    tpu.wait_dma2 semaphore(%arg17 : memref<!tpu.dma_semaphore, #tpu.memory_space<semaphore_mem>>) src(%dma_wait3A_62 : memref<80x128xf32, #tpu.memory_space<hbm>>) dst(%arg10 : memref<80x128xf32, #tpu.memory_space<vmem>>)
    %run_scoped3A_63 = arith.constant 1 : i32
    "tpu.region"() ({
      %run_scoped3A_69 = tpu.sem_alloc : memref<!tpu.dma_semaphore, #tpu.memory_space<semaphore_mem>>
      %dma_start3A_70 = arith.constant 0 : i32
      %dma_start3A_71 = tpu.memref_slice %arg6[%run_scoped3A_63, %dma_start3A_70] : memref<2x80xi32, #tpu.memory_space<vmem>> -> memref<1x80xi32, #tpu.memory_space<vmem>>
      %dma_start3A_72 = tpu.memref_squeeze %dma_start3A_71 : memref<1x80xi32, #tpu.memory_space<vmem>> -> memref<80xi32, #tpu.memory_space<vmem>>
      %dma_start3A_73 = arith.constant 0 : i32
      %dma_start3A_74 = arith.constant 0 : i32
      %dma_start3A_75 = tpu.memref_slice %arg12[%dma_start3A_73, %dma_start3A_74] : memref<10240x128xf32, #tpu.memory_space<vmem_shared>> -> memref<10240x128xf32, #tpu.memory_space<vmem_shared>>
      tpu.enqueue_indirect_dma source(%arg10 : memref<80x128xf32, #tpu.memory_space<vmem>>) target(%dma_start3A_75 : memref<10240x128xf32, #tpu.memory_space<vmem_shared>>) offsets(%dma_start3A_72 : memref<80xi32, #tpu.memory_space<vmem>>) semaphore(%run_scoped3A_69 : memref<!tpu.dma_semaphore, #tpu.memory_space<semaphore_mem>>) {add = true}
      %dma_wait3A_76 = arith.constant 0 : i32
      %dma_wait3A_77 = tpu.memref_slice %arg6[%run_scoped3A_63, %dma_wait3A_76] : memref<2x80xi32, #tpu.memory_space<vmem>> -> memref<1x80xi32, #tpu.memory_space<vmem>>
      %dma_wait3A_78 = tpu.memref_squeeze %dma_wait3A_77 : memref<1x80xi32, #tpu.memory_space<vmem>> -> memref<80xi32, #tpu.memory_space<vmem>>
      %dma_wait3A_79 = arith.constant 0 : i32
      %dma_wait3A_80 = arith.constant 0 : i32
      %dma_wait3A_81 = tpu.memref_slice %arg12[%dma_wait3A_79, %dma_wait3A_80] : memref<10240x128xf32, #tpu.memory_space<vmem_shared>> -> memref<10240x128xf32, #tpu.memory_space<vmem_shared>>
      tpu.wait_indirect_dma semaphore(%run_scoped3A_69 : memref<!tpu.dma_semaphore, #tpu.memory_space<semaphore_mem>>) src(%arg10 : memref<80x128xf32, #tpu.memory_space<vmem>>) dst(%dma_wait3A_81 : memref<10240x128xf32, #tpu.memory_space<vmem_shared>>)
      tpu.yield
    }) : () -> ()
    %barrier3A_64 = arith.constant 0 : index
    tpu.barrier barrier_id(%barrier3A_64)
    %mul3A_65 = arith.constant 640 : i32
    %mul3A_66 = arith.muli %arg1, %mul3A_65 : i32
    %mul3A_67 = arith.constant 640 : i32
    %mul3A_68 = arith.muli %arg1, %mul3A_67 : i32
    "tpu.region"() ({
      %run_scoped3A_69 = tpu.sem_alloc : memref<!tpu.dma_semaphore, #tpu.memory_space<semaphore_mem>>
      %dma_start3A_70 = arith.constant 0 : i32
      %dma_start3A_71 = tpu.memref_slice %arg5[%arg0, %mul3A_68, %dma_start3A_70] : memref<2x10240x128xf32, #tpu.memory_space<hbm>> -> memref<1x640x128xf32, #tpu.memory_space<hbm>>
      %dma_start3A_72 = tpu.memref_squeeze %dma_start3A_71 : memref<1x640x128xf32, #tpu.memory_space<hbm>> -> memref<640x128xf32, #tpu.memory_space<hbm>>
      %dma_start3A_73 = arith.constant 0 : i32
      %dma_start3A_74 = tpu.memref_slice %arg12[%mul3A_66, %dma_start3A_73] : memref<10240x128xf32, #tpu.memory_space<vmem_shared>> -> memref<640x128xf32, #tpu.memory_space<vmem_shared>>
      tpu.enqueue_dma source(%dma_start3A_74 : memref<640x128xf32, #tpu.memory_space<vmem_shared>>) target(%dma_start3A_72 : memref<640x128xf32, #tpu.memory_space<hbm>>) target_semaphore(%run_scoped3A_69 : memref<!tpu.dma_semaphore, #tpu.memory_space<semaphore_mem>>)
      %dma_wait3A_75 = arith.constant 0 : i32
      %dma_wait3A_76 = tpu.memref_slice %arg5[%arg0, %mul3A_68, %dma_wait3A_75] : memref<2x10240x128xf32, #tpu.memory_space<hbm>> -> memref<1x640x128xf32, #tpu.memory_space<hbm>>
      %dma_wait3A_77 = tpu.memref_squeeze %dma_wait3A_76 : memref<1x640x128xf32, #tpu.memory_space<hbm>> -> memref<640x128xf32, #tpu.memory_space<hbm>>
      %dma_wait3A_78 = arith.constant 0 : i32
      %dma_wait3A_79 = tpu.memref_slice %arg12[%mul3A_66, %dma_wait3A_78] : memref<10240x128xf32, #tpu.memory_space<vmem_shared>> -> memref<640x128xf32, #tpu.memory_space<vmem_shared>>
      tpu.wait_dma2 semaphore(%run_scoped3A_69 : memref<!tpu.dma_semaphore, #tpu.memory_space<semaphore_mem>>) src(%dma_wait3A_79 : memref<640x128xf32, #tpu.memory_space<vmem_shared>>) dst(%dma_wait3A_77 : memref<640x128xf32, #tpu.memory_space<hbm>>)
      tpu.yield
    }) : () -> ()
    return
  }
}

#map = affine_map<(d0, d1) -> (0, 0, 0)>
#map1 = affine_map<(d0, d1) -> (0)>
module attributes {stable_mosaic.version = 14 : i64} {
  func.func @deg_kernel(%arg0: i32, %arg1: i32, %arg2: memref<32x80x128xi32, #tpu.memory_space<hbm>>, %arg3: memref<32x80x128xi32, #tpu.memory_space<hbm>>, %arg4: memref<128xf32, #tpu.memory_space<hbm>>, %arg5: memref<640xf32, #tpu.memory_space<hbm>>, %arg6: memref<2x2x10240xf32, #tpu.memory_space<hbm>>, %arg7: memref<80x128xi32, #tpu.memory_space<vmem>>, %arg8: memref<80x128xi32, #tpu.memory_space<vmem>>, %arg9: memref<128xf32, #tpu.memory_space<vmem>>, %arg10: memref<10240xf32, #tpu.memory_space<vmem_shared>>, %arg11: memref<10240xf32, #tpu.memory_space<vmem_shared>>, %arg12: memref<!tpu.dma_semaphore, #tpu.memory_space<semaphore_mem>>) attributes {dimension_semantics = [#tpu.dimension_semantics<core_parallel>, #tpu.dimension_semantics<subcore_parallel>], iteration_bounds = array<i64: 2, 16>, scalar_prefetch = 0 : i64, scratch_operands = 6 : i64, tpu.core_type = #tpu.core_type<sc_vector_subcore>, window_params = [{transform_indices = #map}, {transform_indices = #map}, {transform_indices = #map1}, {transform_indices = #map1}, {transform_indices = #map}]} {
    %mul3A = arith.constant 2 : i32
    %mul3A_0 = arith.muli %arg1, %mul3A : i32
    %add3A = arith.addi %mul3A_0, %arg0 : i32
    %mul3A_1 = arith.constant 640 : i32
    %mul3A_2 = arith.muli %arg1, %mul3A_1 : i32
    "tpu.region"() ({
      %run_scoped3A_26 = tpu.sem_alloc : memref<!tpu.dma_semaphore, #tpu.memory_space<semaphore_mem>>
      %dma_start3A = tpu.memref_slice %arg10[%mul3A_2] : memref<10240xf32, #tpu.memory_space<vmem_shared>> -> memref<640xf32, #tpu.memory_space<vmem_shared>>
      tpu.enqueue_dma source(%arg5 : memref<640xf32, #tpu.memory_space<hbm>>) target(%dma_start3A : memref<640xf32, #tpu.memory_space<vmem_shared>>) target_semaphore(%run_scoped3A_26 : memref<!tpu.dma_semaphore, #tpu.memory_space<semaphore_mem>>)
      %dma_wait3A = tpu.memref_slice %arg10[%mul3A_2] : memref<10240xf32, #tpu.memory_space<vmem_shared>> -> memref<640xf32, #tpu.memory_space<vmem_shared>>
      tpu.wait_dma2 semaphore(%run_scoped3A_26 : memref<!tpu.dma_semaphore, #tpu.memory_space<semaphore_mem>>) src(%arg5 : memref<640xf32, #tpu.memory_space<hbm>>) dst(%dma_wait3A : memref<640xf32, #tpu.memory_space<vmem_shared>>)
      tpu.yield
    }) : () -> ()
    %mul3A_3 = arith.constant 640 : i32
    %mul3A_4 = arith.muli %arg1, %mul3A_3 : i32
    "tpu.region"() ({
      %run_scoped3A_26 = tpu.sem_alloc : memref<!tpu.dma_semaphore, #tpu.memory_space<semaphore_mem>>
      %dma_start3A = tpu.memref_slice %arg11[%mul3A_4] : memref<10240xf32, #tpu.memory_space<vmem_shared>> -> memref<640xf32, #tpu.memory_space<vmem_shared>>
      tpu.enqueue_dma source(%arg5 : memref<640xf32, #tpu.memory_space<hbm>>) target(%dma_start3A : memref<640xf32, #tpu.memory_space<vmem_shared>>) target_semaphore(%run_scoped3A_26 : memref<!tpu.dma_semaphore, #tpu.memory_space<semaphore_mem>>)
      %dma_wait3A = tpu.memref_slice %arg11[%mul3A_4] : memref<10240xf32, #tpu.memory_space<vmem_shared>> -> memref<640xf32, #tpu.memory_space<vmem_shared>>
      tpu.wait_dma2 semaphore(%run_scoped3A_26 : memref<!tpu.dma_semaphore, #tpu.memory_space<semaphore_mem>>) src(%arg5 : memref<640xf32, #tpu.memory_space<hbm>>) dst(%dma_wait3A : memref<640xf32, #tpu.memory_space<vmem_shared>>)
      tpu.yield
    }) : () -> ()
    "tpu.region"() ({
      %run_scoped3A_26 = tpu.sem_alloc : memref<!tpu.dma_semaphore, #tpu.memory_space<semaphore_mem>>
      %dma_start3A = arith.constant 0 : i32
      %dma_start3A_27 = arith.constant 0 : i32
      %dma_start3A_28 = tpu.memref_slice %arg2[%add3A, %dma_start3A, %dma_start3A_27] : memref<32x80x128xi32, #tpu.memory_space<hbm>> -> memref<1x80x128xi32, #tpu.memory_space<hbm>>
      %dma_start3A_29 = tpu.memref_squeeze %dma_start3A_28 : memref<1x80x128xi32, #tpu.memory_space<hbm>> -> memref<80x128xi32, #tpu.memory_space<hbm>>
      %dma_start3A_30 = arith.constant 0 : i32
      %dma_start3A_31 = arith.constant 0 : i32
      %dma_start3A_32 = tpu.memref_slice %arg2[%add3A, %dma_start3A_30, %dma_start3A_31] : memref<32x80x128xi32, #tpu.memory_space<hbm>> -> memref<1x80x128xi32, #tpu.memory_space<hbm>>
      %dma_start3A_33 = tpu.memref_squeeze %dma_start3A_32 : memref<1x80x128xi32, #tpu.memory_space<hbm>> -> memref<80x128xi32, #tpu.memory_space<hbm>>
      tpu.enqueue_dma source(%dma_start3A_33 : memref<80x128xi32, #tpu.memory_space<hbm>>) target(%arg7 : memref<80x128xi32, #tpu.memory_space<vmem>>) target_semaphore(%run_scoped3A_26 : memref<!tpu.dma_semaphore, #tpu.memory_space<semaphore_mem>>)
      %dma_wait3A = arith.constant 0 : i32
      %dma_wait3A_34 = arith.constant 0 : i32
      %dma_wait3A_35 = tpu.memref_slice %arg2[%add3A, %dma_wait3A, %dma_wait3A_34] : memref<32x80x128xi32, #tpu.memory_space<hbm>> -> memref<1x80x128xi32, #tpu.memory_space<hbm>>
      %dma_wait3A_36 = tpu.memref_squeeze %dma_wait3A_35 : memref<1x80x128xi32, #tpu.memory_space<hbm>> -> memref<80x128xi32, #tpu.memory_space<hbm>>
      %dma_wait3A_37 = arith.constant 0 : i32
      %dma_wait3A_38 = arith.constant 0 : i32
      %dma_wait3A_39 = tpu.memref_slice %arg2[%add3A, %dma_wait3A_37, %dma_wait3A_38] : memref<32x80x128xi32, #tpu.memory_space<hbm>> -> memref<1x80x128xi32, #tpu.memory_space<hbm>>
      %dma_wait3A_40 = tpu.memref_squeeze %dma_wait3A_39 : memref<1x80x128xi32, #tpu.memory_space<hbm>> -> memref<80x128xi32, #tpu.memory_space<hbm>>
      tpu.wait_dma2 semaphore(%run_scoped3A_26 : memref<!tpu.dma_semaphore, #tpu.memory_space<semaphore_mem>>) src(%dma_wait3A_40 : memref<80x128xi32, #tpu.memory_space<hbm>>) dst(%arg7 : memref<80x128xi32, #tpu.memory_space<vmem>>)
      tpu.yield
    }) : () -> ()
    "tpu.region"() ({
      %run_scoped3A_26 = tpu.sem_alloc : memref<!tpu.dma_semaphore, #tpu.memory_space<semaphore_mem>>
      %dma_start3A = arith.constant 0 : i32
      %dma_start3A_27 = arith.constant 0 : i32
      %dma_start3A_28 = tpu.memref_slice %arg3[%add3A, %dma_start3A, %dma_start3A_27] : memref<32x80x128xi32, #tpu.memory_space<hbm>> -> memref<1x80x128xi32, #tpu.memory_space<hbm>>
      %dma_start3A_29 = tpu.memref_squeeze %dma_start3A_28 : memref<1x80x128xi32, #tpu.memory_space<hbm>> -> memref<80x128xi32, #tpu.memory_space<hbm>>
      %dma_start3A_30 = arith.constant 0 : i32
      %dma_start3A_31 = arith.constant 0 : i32
      %dma_start3A_32 = tpu.memref_slice %arg3[%add3A, %dma_start3A_30, %dma_start3A_31] : memref<32x80x128xi32, #tpu.memory_space<hbm>> -> memref<1x80x128xi32, #tpu.memory_space<hbm>>
      %dma_start3A_33 = tpu.memref_squeeze %dma_start3A_32 : memref<1x80x128xi32, #tpu.memory_space<hbm>> -> memref<80x128xi32, #tpu.memory_space<hbm>>
      tpu.enqueue_dma source(%dma_start3A_33 : memref<80x128xi32, #tpu.memory_space<hbm>>) target(%arg8 : memref<80x128xi32, #tpu.memory_space<vmem>>) target_semaphore(%run_scoped3A_26 : memref<!tpu.dma_semaphore, #tpu.memory_space<semaphore_mem>>)
      %dma_wait3A = arith.constant 0 : i32
      %dma_wait3A_34 = arith.constant 0 : i32
      %dma_wait3A_35 = tpu.memref_slice %arg3[%add3A, %dma_wait3A, %dma_wait3A_34] : memref<32x80x128xi32, #tpu.memory_space<hbm>> -> memref<1x80x128xi32, #tpu.memory_space<hbm>>
      %dma_wait3A_36 = tpu.memref_squeeze %dma_wait3A_35 : memref<1x80x128xi32, #tpu.memory_space<hbm>> -> memref<80x128xi32, #tpu.memory_space<hbm>>
      %dma_wait3A_37 = arith.constant 0 : i32
      %dma_wait3A_38 = arith.constant 0 : i32
      %dma_wait3A_39 = tpu.memref_slice %arg3[%add3A, %dma_wait3A_37, %dma_wait3A_38] : memref<32x80x128xi32, #tpu.memory_space<hbm>> -> memref<1x80x128xi32, #tpu.memory_space<hbm>>
      %dma_wait3A_40 = tpu.memref_squeeze %dma_wait3A_39 : memref<1x80x128xi32, #tpu.memory_space<hbm>> -> memref<80x128xi32, #tpu.memory_space<hbm>>
      tpu.wait_dma2 semaphore(%run_scoped3A_26 : memref<!tpu.dma_semaphore, #tpu.memory_space<semaphore_mem>>) src(%dma_wait3A_40 : memref<80x128xi32, #tpu.memory_space<hbm>>) dst(%arg8 : memref<80x128xi32, #tpu.memory_space<vmem>>)
      tpu.yield
    }) : () -> ()
    "tpu.region"() ({
      %run_scoped3A_26 = tpu.sem_alloc : memref<!tpu.dma_semaphore, #tpu.memory_space<semaphore_mem>>
      tpu.enqueue_dma source(%arg4 : memref<128xf32, #tpu.memory_space<hbm>>) target(%arg9 : memref<128xf32, #tpu.memory_space<vmem>>) target_semaphore(%run_scoped3A_26 : memref<!tpu.dma_semaphore, #tpu.memory_space<semaphore_mem>>)
      tpu.wait_dma2 semaphore(%run_scoped3A_26 : memref<!tpu.dma_semaphore, #tpu.memory_space<semaphore_mem>>) src(%arg4 : memref<128xf32, #tpu.memory_space<hbm>>) dst(%arg9 : memref<128xf32, #tpu.memory_space<vmem>>)
      tpu.yield
    }) : () -> ()
    %barrier3A = arith.constant 0 : index
    tpu.barrier barrier_id(%barrier3A)
    %scan3A = arith.constant 0 : i32
    %scan3A_5 = arith.constant 0 : i32
    %scan3A_6 = arith.constant 80 : i32
    %scan3A_7 = arith.addi %scan3A_5, %scan3A_6 : i32
    %scan3A_8 = arith.constant 1 : i32
    scf.for %scan3A_26 = %scan3A_5 to %scan3A_7 step %scan3A_8  : i32 {
      %dma_start3A = arith.constant 0 : i32
      %dma_start3A_27 = tpu.memref_slice %arg7[%scan3A_26, %dma_start3A] : memref<80x128xi32, #tpu.memory_space<vmem>> -> memref<1x128xi32, #tpu.memory_space<vmem>>
      %dma_start3A_28 = tpu.memref_squeeze %dma_start3A_27 : memref<1x128xi32, #tpu.memory_space<vmem>> -> memref<128xi32, #tpu.memory_space<vmem>>
      %dma_start3A_29 = arith.constant 0 : i32
      %dma_start3A_30 = tpu.memref_slice %arg10[%dma_start3A_29] : memref<10240xf32, #tpu.memory_space<vmem_shared>> -> memref<10240xf32, #tpu.memory_space<vmem_shared>>
      tpu.enqueue_indirect_dma source(%arg9 : memref<128xf32, #tpu.memory_space<vmem>>) target(%dma_start3A_30 : memref<10240xf32, #tpu.memory_space<vmem_shared>>) offsets(%dma_start3A_28 : memref<128xi32, #tpu.memory_space<vmem>>) semaphore(%arg12 : memref<!tpu.dma_semaphore, #tpu.memory_space<semaphore_mem>>) {add = true}
      %dma_start3A_31 = arith.constant 0 : i32
      %dma_start3A_32 = tpu.memref_slice %arg8[%scan3A_26, %dma_start3A_31] : memref<80x128xi32, #tpu.memory_space<vmem>> -> memref<1x128xi32, #tpu.memory_space<vmem>>
      %dma_start3A_33 = tpu.memref_squeeze %dma_start3A_32 : memref<1x128xi32, #tpu.memory_space<vmem>> -> memref<128xi32, #tpu.memory_space<vmem>>
      %dma_start3A_34 = arith.constant 0 : i32
      %dma_start3A_35 = tpu.memref_slice %arg11[%dma_start3A_34] : memref<10240xf32, #tpu.memory_space<vmem_shared>> -> memref<10240xf32, #tpu.memory_space<vmem_shared>>
      tpu.enqueue_indirect_dma source(%arg9 : memref<128xf32, #tpu.memory_space<vmem>>) target(%dma_start3A_35 : memref<10240xf32, #tpu.memory_space<vmem_shared>>) offsets(%dma_start3A_33 : memref<128xi32, #tpu.memory_space<vmem>>) semaphore(%arg12 : memref<!tpu.dma_semaphore, #tpu.memory_space<semaphore_mem>>) {add = true}
    }
    %scan3A_9 = arith.constant 80 : i32
    %scan3A_10 = arith.constant 0 : i32
    %scan3A_11 = arith.constant 0 : i32
    %scan3A_12 = arith.constant 160 : i32
    %scan3A_13 = arith.addi %scan3A_11, %scan3A_12 : i32
    %scan3A_14 = arith.constant 1 : i32
    scf.for %scan3A_26 = %scan3A_11 to %scan3A_13 step %scan3A_14  : i32 {
      tpu.wait_dma2 semaphore(%arg12 : memref<!tpu.dma_semaphore, #tpu.memory_space<semaphore_mem>>) src(%arg4 : memref<128xf32, #tpu.memory_space<hbm>>) dst(%arg9 : memref<128xf32, #tpu.memory_space<vmem>>)
    }
    %scan3A_15 = arith.constant 160 : i32
    %barrier3A_16 = arith.constant 0 : index
    tpu.barrier barrier_id(%barrier3A_16)
    %mul3A_17 = arith.constant 640 : i32
    %mul3A_18 = arith.muli %arg1, %mul3A_17 : i32
    %mul3A_19 = arith.constant 640 : i32
    %mul3A_20 = arith.muli %arg1, %mul3A_19 : i32
    %run_scoped3A = arith.constant 0 : i32
    "tpu.region"() ({
      %run_scoped3A_26 = tpu.sem_alloc : memref<!tpu.dma_semaphore, #tpu.memory_space<semaphore_mem>>
      %dma_start3A = tpu.memref_slice %arg6[%arg0, %run_scoped3A, %mul3A_20] : memref<2x2x10240xf32, #tpu.memory_space<hbm>> -> memref<1x1x640xf32, #tpu.memory_space<hbm>>
      %dma_start3A_27 = tpu.memref_squeeze %dma_start3A : memref<1x1x640xf32, #tpu.memory_space<hbm>> -> memref<640xf32, #tpu.memory_space<hbm>>
      %dma_start3A_28 = tpu.memref_slice %arg10[%mul3A_18] : memref<10240xf32, #tpu.memory_space<vmem_shared>> -> memref<640xf32, #tpu.memory_space<vmem_shared>>
      tpu.enqueue_dma source(%dma_start3A_28 : memref<640xf32, #tpu.memory_space<vmem_shared>>) target(%dma_start3A_27 : memref<640xf32, #tpu.memory_space<hbm>>) target_semaphore(%run_scoped3A_26 : memref<!tpu.dma_semaphore, #tpu.memory_space<semaphore_mem>>)
      %dma_wait3A = tpu.memref_slice %arg6[%arg0, %run_scoped3A, %mul3A_20] : memref<2x2x10240xf32, #tpu.memory_space<hbm>> -> memref<1x1x640xf32, #tpu.memory_space<hbm>>
      %dma_wait3A_29 = tpu.memref_squeeze %dma_wait3A : memref<1x1x640xf32, #tpu.memory_space<hbm>> -> memref<640xf32, #tpu.memory_space<hbm>>
      %dma_wait3A_30 = tpu.memref_slice %arg10[%mul3A_18] : memref<10240xf32, #tpu.memory_space<vmem_shared>> -> memref<640xf32, #tpu.memory_space<vmem_shared>>
      tpu.wait_dma2 semaphore(%run_scoped3A_26 : memref<!tpu.dma_semaphore, #tpu.memory_space<semaphore_mem>>) src(%dma_wait3A_30 : memref<640xf32, #tpu.memory_space<vmem_shared>>) dst(%dma_wait3A_29 : memref<640xf32, #tpu.memory_space<hbm>>)
      tpu.yield
    }) : () -> ()
    %mul3A_21 = arith.constant 640 : i32
    %mul3A_22 = arith.muli %arg1, %mul3A_21 : i32
    %mul3A_23 = arith.constant 640 : i32
    %mul3A_24 = arith.muli %arg1, %mul3A_23 : i32
    %run_scoped3A_25 = arith.constant 1 : i32
    "tpu.region"() ({
      %run_scoped3A_26 = tpu.sem_alloc : memref<!tpu.dma_semaphore, #tpu.memory_space<semaphore_mem>>
      %dma_start3A = tpu.memref_slice %arg6[%arg0, %run_scoped3A_25, %mul3A_24] : memref<2x2x10240xf32, #tpu.memory_space<hbm>> -> memref<1x1x640xf32, #tpu.memory_space<hbm>>
      %dma_start3A_27 = tpu.memref_squeeze %dma_start3A : memref<1x1x640xf32, #tpu.memory_space<hbm>> -> memref<640xf32, #tpu.memory_space<hbm>>
      %dma_start3A_28 = tpu.memref_slice %arg11[%mul3A_22] : memref<10240xf32, #tpu.memory_space<vmem_shared>> -> memref<640xf32, #tpu.memory_space<vmem_shared>>
      tpu.enqueue_dma source(%dma_start3A_28 : memref<640xf32, #tpu.memory_space<vmem_shared>>) target(%dma_start3A_27 : memref<640xf32, #tpu.memory_space<hbm>>) target_semaphore(%run_scoped3A_26 : memref<!tpu.dma_semaphore, #tpu.memory_space<semaphore_mem>>)
      %dma_wait3A = tpu.memref_slice %arg6[%arg0, %run_scoped3A_25, %mul3A_24] : memref<2x2x10240xf32, #tpu.memory_space<hbm>> -> memref<1x1x640xf32, #tpu.memory_space<hbm>>
      %dma_wait3A_29 = tpu.memref_squeeze %dma_wait3A : memref<1x1x640xf32, #tpu.memory_space<hbm>> -> memref<640xf32, #tpu.memory_space<hbm>>
      %dma_wait3A_30 = tpu.memref_slice %arg11[%mul3A_22] : memref<10240xf32, #tpu.memory_space<vmem_shared>> -> memref<640xf32, #tpu.memory_space<vmem_shared>>
      tpu.wait_dma2 semaphore(%run_scoped3A_26 : memref<!tpu.dma_semaphore, #tpu.memory_space<semaphore_mem>>) src(%dma_wait3A_30 : memref<640xf32, #tpu.memory_space<vmem_shared>>) dst(%dma_wait3A_29 : memref<640xf32, #tpu.memory_space<hbm>>)
      tpu.yield
    }) : () -> ()
    return
  }
}

#map = affine_map<(d0, d1) -> (0, 0)>
#map1 = affine_map<(d0, d1) -> (0, 0, 0, 0)>
#map2 = affine_map<(d0, d1) -> (0, 0, 0)>
module attributes {stable_mosaic.version = 14 : i64} {
  func.func @scat_kernel(%arg0: i32, %arg1: i32, %arg2: memref<10000x128xf32, #tpu.memory_space<hbm>>, %arg3: memref<32x125x2x80xi32, #tpu.memory_space<hbm>>, %arg4: memref<128x128xf32, #tpu.memory_space<hbm>>, %arg5: memref<2x10240x128xf32, #tpu.memory_space<hbm>>, %arg6: memref<2x80xi32, #tpu.memory_space<vmem>>, %arg7: memref<2x80xi32, #tpu.memory_space<vmem>>, %arg8: memref<2x80xi32, #tpu.memory_space<vmem>>, %arg9: memref<2x80xi32, #tpu.memory_space<vmem>>, %arg10: memref<80x128xf32, #tpu.memory_space<vmem>>, %arg11: memref<80x128xf32, #tpu.memory_space<vmem>>, %arg12: memref<10240x128xf32, #tpu.memory_space<vmem_shared>>, %arg13: memref<!tpu.dma_semaphore, #tpu.memory_space<semaphore_mem>>, %arg14: memref<!tpu.dma_semaphore, #tpu.memory_space<semaphore_mem>>, %arg15: memref<!tpu.dma_semaphore, #tpu.memory_space<semaphore_mem>>, %arg16: memref<!tpu.dma_semaphore, #tpu.memory_space<semaphore_mem>>, %arg17: memref<!tpu.dma_semaphore, #tpu.memory_space<semaphore_mem>>, %arg18: memref<!tpu.dma_semaphore, #tpu.memory_space<semaphore_mem>>) attributes {dimension_semantics = [#tpu.dimension_semantics<core_parallel>, #tpu.dimension_semantics<subcore_parallel>], iteration_bounds = array<i64: 2, 16>, scalar_prefetch = 0 : i64, scratch_operands = 13 : i64, tpu.core_type = #tpu.core_type<sc_vector_subcore>, window_params = [{transform_indices = #map}, {transform_indices = #map1}, {transform_indices = #map}, {transform_indices = #map2}]} {
    %mul3A = arith.constant 2 : i32
    %mul3A_0 = arith.muli %arg1, %mul3A : i32
    %add3A = arith.addi %mul3A_0, %arg0 : i32
    %mul3A_1 = arith.constant 640 : i32
    %mul3A_2 = arith.muli %arg1, %mul3A_1 : i32
    %add3A_3 = arith.constant 0 : i32
    %add3A_4 = arith.addi %mul3A_2, %add3A_3 : i32
    "tpu.region"() ({
      %run_scoped3A_69 = tpu.sem_alloc : memref<!tpu.dma_semaphore, #tpu.memory_space<semaphore_mem>>
      %dma_start3A_70 = arith.constant 0 : i32
      %dma_start3A_71 = tpu.memref_slice %arg12[%add3A_4, %dma_start3A_70] : memref<10240x128xf32, #tpu.memory_space<vmem_shared>> -> memref<128x128xf32, #tpu.memory_space<vmem_shared>>
      tpu.enqueue_dma source(%arg4 : memref<128x128xf32, #tpu.memory_space<hbm>>) target(%dma_start3A_71 : memref<128x128xf32, #tpu.memory_space<vmem_shared>>) target_semaphore(%run_scoped3A_69 : memref<!tpu.dma_semaphore, #tpu.memory_space<semaphore_mem>>)
      %dma_wait3A_72 = arith.constant 0 : i32
      %dma_wait3A_73 = tpu.memref_slice %arg12[%add3A_4, %dma_wait3A_72] : memref<10240x128xf32, #tpu.memory_space<vmem_shared>> -> memref<128x128xf32, #tpu.memory_space<vmem_shared>>
      tpu.wait_dma2 semaphore(%run_scoped3A_69 : memref<!tpu.dma_semaphore, #tpu.memory_space<semaphore_mem>>) src(%arg4 : memref<128x128xf32, #tpu.memory_space<hbm>>) dst(%dma_wait3A_73 : memref<128x128xf32, #tpu.memory_space<vmem_shared>>)
      tpu.yield
    }) : () -> ()
    %mul3A_5 = arith.constant 640 : i32
    %mul3A_6 = arith.muli %arg1, %mul3A_5 : i32
    %add3A_7 = arith.constant 128 : i32
    %add3A_8 = arith.addi %mul3A_6, %add3A_7 : i32
    "tpu.region"() ({
      %run_scoped3A_69 = tpu.sem_alloc : memref<!tpu.dma_semaphore, #tpu.memory_space<semaphore_mem>>
      %dma_start3A_70 = arith.constant 0 : i32
      %dma_start3A_71 = tpu.memref_slice %arg12[%add3A_8, %dma_start3A_70] : memref<10240x128xf32, #tpu.memory_space<vmem_shared>> -> memref<128x128xf32, #tpu.memory_space<vmem_shared>>
      tpu.enqueue_dma source(%arg4 : memref<128x128xf32, #tpu.memory_space<hbm>>) target(%dma_start3A_71 : memref<128x128xf32, #tpu.memory_space<vmem_shared>>) target_semaphore(%run_scoped3A_69 : memref<!tpu.dma_semaphore, #tpu.memory_space<semaphore_mem>>)
      %dma_wait3A_72 = arith.constant 0 : i32
      %dma_wait3A_73 = tpu.memref_slice %arg12[%add3A_8, %dma_wait3A_72] : memref<10240x128xf32, #tpu.memory_space<vmem_shared>> -> memref<128x128xf32, #tpu.memory_space<vmem_shared>>
      tpu.wait_dma2 semaphore(%run_scoped3A_69 : memref<!tpu.dma_semaphore, #tpu.memory_space<semaphore_mem>>) src(%arg4 : memref<128x128xf32, #tpu.memory_space<hbm>>) dst(%dma_wait3A_73 : memref<128x128xf32, #tpu.memory_space<vmem_shared>>)
      tpu.yield
    }) : () -> ()
    %mul3A_9 = arith.constant 640 : i32
    %mul3A_10 = arith.muli %arg1, %mul3A_9 : i32
    %add3A_11 = arith.constant 256 : i32
    %add3A_12 = arith.addi %mul3A_10, %add3A_11 : i32
    "tpu.region"() ({
      %run_scoped3A_69 = tpu.sem_alloc : memref<!tpu.dma_semaphore, #tpu.memory_space<semaphore_mem>>
      %dma_start3A_70 = arith.constant 0 : i32
      %dma_start3A_71 = tpu.memref_slice %arg12[%add3A_12, %dma_start3A_70] : memref<10240x128xf32, #tpu.memory_space<vmem_shared>> -> memref<128x128xf32, #tpu.memory_space<vmem_shared>>
      tpu.enqueue_dma source(%arg4 : memref<128x128xf32, #tpu.memory_space<hbm>>) target(%dma_start3A_71 : memref<128x128xf32, #tpu.memory_space<vmem_shared>>) target_semaphore(%run_scoped3A_69 : memref<!tpu.dma_semaphore, #tpu.memory_space<semaphore_mem>>)
      %dma_wait3A_72 = arith.constant 0 : i32
      %dma_wait3A_73 = tpu.memref_slice %arg12[%add3A_12, %dma_wait3A_72] : memref<10240x128xf32, #tpu.memory_space<vmem_shared>> -> memref<128x128xf32, #tpu.memory_space<vmem_shared>>
      tpu.wait_dma2 semaphore(%run_scoped3A_69 : memref<!tpu.dma_semaphore, #tpu.memory_space<semaphore_mem>>) src(%arg4 : memref<128x128xf32, #tpu.memory_space<hbm>>) dst(%dma_wait3A_73 : memref<128x128xf32, #tpu.memory_space<vmem_shared>>)
      tpu.yield
    }) : () -> ()
    %mul3A_13 = arith.constant 640 : i32
    %mul3A_14 = arith.muli %arg1, %mul3A_13 : i32
    %add3A_15 = arith.constant 384 : i32
    %add3A_16 = arith.addi %mul3A_14, %add3A_15 : i32
    "tpu.region"() ({
      %run_scoped3A_69 = tpu.sem_alloc : memref<!tpu.dma_semaphore, #tpu.memory_space<semaphore_mem>>
      %dma_start3A_70 = arith.constant 0 : i32
      %dma_start3A_71 = tpu.memref_slice %arg12[%add3A_16, %dma_start3A_70] : memref<10240x128xf32, #tpu.memory_space<vmem_shared>> -> memref<128x128xf32, #tpu.memory_space<vmem_shared>>
      tpu.enqueue_dma source(%arg4 : memref<128x128xf32, #tpu.memory_space<hbm>>) target(%dma_start3A_71 : memref<128x128xf32, #tpu.memory_space<vmem_shared>>) target_semaphore(%run_scoped3A_69 : memref<!tpu.dma_semaphore, #tpu.memory_space<semaphore_mem>>)
      %dma_wait3A_72 = arith.constant 0 : i32
      %dma_wait3A_73 = tpu.memref_slice %arg12[%add3A_16, %dma_wait3A_72] : memref<10240x128xf32, #tpu.memory_space<vmem_shared>> -> memref<128x128xf32, #tpu.memory_space<vmem_shared>>
      tpu.wait_dma2 semaphore(%run_scoped3A_69 : memref<!tpu.dma_semaphore, #tpu.memory_space<semaphore_mem>>) src(%arg4 : memref<128x128xf32, #tpu.memory_space<hbm>>) dst(%dma_wait3A_73 : memref<128x128xf32, #tpu.memory_space<vmem_shared>>)
      tpu.yield
    }) : () -> ()
    %mul3A_17 = arith.constant 640 : i32
    %mul3A_18 = arith.muli %arg1, %mul3A_17 : i32
    %add3A_19 = arith.constant 512 : i32
    %add3A_20 = arith.addi %mul3A_18, %add3A_19 : i32
    "tpu.region"() ({
      %run_scoped3A_69 = tpu.sem_alloc : memref<!tpu.dma_semaphore, #tpu.memory_space<semaphore_mem>>
      %dma_start3A_70 = arith.constant 0 : i32
      %dma_start3A_71 = tpu.memref_slice %arg12[%add3A_20, %dma_start3A_70] : memref<10240x128xf32, #tpu.memory_space<vmem_shared>> -> memref<128x128xf32, #tpu.memory_space<vmem_shared>>
      tpu.enqueue_dma source(%arg4 : memref<128x128xf32, #tpu.memory_space<hbm>>) target(%dma_start3A_71 : memref<128x128xf32, #tpu.memory_space<vmem_shared>>) target_semaphore(%run_scoped3A_69 : memref<!tpu.dma_semaphore, #tpu.memory_space<semaphore_mem>>)
      %dma_wait3A_72 = arith.constant 0 : i32
      %dma_wait3A_73 = tpu.memref_slice %arg12[%add3A_20, %dma_wait3A_72] : memref<10240x128xf32, #tpu.memory_space<vmem_shared>> -> memref<128x128xf32, #tpu.memory_space<vmem_shared>>
      tpu.wait_dma2 semaphore(%run_scoped3A_69 : memref<!tpu.dma_semaphore, #tpu.memory_space<semaphore_mem>>) src(%arg4 : memref<128x128xf32, #tpu.memory_space<hbm>>) dst(%dma_wait3A_73 : memref<128x128xf32, #tpu.memory_space<vmem_shared>>)
      tpu.yield
    }) : () -> ()
    %run_scoped3A = arith.constant 0 : i32
    "tpu.region"() ({
      %run_scoped3A_69 = tpu.sem_alloc : memref<!tpu.dma_semaphore, #tpu.memory_space<semaphore_mem>>
      %dma_start3A_70 = arith.constant 0 : i32
      %dma_start3A_71 = arith.constant 0 : i32
      %dma_start3A_72 = tpu.memref_slice %arg3[%add3A, %run_scoped3A, %dma_start3A_70, %dma_start3A_71] : memref<32x125x2x80xi32, #tpu.memory_space<hbm>> -> memref<1x1x2x80xi32, #tpu.memory_space<hbm>>
      %dma_start3A_73 = tpu.memref_squeeze %dma_start3A_72 : memref<1x1x2x80xi32, #tpu.memory_space<hbm>> -> memref<2x80xi32, #tpu.memory_space<hbm>>
      %dma_start3A_74 = arith.constant 0 : i32
      %dma_start3A_75 = arith.constant 0 : i32
      %dma_start3A_76 = tpu.memref_slice %arg3[%add3A, %run_scoped3A, %dma_start3A_74, %dma_start3A_75] : memref<32x125x2x80xi32, #tpu.memory_space<hbm>> -> memref<1x1x2x80xi32, #tpu.memory_space<hbm>>
      %dma_start3A_77 = tpu.memref_squeeze %dma_start3A_76 : memref<1x1x2x80xi32, #tpu.memory_space<hbm>> -> memref<2x80xi32, #tpu.memory_space<hbm>>
      tpu.enqueue_dma source(%dma_start3A_77 : memref<2x80xi32, #tpu.memory_space<hbm>>) target(%arg6 : memref<2x80xi32, #tpu.memory_space<vmem>>) target_semaphore(%run_scoped3A_69 : memref<!tpu.dma_semaphore, #tpu.memory_space<semaphore_mem>>)
      %dma_wait3A_78 = arith.constant 0 : i32
      %dma_wait3A_79 = arith.constant 0 : i32
      %dma_wait3A_80 = tpu.memref_slice %arg3[%add3A, %run_scoped3A, %dma_wait3A_78, %dma_wait3A_79] : memref<32x125x2x80xi32, #tpu.memory_space<hbm>> -> memref<1x1x2x80xi32, #tpu.memory_space<hbm>>
      %dma_wait3A_81 = tpu.memref_squeeze %dma_wait3A_80 : memref<1x1x2x80xi32, #tpu.memory_space<hbm>> -> memref<2x80xi32, #tpu.memory_space<hbm>>
      %dma_wait3A_82 = arith.constant 0 : i32
      %dma_wait3A_83 = arith.constant 0 : i32
      %dma_wait3A_84 = tpu.memref_slice %arg3[%add3A, %run_scoped3A, %dma_wait3A_82, %dma_wait3A_83] : memref<32x125x2x80xi32, #tpu.memory_space<hbm>> -> memref<1x1x2x80xi32, #tpu.memory_space<hbm>>
      %dma_wait3A_85 = tpu.memref_squeeze %dma_wait3A_84 : memref<1x1x2x80xi32, #tpu.memory_space<hbm>> -> memref<2x80xi32, #tpu.memory_space<hbm>>
      tpu.wait_dma2 semaphore(%run_scoped3A_69 : memref<!tpu.dma_semaphore, #tpu.memory_space<semaphore_mem>>) src(%dma_wait3A_85 : memref<2x80xi32, #tpu.memory_space<hbm>>) dst(%arg6 : memref<2x80xi32, #tpu.memory_space<vmem>>)
      tpu.yield
    }) : () -> ()
    %run_scoped3A_21 = arith.constant 1 : i32
    "tpu.region"() ({
      %run_scoped3A_69 = tpu.sem_alloc : memref<!tpu.dma_semaphore, #tpu.memory_space<semaphore_mem>>
      %dma_start3A_70 = arith.constant 0 : i32
      %dma_start3A_71 = arith.constant 0 : i32
      %dma_start3A_72 = tpu.memref_slice %arg3[%add3A, %run_scoped3A_21, %dma_start3A_70, %dma_start3A_71] : memref<32x125x2x80xi32, #tpu.memory_space<hbm>> -> memref<1x1x2x80xi32, #tpu.memory_space<hbm>>
      %dma_start3A_73 = tpu.memref_squeeze %dma_start3A_72 : memref<1x1x2x80xi32, #tpu.memory_space<hbm>> -> memref<2x80xi32, #tpu.memory_space<hbm>>
      %dma_start3A_74 = arith.constant 0 : i32
      %dma_start3A_75 = arith.constant 0 : i32
      %dma_start3A_76 = tpu.memref_slice %arg3[%add3A, %run_scoped3A_21, %dma_start3A_74, %dma_start3A_75] : memref<32x125x2x80xi32, #tpu.memory_space<hbm>> -> memref<1x1x2x80xi32, #tpu.memory_space<hbm>>
      %dma_start3A_77 = tpu.memref_squeeze %dma_start3A_76 : memref<1x1x2x80xi32, #tpu.memory_space<hbm>> -> memref<2x80xi32, #tpu.memory_space<hbm>>
      tpu.enqueue_dma source(%dma_start3A_77 : memref<2x80xi32, #tpu.memory_space<hbm>>) target(%arg8 : memref<2x80xi32, #tpu.memory_space<vmem>>) target_semaphore(%run_scoped3A_69 : memref<!tpu.dma_semaphore, #tpu.memory_space<semaphore_mem>>)
      %dma_wait3A_78 = arith.constant 0 : i32
      %dma_wait3A_79 = arith.constant 0 : i32
      %dma_wait3A_80 = tpu.memref_slice %arg3[%add3A, %run_scoped3A_21, %dma_wait3A_78, %dma_wait3A_79] : memref<32x125x2x80xi32, #tpu.memory_space<hbm>> -> memref<1x1x2x80xi32, #tpu.memory_space<hbm>>
      %dma_wait3A_81 = tpu.memref_squeeze %dma_wait3A_80 : memref<1x1x2x80xi32, #tpu.memory_space<hbm>> -> memref<2x80xi32, #tpu.memory_space<hbm>>
      %dma_wait3A_82 = arith.constant 0 : i32
      %dma_wait3A_83 = arith.constant 0 : i32
      %dma_wait3A_84 = tpu.memref_slice %arg3[%add3A, %run_scoped3A_21, %dma_wait3A_82, %dma_wait3A_83] : memref<32x125x2x80xi32, #tpu.memory_space<hbm>> -> memref<1x1x2x80xi32, #tpu.memory_space<hbm>>
      %dma_wait3A_85 = tpu.memref_squeeze %dma_wait3A_84 : memref<1x1x2x80xi32, #tpu.memory_space<hbm>> -> memref<2x80xi32, #tpu.memory_space<hbm>>
      tpu.wait_dma2 semaphore(%run_scoped3A_69 : memref<!tpu.dma_semaphore, #tpu.memory_space<semaphore_mem>>) src(%dma_wait3A_85 : memref<2x80xi32, #tpu.memory_space<hbm>>) dst(%arg8 : memref<2x80xi32, #tpu.memory_space<vmem>>)
      tpu.yield
    }) : () -> ()
    %dma_start3A = arith.constant 2 : i32
    %dma_start3A_22 = arith.constant 0 : i32
    %dma_start3A_23 = arith.constant 0 : i32
    %dma_start3A_24 = tpu.memref_slice %arg3[%add3A, %dma_start3A, %dma_start3A_22, %dma_start3A_23] : memref<32x125x2x80xi32, #tpu.memory_space<hbm>> -> memref<1x1x2x80xi32, #tpu.memory_space<hbm>>
    %dma_start3A_25 = tpu.memref_squeeze %dma_start3A_24 : memref<1x1x2x80xi32, #tpu.memory_space<hbm>> -> memref<2x80xi32, #tpu.memory_space<hbm>>
    %dma_start3A_26 = arith.constant 0 : i32
    %dma_start3A_27 = arith.constant 0 : i32
    %dma_start3A_28 = tpu.memref_slice %arg3[%add3A, %dma_start3A, %dma_start3A_26, %dma_start3A_27] : memref<32x125x2x80xi32, #tpu.memory_space<hbm>> -> memref<1x1x2x80xi32, #tpu.memory_space<hbm>>
    %dma_start3A_29 = tpu.memref_squeeze %dma_start3A_28 : memref<1x1x2x80xi32, #tpu.memory_space<hbm>> -> memref<2x80xi32, #tpu.memory_space<hbm>>
    tpu.enqueue_dma source(%dma_start3A_29 : memref<2x80xi32, #tpu.memory_space<hbm>>) target(%arg7 : memref<2x80xi32, #tpu.memory_space<vmem>>) target_semaphore(%arg14 : memref<!tpu.dma_semaphore, #tpu.memory_space<semaphore_mem>>)
    %dma_start3A_30 = arith.constant 3 : i32
    %dma_start3A_31 = arith.constant 0 : i32
    %dma_start3A_32 = arith.constant 0 : i32
    %dma_start3A_33 = tpu.memref_slice %arg3[%add3A, %dma_start3A_30, %dma_start3A_31, %dma_start3A_32] : memref<32x125x2x80xi32, #tpu.memory_space<hbm>> -> memref<1x1x2x80xi32, #tpu.memory_space<hbm>>
    %dma_start3A_34 = tpu.memref_squeeze %dma_start3A_33 : memref<1x1x2x80xi32, #tpu.memory_space<hbm>> -> memref<2x80xi32, #tpu.memory_space<hbm>>
    %dma_start3A_35 = arith.constant 0 : i32
    %dma_start3A_36 = arith.constant 0 : i32
    %dma_start3A_37 = tpu.memref_slice %arg3[%add3A, %dma_start3A_30, %dma_start3A_35, %dma_start3A_36] : memref<32x125x2x80xi32, #tpu.memory_space<hbm>> -> memref<1x1x2x80xi32, #tpu.memory_space<hbm>>
    %dma_start3A_38 = tpu.memref_squeeze %dma_start3A_37 : memref<1x1x2x80xi32, #tpu.memory_space<hbm>> -> memref<2x80xi32, #tpu.memory_space<hbm>>
    tpu.enqueue_dma source(%dma_start3A_38 : memref<2x80xi32, #tpu.memory_space<hbm>>) target(%arg9 : memref<2x80xi32, #tpu.memory_space<vmem>>) target_semaphore(%arg16 : memref<!tpu.dma_semaphore, #tpu.memory_space<semaphore_mem>>)
    %dma_start3A_39 = arith.constant 0 : i32
    %dma_start3A_40 = arith.constant 0 : i32
    %dma_start3A_41 = tpu.memref_slice %arg6[%dma_start3A_39, %dma_start3A_40] : memref<2x80xi32, #tpu.memory_space<vmem>> -> memref<1x80xi32, #tpu.memory_space<vmem>>
    %dma_start3A_42 = tpu.memref_squeeze %dma_start3A_41 : memref<1x80xi32, #tpu.memory_space<vmem>> -> memref<80xi32, #tpu.memory_space<vmem>>
    %dma_start3A_43 = arith.constant 0 : i32
    %dma_start3A_44 = arith.constant 0 : i32
    %dma_start3A_45 = tpu.memref_slice %arg2[%dma_start3A_43, %dma_start3A_44] : memref<10000x128xf32, #tpu.memory_space<hbm>> -> memref<10000x128xf32, #tpu.memory_space<hbm>>
    tpu.enqueue_indirect_dma source(%dma_start3A_45 : memref<10000x128xf32, #tpu.memory_space<hbm>>) target(%arg10 : memref<80x128xf32, #tpu.memory_space<vmem>>) offsets(%dma_start3A_42 : memref<80xi32, #tpu.memory_space<vmem>>) semaphore(%arg17 : memref<!tpu.dma_semaphore, #tpu.memory_space<semaphore_mem>>)
    %dma_start3A_46 = arith.constant 0 : i32
    %dma_start3A_47 = arith.constant 0 : i32
    %dma_start3A_48 = tpu.memref_slice %arg8[%dma_start3A_46, %dma_start3A_47] : memref<2x80xi32, #tpu.memory_space<vmem>> -> memref<1x80xi32, #tpu.memory_space<vmem>>
    %dma_start3A_49 = tpu.memref_squeeze %dma_start3A_48 : memref<1x80xi32, #tpu.memory_space<vmem>> -> memref<80xi32, #tpu.memory_space<vmem>>
    %dma_start3A_50 = arith.constant 0 : i32
    %dma_start3A_51 = arith.constant 0 : i32
    %dma_start3A_52 = tpu.memref_slice %arg2[%dma_start3A_50, %dma_start3A_51] : memref<10000x128xf32, #tpu.memory_space<hbm>> -> memref<10000x128xf32, #tpu.memory_space<hbm>>
    tpu.enqueue_indirect_dma source(%dma_start3A_52 : memref<10000x128xf32, #tpu.memory_space<hbm>>) target(%arg11 : memref<80x128xf32, #tpu.memory_space<vmem>>) offsets(%dma_start3A_49 : memref<80xi32, #tpu.memory_space<vmem>>) semaphore(%arg18 : memref<!tpu.dma_semaphore, #tpu.memory_space<semaphore_mem>>)
    %barrier3A = arith.constant 0 : index
    tpu.barrier barrier_id(%barrier3A)
    %scan3A = arith.constant 0 : i32
    %scan3A_53 = arith.constant 0 : i32
    %scan3A_54 = arith.constant 31 : i32
    %scan3A_55 = arith.addi %scan3A_53, %scan3A_54 : i32
    %scan3A_56 = arith.constant 1 : i32
    scf.for %scan3A_69 = %scan3A_53 to %scan3A_55 step %scan3A_56  : i32 {
      %mul3A_70 = arith.constant 4 : i32
      %mul3A_71 = arith.muli %mul3A_70, %scan3A_69 : i32
      %add3A_72 = arith.constant 0 : i32
      %add3A_73 = arith.addi %mul3A_71, %add3A_72 : i32
      %dma_wait3A_74 = arith.constant 0 : i32
      %dma_wait3A_75 = arith.constant 0 : i32
      %dma_wait3A_76 = tpu.memref_slice %arg2[%dma_wait3A_74, %dma_wait3A_75] : memref<10000x128xf32, #tpu.memory_space<hbm>> -> memref<80x128xf32, #tpu.memory_space<hbm>>
      %dma_wait3A_77 = arith.constant 0 : i32
      %dma_wait3A_78 = arith.constant 0 : i32
      %dma_wait3A_79 = tpu.memref_slice %arg2[%dma_wait3A_77, %dma_wait3A_78] : memref<10000x128xf32, #tpu.memory_space<hbm>> -> memref<80x128xf32, #tpu.memory_space<hbm>>
      tpu.wait_dma2 semaphore(%arg17 : memref<!tpu.dma_semaphore, #tpu.memory_space<semaphore_mem>>) src(%dma_wait3A_79 : memref<80x128xf32, #tpu.memory_space<hbm>>) dst(%arg10 : memref<80x128xf32, #tpu.memory_space<vmem>>)
      %run_scoped3A_80 = arith.constant 1 : i32
      "tpu.region"() ({
        %run_scoped3A_167 = tpu.sem_alloc : memref<!tpu.dma_semaphore, #tpu.memory_space<semaphore_mem>>
        %dma_start3A_168 = arith.constant 0 : i32
        %dma_start3A_169 = tpu.memref_slice %arg6[%run_scoped3A_80, %dma_start3A_168] : memref<2x80xi32, #tpu.memory_space<vmem>> -> memref<1x80xi32, #tpu.memory_space<vmem>>
        %dma_start3A_170 = tpu.memref_squeeze %dma_start3A_169 : memref<1x80xi32, #tpu.memory_space<vmem>> -> memref<80xi32, #tpu.memory_space<vmem>>
        %dma_start3A_171 = arith.constant 0 : i32
        %dma_start3A_172 = arith.constant 0 : i32
        %dma_start3A_173 = tpu.memref_slice %arg12[%dma_start3A_171, %dma_start3A_172] : memref<10240x128xf32, #tpu.memory_space<vmem_shared>> -> memref<10240x128xf32, #tpu.memory_space<vmem_shared>>
        tpu.enqueue_indirect_dma source(%arg10 : memref<80x128xf32, #tpu.memory_space<vmem>>) target(%dma_start3A_173 : memref<10240x128xf32, #tpu.memory_space<vmem_shared>>) offsets(%dma_start3A_170 : memref<80xi32, #tpu.memory_space<vmem>>) semaphore(%run_scoped3A_167 : memref<!tpu.dma_semaphore, #tpu.memory_space<semaphore_mem>>) {add = true}
        %dma_wait3A_174 = arith.constant 0 : i32
        %dma_wait3A_175 = tpu.memref_slice %arg6[%run_scoped3A_80, %dma_wait3A_174] : memref<2x80xi32, #tpu.memory_space<vmem>> -> memref<1x80xi32, #tpu.memory_space<vmem>>
        %dma_wait3A_176 = tpu.memref_squeeze %dma_wait3A_175 : memref<1x80xi32, #tpu.memory_space<vmem>> -> memref<80xi32, #tpu.memory_space<vmem>>
        %dma_wait3A_177 = arith.constant 0 : i32
        %dma_wait3A_178 = arith.constant 0 : i32
        %dma_wait3A_179 = tpu.memref_slice %arg12[%dma_wait3A_177, %dma_wait3A_178] : memref<10240x128xf32, #tpu.memory_space<vmem_shared>> -> memref<10240x128xf32, #tpu.memory_space<vmem_shared>>
        tpu.wait_indirect_dma semaphore(%run_scoped3A_167 : memref<!tpu.dma_semaphore, #tpu.memory_space<semaphore_mem>>) src(%arg10 : memref<80x128xf32, #tpu.memory_space<vmem>>) dst(%dma_wait3A_179 : memref<10240x128xf32, #tpu.memory_space<vmem_shared>>)
        tpu.yield
      }) : () -> ()
      %add3A_81 = arith.constant 4 : i32
      %add3A_82 = arith.addi %add3A_73, %add3A_81 : i32
      %lt3A = arith.constant 125 : i32
      %lt3A_83 = arith.cmpi slt, %add3A_82, %lt3A : i32
      %convert_element_type3A = arith.extui %lt3A_83 : i1 to i32
      %cond3A = arith.constant 0 : i32
      %cond3A_84 = arith.cmpi ne, %convert_element_type3A, %cond3A : i32
      scf.if %cond3A_84 {
        %add3A_167 = arith.constant 4 : i32
        %add3A_168 = arith.addi %add3A_73, %add3A_167 : i32
        %dma_start3A_169 = arith.constant 0 : i32
        %dma_start3A_170 = arith.constant 0 : i32
        %dma_start3A_171 = tpu.memref_slice %arg3[%add3A, %add3A_168, %dma_start3A_169, %dma_start3A_170] : memref<32x125x2x80xi32, #tpu.memory_space<hbm>> -> memref<1x1x2x80xi32, #tpu.memory_space<hbm>>
        %dma_start3A_172 = tpu.memref_squeeze %dma_start3A_171 : memref<1x1x2x80xi32, #tpu.memory_space<hbm>> -> memref<2x80xi32, #tpu.memory_space<hbm>>
        %dma_start3A_173 = arith.constant 0 : i32
        %dma_start3A_174 = arith.constant 0 : i32
        %dma_start3A_175 = tpu.memref_slice %arg3[%add3A, %add3A_168, %dma_start3A_173, %dma_start3A_174] : memref<32x125x2x80xi32, #tpu.memory_space<hbm>> -> memref<1x1x2x80xi32, #tpu.memory_space<hbm>>
        %dma_start3A_176 = tpu.memref_squeeze %dma_start3A_175 : memref<1x1x2x80xi32, #tpu.memory_space<hbm>> -> memref<2x80xi32, #tpu.memory_space<hbm>>
        tpu.enqueue_dma source(%dma_start3A_176 : memref<2x80xi32, #tpu.memory_space<hbm>>) target(%arg6 : memref<2x80xi32, #tpu.memory_space<vmem>>) target_semaphore(%arg13 : memref<!tpu.dma_semaphore, #tpu.memory_space<semaphore_mem>>)
      } else {
      }
      %add3A_85 = arith.constant 2 : i32
      %add3A_86 = arith.addi %add3A_73, %add3A_85 : i32
      %lt3A_87 = arith.constant 125 : i32
      %lt3A_88 = arith.cmpi slt, %add3A_86, %lt3A_87 : i32
      %convert_element_type3A_89 = arith.extui %lt3A_88 : i1 to i32
      %cond3A_90 = arith.constant 0 : i32
      %cond3A_91 = arith.cmpi ne, %convert_element_type3A_89, %cond3A_90 : i32
      scf.if %cond3A_91 {
        %dma_wait3A_167 = arith.constant 0 : i32
        %dma_wait3A_168 = arith.constant 0 : i32
        %dma_wait3A_169 = arith.constant 0 : i32
        %dma_wait3A_170 = arith.constant 0 : i32
        %dma_wait3A_171 = tpu.memref_slice %arg3[%dma_wait3A_167, %dma_wait3A_168, %dma_wait3A_169, %dma_wait3A_170] : memref<32x125x2x80xi32, #tpu.memory_space<hbm>> -> memref<1x1x2x80xi32, #tpu.memory_space<hbm>>
        %dma_wait3A_172 = tpu.memref_squeeze %dma_wait3A_171 : memref<1x1x2x80xi32, #tpu.memory_space<hbm>> -> memref<2x80xi32, #tpu.memory_space<hbm>>
        %dma_wait3A_173 = arith.constant 0 : i32
        %dma_wait3A_174 = arith.constant 0 : i32
        %dma_wait3A_175 = tpu.memref_slice %arg3[%dma_wait3A_167, %dma_wait3A_168, %dma_wait3A_173, %dma_wait3A_174] : memref<32x125x2x80xi32, #tpu.memory_space<hbm>> -> memref<1x1x2x80xi32, #tpu.memory_space<hbm>>
        %dma_wait3A_176 = tpu.memref_squeeze %dma_wait3A_175 : memref<1x1x2x80xi32, #tpu.memory_space<hbm>> -> memref<2x80xi32, #tpu.memory_space<hbm>>
        tpu.wait_dma2 semaphore(%arg14 : memref<!tpu.dma_semaphore, #tpu.memory_space<semaphore_mem>>) src(%dma_wait3A_176 : memref<2x80xi32, #tpu.memory_space<hbm>>) dst(%arg7 : memref<2x80xi32, #tpu.memory_space<vmem>>)
        %dma_start3A_177 = arith.constant 0 : i32
        %dma_start3A_178 = arith.constant 0 : i32
        %dma_start3A_179 = tpu.memref_slice %arg7[%dma_start3A_177, %dma_start3A_178] : memref<2x80xi32, #tpu.memory_space<vmem>> -> memref<1x80xi32, #tpu.memory_space<vmem>>
        %dma_start3A_180 = tpu.memref_squeeze %dma_start3A_179 : memref<1x80xi32, #tpu.memory_space<vmem>> -> memref<80xi32, #tpu.memory_space<vmem>>
        %dma_start3A_181 = arith.constant 0 : i32
        %dma_start3A_182 = arith.constant 0 : i32
        %dma_start3A_183 = tpu.memref_slice %arg2[%dma_start3A_181, %dma_start3A_182] : memref<10000x128xf32, #tpu.memory_space<hbm>> -> memref<10000x128xf32, #tpu.memory_space<hbm>>
        tpu.enqueue_indirect_dma source(%dma_start3A_183 : memref<10000x128xf32, #tpu.memory_space<hbm>>) target(%arg10 : memref<80x128xf32, #tpu.memory_space<vmem>>) offsets(%dma_start3A_180 : memref<80xi32, #tpu.memory_space<vmem>>) semaphore(%arg17 : memref<!tpu.dma_semaphore, #tpu.memory_space<semaphore_mem>>)
      } else {
      }
      %mul3A_92 = arith.constant 4 : i32
      %mul3A_93 = arith.muli %mul3A_92, %scan3A_69 : i32
      %add3A_94 = arith.constant 1 : i32
      %add3A_95 = arith.addi %mul3A_93, %add3A_94 : i32
      %dma_wait3A_96 = arith.constant 0 : i32
      %dma_wait3A_97 = arith.constant 0 : i32
      %dma_wait3A_98 = tpu.memref_slice %arg2[%dma_wait3A_96, %dma_wait3A_97] : memref<10000x128xf32, #tpu.memory_space<hbm>> -> memref<80x128xf32, #tpu.memory_space<hbm>>
      %dma_wait3A_99 = arith.constant 0 : i32
      %dma_wait3A_100 = arith.constant 0 : i32
      %dma_wait3A_101 = tpu.memref_slice %arg2[%dma_wait3A_99, %dma_wait3A_100] : memref<10000x128xf32, #tpu.memory_space<hbm>> -> memref<80x128xf32, #tpu.memory_space<hbm>>
      tpu.wait_dma2 semaphore(%arg18 : memref<!tpu.dma_semaphore, #tpu.memory_space<semaphore_mem>>) src(%dma_wait3A_101 : memref<80x128xf32, #tpu.memory_space<hbm>>) dst(%arg11 : memref<80x128xf32, #tpu.memory_space<vmem>>)
      %run_scoped3A_102 = arith.constant 1 : i32
      "tpu.region"() ({
        %run_scoped3A_167 = tpu.sem_alloc : memref<!tpu.dma_semaphore, #tpu.memory_space<semaphore_mem>>
        %dma_start3A_168 = arith.constant 0 : i32
        %dma_start3A_169 = tpu.memref_slice %arg8[%run_scoped3A_102, %dma_start3A_168] : memref<2x80xi32, #tpu.memory_space<vmem>> -> memref<1x80xi32, #tpu.memory_space<vmem>>
        %dma_start3A_170 = tpu.memref_squeeze %dma_start3A_169 : memref<1x80xi32, #tpu.memory_space<vmem>> -> memref<80xi32, #tpu.memory_space<vmem>>
        %dma_start3A_171 = arith.constant 0 : i32
        %dma_start3A_172 = arith.constant 0 : i32
        %dma_start3A_173 = tpu.memref_slice %arg12[%dma_start3A_171, %dma_start3A_172] : memref<10240x128xf32, #tpu.memory_space<vmem_shared>> -> memref<10240x128xf32, #tpu.memory_space<vmem_shared>>
        tpu.enqueue_indirect_dma source(%arg11 : memref<80x128xf32, #tpu.memory_space<vmem>>) target(%dma_start3A_173 : memref<10240x128xf32, #tpu.memory_space<vmem_shared>>) offsets(%dma_start3A_170 : memref<80xi32, #tpu.memory_space<vmem>>) semaphore(%run_scoped3A_167 : memref<!tpu.dma_semaphore, #tpu.memory_space<semaphore_mem>>) {add = true}
        %dma_wait3A_174 = arith.constant 0 : i32
        %dma_wait3A_175 = tpu.memref_slice %arg8[%run_scoped3A_102, %dma_wait3A_174] : memref<2x80xi32, #tpu.memory_space<vmem>> -> memref<1x80xi32, #tpu.memory_space<vmem>>
        %dma_wait3A_176 = tpu.memref_squeeze %dma_wait3A_175 : memref<1x80xi32, #tpu.memory_space<vmem>> -> memref<80xi32, #tpu.memory_space<vmem>>
        %dma_wait3A_177 = arith.constant 0 : i32
        %dma_wait3A_178 = arith.constant 0 : i32
        %dma_wait3A_179 = tpu.memref_slice %arg12[%dma_wait3A_177, %dma_wait3A_178] : memref<10240x128xf32, #tpu.memory_space<vmem_shared>> -> memref<10240x128xf32, #tpu.memory_space<vmem_shared>>
        tpu.wait_indirect_dma semaphore(%run_scoped3A_167 : memref<!tpu.dma_semaphore, #tpu.memory_space<semaphore_mem>>) src(%arg11 : memref<80x128xf32, #tpu.memory_space<vmem>>) dst(%dma_wait3A_179 : memref<10240x128xf32, #tpu.memory_space<vmem_shared>>)
        tpu.yield
      }) : () -> ()
      %add3A_103 = arith.constant 4 : i32
      %add3A_104 = arith.addi %add3A_95, %add3A_103 : i32
      %lt3A_105 = arith.constant 125 : i32
      %lt3A_106 = arith.cmpi slt, %add3A_104, %lt3A_105 : i32
      %convert_element_type3A_107 = arith.extui %lt3A_106 : i1 to i32
      %cond3A_108 = arith.constant 0 : i32
      %cond3A_109 = arith.cmpi ne, %convert_element_type3A_107, %cond3A_108 : i32
      scf.if %cond3A_109 {
        %add3A_167 = arith.constant 4 : i32
        %add3A_168 = arith.addi %add3A_95, %add3A_167 : i32
        %dma_start3A_169 = arith.constant 0 : i32
        %dma_start3A_170 = arith.constant 0 : i32
        %dma_start3A_171 = tpu.memref_slice %arg3[%add3A, %add3A_168, %dma_start3A_169, %dma_start3A_170] : memref<32x125x2x80xi32, #tpu.memory_space<hbm>> -> memref<1x1x2x80xi32, #tpu.memory_space<hbm>>
        %dma_start3A_172 = tpu.memref_squeeze %dma_start3A_171 : memref<1x1x2x80xi32, #tpu.memory_space<hbm>> -> memref<2x80xi32, #tpu.memory_space<hbm>>
        %dma_start3A_173 = arith.constant 0 : i32
        %dma_start3A_174 = arith.constant 0 : i32
        %dma_start3A_175 = tpu.memref_slice %arg3[%add3A, %add3A_168, %dma_start3A_173, %dma_start3A_174] : memref<32x125x2x80xi32, #tpu.memory_space<hbm>> -> memref<1x1x2x80xi32, #tpu.memory_space<hbm>>
        %dma_start3A_176 = tpu.memref_squeeze %dma_start3A_175 : memref<1x1x2x80xi32, #tpu.memory_space<hbm>> -> memref<2x80xi32, #tpu.memory_space<hbm>>
        tpu.enqueue_dma source(%dma_start3A_176 : memref<2x80xi32, #tpu.memory_space<hbm>>) target(%arg8 : memref<2x80xi32, #tpu.memory_space<vmem>>) target_semaphore(%arg15 : memref<!tpu.dma_semaphore, #tpu.memory_space<semaphore_mem>>)
      } else {
      }
      %add3A_110 = arith.constant 2 : i32
      %add3A_111 = arith.addi %add3A_95, %add3A_110 : i32
      %lt3A_112 = arith.constant 125 : i32
      %lt3A_113 = arith.cmpi slt, %add3A_111, %lt3A_112 : i32
      %convert_element_type3A_114 = arith.extui %lt3A_113 : i1 to i32
      %cond3A_115 = arith.constant 0 : i32
      %cond3A_116 = arith.cmpi ne, %convert_element_type3A_114, %cond3A_115 : i32
      scf.if %cond3A_116 {
        %dma_wait3A_167 = arith.constant 0 : i32
        %dma_wait3A_168 = arith.constant 0 : i32
        %dma_wait3A_169 = arith.constant 0 : i32
        %dma_wait3A_170 = arith.constant 0 : i32
        %dma_wait3A_171 = tpu.memref_slice %arg3[%dma_wait3A_167, %dma_wait3A_168, %dma_wait3A_169, %dma_wait3A_170] : memref<32x125x2x80xi32, #tpu.memory_space<hbm>> -> memref<1x1x2x80xi32, #tpu.memory_space<hbm>>
        %dma_wait3A_172 = tpu.memref_squeeze %dma_wait3A_171 : memref<1x1x2x80xi32, #tpu.memory_space<hbm>> -> memref<2x80xi32, #tpu.memory_space<hbm>>
        %dma_wait3A_173 = arith.constant 0 : i32
        %dma_wait3A_174 = arith.constant 0 : i32
        %dma_wait3A_175 = tpu.memref_slice %arg3[%dma_wait3A_167, %dma_wait3A_168, %dma_wait3A_173, %dma_wait3A_174] : memref<32x125x2x80xi32, #tpu.memory_space<hbm>> -> memref<1x1x2x80xi32, #tpu.memory_space<hbm>>
        %dma_wait3A_176 = tpu.memref_squeeze %dma_wait3A_175 : memref<1x1x2x80xi32, #tpu.memory_space<hbm>> -> memref<2x80xi32, #tpu.memory_space<hbm>>
        tpu.wait_dma2 semaphore(%arg16 : memref<!tpu.dma_semaphore, #tpu.memory_space<semaphore_mem>>) src(%dma_wait3A_176 : memref<2x80xi32, #tpu.memory_space<hbm>>) dst(%arg9 : memref<2x80xi32, #tpu.memory_space<vmem>>)
        %dma_start3A_177 = arith.constant 0 : i32
        %dma_start3A_178 = arith.constant 0 : i32
        %dma_start3A_179 = tpu.memref_slice %arg9[%dma_start3A_177, %dma_start3A_178] : memref<2x80xi32, #tpu.memory_space<vmem>> -> memref<1x80xi32, #tpu.memory_space<vmem>>
        %dma_start3A_180 = tpu.memref_squeeze %dma_start3A_179 : memref<1x80xi32, #tpu.memory_space<vmem>> -> memref<80xi32, #tpu.memory_space<vmem>>
        %dma_start3A_181 = arith.constant 0 : i32
        %dma_start3A_182 = arith.constant 0 : i32
        %dma_start3A_183 = tpu.memref_slice %arg2[%dma_start3A_181, %dma_start3A_182] : memref<10000x128xf32, #tpu.memory_space<hbm>> -> memref<10000x128xf32, #tpu.memory_space<hbm>>
        tpu.enqueue_indirect_dma source(%dma_start3A_183 : memref<10000x128xf32, #tpu.memory_space<hbm>>) target(%arg11 : memref<80x128xf32, #tpu.memory_space<vmem>>) offsets(%dma_start3A_180 : memref<80xi32, #tpu.memory_space<vmem>>) semaphore(%arg18 : memref<!tpu.dma_semaphore, #tpu.memory_space<semaphore_mem>>)
      } else {
      }
      %mul3A_117 = arith.constant 4 : i32
      %mul3A_118 = arith.muli %mul3A_117, %scan3A_69 : i32
      %add3A_119 = arith.constant 2 : i32
      %add3A_120 = arith.addi %mul3A_118, %add3A_119 : i32
      %dma_wait3A_121 = arith.constant 0 : i32
      %dma_wait3A_122 = arith.constant 0 : i32
      %dma_wait3A_123 = tpu.memref_slice %arg2[%dma_wait3A_121, %dma_wait3A_122] : memref<10000x128xf32, #tpu.memory_space<hbm>> -> memref<80x128xf32, #tpu.memory_space<hbm>>
      %dma_wait3A_124 = arith.constant 0 : i32
      %dma_wait3A_125 = arith.constant 0 : i32
      %dma_wait3A_126 = tpu.memref_slice %arg2[%dma_wait3A_124, %dma_wait3A_125] : memref<10000x128xf32, #tpu.memory_space<hbm>> -> memref<80x128xf32, #tpu.memory_space<hbm>>
      tpu.wait_dma2 semaphore(%arg17 : memref<!tpu.dma_semaphore, #tpu.memory_space<semaphore_mem>>) src(%dma_wait3A_126 : memref<80x128xf32, #tpu.memory_space<hbm>>) dst(%arg10 : memref<80x128xf32, #tpu.memory_space<vmem>>)
      %run_scoped3A_127 = arith.constant 1 : i32
      "tpu.region"() ({
        %run_scoped3A_167 = tpu.sem_alloc : memref<!tpu.dma_semaphore, #tpu.memory_space<semaphore_mem>>
        %dma_start3A_168 = arith.constant 0 : i32
        %dma_start3A_169 = tpu.memref_slice %arg7[%run_scoped3A_127, %dma_start3A_168] : memref<2x80xi32, #tpu.memory_space<vmem>> -> memref<1x80xi32, #tpu.memory_space<vmem>>
        %dma_start3A_170 = tpu.memref_squeeze %dma_start3A_169 : memref<1x80xi32, #tpu.memory_space<vmem>> -> memref<80xi32, #tpu.memory_space<vmem>>
        %dma_start3A_171 = arith.constant 0 : i32
        %dma_start3A_172 = arith.constant 0 : i32
        %dma_start3A_173 = tpu.memref_slice %arg12[%dma_start3A_171, %dma_start3A_172] : memref<10240x128xf32, #tpu.memory_space<vmem_shared>> -> memref<10240x128xf32, #tpu.memory_space<vmem_shared>>
        tpu.enqueue_indirect_dma source(%arg10 : memref<80x128xf32, #tpu.memory_space<vmem>>) target(%dma_start3A_173 : memref<10240x128xf32, #tpu.memory_space<vmem_shared>>) offsets(%dma_start3A_170 : memref<80xi32, #tpu.memory_space<vmem>>) semaphore(%run_scoped3A_167 : memref<!tpu.dma_semaphore, #tpu.memory_space<semaphore_mem>>) {add = true}
        %dma_wait3A_174 = arith.constant 0 : i32
        %dma_wait3A_175 = tpu.memref_slice %arg7[%run_scoped3A_127, %dma_wait3A_174] : memref<2x80xi32, #tpu.memory_space<vmem>> -> memref<1x80xi32, #tpu.memory_space<vmem>>
        %dma_wait3A_176 = tpu.memref_squeeze %dma_wait3A_175 : memref<1x80xi32, #tpu.memory_space<vmem>> -> memref<80xi32, #tpu.memory_space<vmem>>
        %dma_wait3A_177 = arith.constant 0 : i32
        %dma_wait3A_178 = arith.constant 0 : i32
        %dma_wait3A_179 = tpu.memref_slice %arg12[%dma_wait3A_177, %dma_wait3A_178] : memref<10240x128xf32, #tpu.memory_space<vmem_shared>> -> memref<10240x128xf32, #tpu.memory_space<vmem_shared>>
        tpu.wait_indirect_dma semaphore(%run_scoped3A_167 : memref<!tpu.dma_semaphore, #tpu.memory_space<semaphore_mem>>) src(%arg10 : memref<80x128xf32, #tpu.memory_space<vmem>>) dst(%dma_wait3A_179 : memref<10240x128xf32, #tpu.memory_space<vmem_shared>>)
        tpu.yield
      }) : () -> ()
      %add3A_128 = arith.constant 4 : i32
      %add3A_129 = arith.addi %add3A_120, %add3A_128 : i32
      %lt3A_130 = arith.constant 125 : i32
      %lt3A_131 = arith.cmpi slt, %add3A_129, %lt3A_130 : i32
      %convert_element_type3A_132 = arith.extui %lt3A_131 : i1 to i32
      %cond3A_133 = arith.constant 0 : i32
      %cond3A_134 = arith.cmpi ne, %convert_element_type3A_132, %cond3A_133 : i32
      scf.if %cond3A_134 {
        %add3A_167 = arith.constant 4 : i32
        %add3A_168 = arith.addi %add3A_120, %add3A_167 : i32
        %dma_start3A_169 = arith.constant 0 : i32
        %dma_start3A_170 = arith.constant 0 : i32
        %dma_start3A_171 = tpu.memref_slice %arg3[%add3A, %add3A_168, %dma_start3A_169, %dma_start3A_170] : memref<32x125x2x80xi32, #tpu.memory_space<hbm>> -> memref<1x1x2x80xi32, #tpu.memory_space<hbm>>
        %dma_start3A_172 = tpu.memref_squeeze %dma_start3A_171 : memref<1x1x2x80xi32, #tpu.memory_space<hbm>> -> memref<2x80xi32, #tpu.memory_space<hbm>>
        %dma_start3A_173 = arith.constant 0 : i32
        %dma_start3A_174 = arith.constant 0 : i32
        %dma_start3A_175 = tpu.memref_slice %arg3[%add3A, %add3A_168, %dma_start3A_173, %dma_start3A_174] : memref<32x125x2x80xi32, #tpu.memory_space<hbm>> -> memref<1x1x2x80xi32, #tpu.memory_space<hbm>>
        %dma_start3A_176 = tpu.memref_squeeze %dma_start3A_175 : memref<1x1x2x80xi32, #tpu.memory_space<hbm>> -> memref<2x80xi32, #tpu.memory_space<hbm>>
        tpu.enqueue_dma source(%dma_start3A_176 : memref<2x80xi32, #tpu.memory_space<hbm>>) target(%arg7 : memref<2x80xi32, #tpu.memory_space<vmem>>) target_semaphore(%arg14 : memref<!tpu.dma_semaphore, #tpu.memory_space<semaphore_mem>>)
      } else {
      }
      %add3A_135 = arith.constant 2 : i32
      %add3A_136 = arith.addi %add3A_120, %add3A_135 : i32
      %lt3A_137 = arith.constant 125 : i32
      %lt3A_138 = arith.cmpi slt, %add3A_136, %lt3A_137 : i32
      %convert_element_type3A_139 = arith.extui %lt3A_138 : i1 to i32
      %cond3A_140 = arith.constant 0 : i32
      %cond3A_141 = arith.cmpi ne, %convert_element_type3A_139, %cond3A_140 : i32
      scf.if %cond3A_141 {
        %dma_wait3A_167 = arith.constant 0 : i32
        %dma_wait3A_168 = arith.constant 0 : i32
        %dma_wait3A_169 = arith.constant 0 : i32
        %dma_wait3A_170 = arith.constant 0 : i32
        %dma_wait3A_171 = tpu.memref_slice %arg3[%dma_wait3A_167, %dma_wait3A_168, %dma_wait3A_169, %dma_wait3A_170] : memref<32x125x2x80xi32, #tpu.memory_space<hbm>> -> memref<1x1x2x80xi32, #tpu.memory_space<hbm>>
        %dma_wait3A_172 = tpu.memref_squeeze %dma_wait3A_171 : memref<1x1x2x80xi32, #tpu.memory_space<hbm>> -> memref<2x80xi32, #tpu.memory_space<hbm>>
        %dma_wait3A_173 = arith.constant 0 : i32
        %dma_wait3A_174 = arith.constant 0 : i32
        %dma_wait3A_175 = tpu.memref_slice %arg3[%dma_wait3A_167, %dma_wait3A_168, %dma_wait3A_173, %dma_wait3A_174] : memref<32x125x2x80xi32, #tpu.memory_space<hbm>> -> memref<1x1x2x80xi32, #tpu.memory_space<hbm>>
        %dma_wait3A_176 = tpu.memref_squeeze %dma_wait3A_175 : memref<1x1x2x80xi32, #tpu.memory_space<hbm>> -> memref<2x80xi32, #tpu.memory_space<hbm>>
        tpu.wait_dma2 semaphore(%arg13 : memref<!tpu.dma_semaphore, #tpu.memory_space<semaphore_mem>>) src(%dma_wait3A_176 : memref<2x80xi32, #tpu.memory_space<hbm>>) dst(%arg6 : memref<2x80xi32, #tpu.memory_space<vmem>>)
        %dma_start3A_177 = arith.constant 0 : i32
        %dma_start3A_178 = arith.constant 0 : i32
        %dma_start3A_179 = tpu.memref_slice %arg6[%dma_start3A_177, %dma_start3A_178] : memref<2x80xi32, #tpu.memory_space<vmem>> -> memref<1x80xi32, #tpu.memory_space<vmem>>
        %dma_start3A_180 = tpu.memref_squeeze %dma_start3A_179 : memref<1x80xi32, #tpu.memory_space<vmem>> -> memref<80xi32, #tpu.memory_space<vmem>>
        %dma_start3A_181 = arith.constant 0 : i32
        %dma_start3A_182 = arith.constant 0 : i32
        %dma_start3A_183 = tpu.memref_slice %arg2[%dma_start3A_181, %dma_start3A_182] : memref<10000x128xf32, #tpu.memory_space<hbm>> -> memref<10000x128xf32, #tpu.memory_space<hbm>>
        tpu.enqueue_indirect_dma source(%dma_start3A_183 : memref<10000x128xf32, #tpu.memory_space<hbm>>) target(%arg10 : memref<80x128xf32, #tpu.memory_space<vmem>>) offsets(%dma_start3A_180 : memref<80xi32, #tpu.memory_space<vmem>>) semaphore(%arg17 : memref<!tpu.dma_semaphore, #tpu.memory_space<semaphore_mem>>)
      } else {
      }
      %mul3A_142 = arith.constant 4 : i32
      %mul3A_143 = arith.muli %mul3A_142, %scan3A_69 : i32
      %add3A_144 = arith.constant 3 : i32
      %add3A_145 = arith.addi %mul3A_143, %add3A_144 : i32
      %dma_wait3A_146 = arith.constant 0 : i32
      %dma_wait3A_147 = arith.constant 0 : i32
      %dma_wait3A_148 = tpu.memref_slice %arg2[%dma_wait3A_146, %dma_wait3A_147] : memref<10000x128xf32, #tpu.memory_space<hbm>> -> memref<80x128xf32, #tpu.memory_space<hbm>>
      %dma_wait3A_149 = arith.constant 0 : i32
      %dma_wait3A_150 = arith.constant 0 : i32
      %dma_wait3A_151 = tpu.memref_slice %arg2[%dma_wait3A_149, %dma_wait3A_150] : memref<10000x128xf32, #tpu.memory_space<hbm>> -> memref<80x128xf32, #tpu.memory_space<hbm>>
      tpu.wait_dma2 semaphore(%arg18 : memref<!tpu.dma_semaphore, #tpu.memory_space<semaphore_mem>>) src(%dma_wait3A_151 : memref<80x128xf32, #tpu.memory_space<hbm>>) dst(%arg11 : memref<80x128xf32, #tpu.memory_space<vmem>>)
      %run_scoped3A_152 = arith.constant 1 : i32
      "tpu.region"() ({
        %run_scoped3A_167 = tpu.sem_alloc : memref<!tpu.dma_semaphore, #tpu.memory_space<semaphore_mem>>
        %dma_start3A_168 = arith.constant 0 : i32
        %dma_start3A_169 = tpu.memref_slice %arg9[%run_scoped3A_152, %dma_start3A_168] : memref<2x80xi32, #tpu.memory_space<vmem>> -> memref<1x80xi32, #tpu.memory_space<vmem>>
        %dma_start3A_170 = tpu.memref_squeeze %dma_start3A_169 : memref<1x80xi32, #tpu.memory_space<vmem>> -> memref<80xi32, #tpu.memory_space<vmem>>
        %dma_start3A_171 = arith.constant 0 : i32
        %dma_start3A_172 = arith.constant 0 : i32
        %dma_start3A_173 = tpu.memref_slice %arg12[%dma_start3A_171, %dma_start3A_172] : memref<10240x128xf32, #tpu.memory_space<vmem_shared>> -> memref<10240x128xf32, #tpu.memory_space<vmem_shared>>
        tpu.enqueue_indirect_dma source(%arg11 : memref<80x128xf32, #tpu.memory_space<vmem>>) target(%dma_start3A_173 : memref<10240x128xf32, #tpu.memory_space<vmem_shared>>) offsets(%dma_start3A_170 : memref<80xi32, #tpu.memory_space<vmem>>) semaphore(%run_scoped3A_167 : memref<!tpu.dma_semaphore, #tpu.memory_space<semaphore_mem>>) {add = true}
        %dma_wait3A_174 = arith.constant 0 : i32
        %dma_wait3A_175 = tpu.memref_slice %arg9[%run_scoped3A_152, %dma_wait3A_174] : memref<2x80xi32, #tpu.memory_space<vmem>> -> memref<1x80xi32, #tpu.memory_space<vmem>>
        %dma_wait3A_176 = tpu.memref_squeeze %dma_wait3A_175 : memref<1x80xi32, #tpu.memory_space<vmem>> -> memref<80xi32, #tpu.memory_space<vmem>>
        %dma_wait3A_177 = arith.constant 0 : i32
        %dma_wait3A_178 = arith.constant 0 : i32
        %dma_wait3A_179 = tpu.memref_slice %arg12[%dma_wait3A_177, %dma_wait3A_178] : memref<10240x128xf32, #tpu.memory_space<vmem_shared>> -> memref<10240x128xf32, #tpu.memory_space<vmem_shared>>
        tpu.wait_indirect_dma semaphore(%run_scoped3A_167 : memref<!tpu.dma_semaphore, #tpu.memory_space<semaphore_mem>>) src(%arg11 : memref<80x128xf32, #tpu.memory_space<vmem>>) dst(%dma_wait3A_179 : memref<10240x128xf32, #tpu.memory_space<vmem_shared>>)
        tpu.yield
      }) : () -> ()
      %add3A_153 = arith.constant 4 : i32
      %add3A_154 = arith.addi %add3A_145, %add3A_153 : i32
      %lt3A_155 = arith.constant 125 : i32
      %lt3A_156 = arith.cmpi slt, %add3A_154, %lt3A_155 : i32
      %convert_element_type3A_157 = arith.extui %lt3A_156 : i1 to i32
      %cond3A_158 = arith.constant 0 : i32
      %cond3A_159 = arith.cmpi ne, %convert_element_type3A_157, %cond3A_158 : i32
      scf.if %cond3A_159 {
        %add3A_167 = arith.constant 4 : i32
        %add3A_168 = arith.addi %add3A_145, %add3A_167 : i32
        %dma_start3A_169 = arith.constant 0 : i32
        %dma_start3A_170 = arith.constant 0 : i32
        %dma_start3A_171 = tpu.memref_slice %arg3[%add3A, %add3A_168, %dma_start3A_169, %dma_start3A_170] : memref<32x125x2x80xi32, #tpu.memory_space<hbm>> -> memref<1x1x2x80xi32, #tpu.memory_space<hbm>>
        %dma_start3A_172 = tpu.memref_squeeze %dma_start3A_171 : memref<1x1x2x80xi32, #tpu.memory_space<hbm>> -> memref<2x80xi32, #tpu.memory_space<hbm>>
        %dma_start3A_173 = arith.constant 0 : i32
        %dma_start3A_174 = arith.constant 0 : i32
        %dma_start3A_175 = tpu.memref_slice %arg3[%add3A, %add3A_168, %dma_start3A_173, %dma_start3A_174] : memref<32x125x2x80xi32, #tpu.memory_space<hbm>> -> memref<1x1x2x80xi32, #tpu.memory_space<hbm>>
        %dma_start3A_176 = tpu.memref_squeeze %dma_start3A_175 : memref<1x1x2x80xi32, #tpu.memory_space<hbm>> -> memref<2x80xi32, #tpu.memory_space<hbm>>
        tpu.enqueue_dma source(%dma_start3A_176 : memref<2x80xi32, #tpu.memory_space<hbm>>) target(%arg9 : memref<2x80xi32, #tpu.memory_space<vmem>>) target_semaphore(%arg16 : memref<!tpu.dma_semaphore, #tpu.memory_space<semaphore_mem>>)
      } else {
      }
      %add3A_160 = arith.constant 2 : i32
      %add3A_161 = arith.addi %add3A_145, %add3A_160 : i32
      %lt3A_162 = arith.constant 125 : i32
      %lt3A_163 = arith.cmpi slt, %add3A_161, %lt3A_162 : i32
      %convert_element_type3A_164 = arith.extui %lt3A_163 : i1 to i32
      %cond3A_165 = arith.constant 0 : i32
      %cond3A_166 = arith.cmpi ne, %convert_element_type3A_164, %cond3A_165 : i32
      scf.if %cond3A_166 {
        %dma_wait3A_167 = arith.constant 0 : i32
        %dma_wait3A_168 = arith.constant 0 : i32
        %dma_wait3A_169 = arith.constant 0 : i32
        %dma_wait3A_170 = arith.constant 0 : i32
        %dma_wait3A_171 = tpu.memref_slice %arg3[%dma_wait3A_167, %dma_wait3A_168, %dma_wait3A_169, %dma_wait3A_170] : memref<32x125x2x80xi32, #tpu.memory_space<hbm>> -> memref<1x1x2x80xi32, #tpu.memory_space<hbm>>
        %dma_wait3A_172 = tpu.memref_squeeze %dma_wait3A_171 : memref<1x1x2x80xi32, #tpu.memory_space<hbm>> -> memref<2x80xi32, #tpu.memory_space<hbm>>
        %dma_wait3A_173 = arith.constant 0 : i32
        %dma_wait3A_174 = arith.constant 0 : i32
        %dma_wait3A_175 = tpu.memref_slice %arg3[%dma_wait3A_167, %dma_wait3A_168, %dma_wait3A_173, %dma_wait3A_174] : memref<32x125x2x80xi32, #tpu.memory_space<hbm>> -> memref<1x1x2x80xi32, #tpu.memory_space<hbm>>
        %dma_wait3A_176 = tpu.memref_squeeze %dma_wait3A_175 : memref<1x1x2x80xi32, #tpu.memory_space<hbm>> -> memref<2x80xi32, #tpu.memory_space<hbm>>
        tpu.wait_dma2 semaphore(%arg15 : memref<!tpu.dma_semaphore, #tpu.memory_space<semaphore_mem>>) src(%dma_wait3A_176 : memref<2x80xi32, #tpu.memory_space<hbm>>) dst(%arg8 : memref<2x80xi32, #tpu.memory_space<vmem>>)
        %dma_start3A_177 = arith.constant 0 : i32
        %dma_start3A_178 = arith.constant 0 : i32
        %dma_start3A_179 = tpu.memref_slice %arg8[%dma_start3A_177, %dma_start3A_178] : memref<2x80xi32, #tpu.memory_space<vmem>> -> memref<1x80xi32, #tpu.memory_space<vmem>>
        %dma_start3A_180 = tpu.memref_squeeze %dma_start3A_179 : memref<1x80xi32, #tpu.memory_space<vmem>> -> memref<80xi32, #tpu.memory_space<vmem>>
        %dma_start3A_181 = arith.constant 0 : i32
        %dma_start3A_182 = arith.constant 0 : i32
        %dma_start3A_183 = tpu.memref_slice %arg2[%dma_start3A_181, %dma_start3A_182] : memref<10000x128xf32, #tpu.memory_space<hbm>> -> memref<10000x128xf32, #tpu.memory_space<hbm>>
        tpu.enqueue_indirect_dma source(%dma_start3A_183 : memref<10000x128xf32, #tpu.memory_space<hbm>>) target(%arg11 : memref<80x128xf32, #tpu.memory_space<vmem>>) offsets(%dma_start3A_180 : memref<80xi32, #tpu.memory_space<vmem>>) semaphore(%arg18 : memref<!tpu.dma_semaphore, #tpu.memory_space<semaphore_mem>>)
      } else {
      }
    }
    %scan3A_57 = arith.constant 31 : i32
    %dma_wait3A = arith.constant 0 : i32
    %dma_wait3A_58 = arith.constant 0 : i32
    %dma_wait3A_59 = tpu.memref_slice %arg2[%dma_wait3A, %dma_wait3A_58] : memref<10000x128xf32, #tpu.memory_space<hbm>> -> memref<80x128xf32, #tpu.memory_space<hbm>>
    %dma_wait3A_60 = arith.constant 0 : i32
    %dma_wait3A_61 = arith.constant 0 : i32
    %dma_wait3A_62 = tpu.memref_slice %arg2[%dma_wait3A_60, %dma_wait3A_61] : memref<10000x128xf32, #tpu.memory_space<hbm>> -> memref<80x128xf32, #tpu.memory_space<hbm>>
    tpu.wait_dma2 semaphore(%arg17 : memref<!tpu.dma_semaphore, #tpu.memory_space<semaphore_mem>>) src(%dma_wait3A_62 : memref<80x128xf32, #tpu.memory_space<hbm>>) dst(%arg10 : memref<80x128xf32, #tpu.memory_space<vmem>>)
    %run_scoped3A_63 = arith.constant 1 : i32
    "tpu.region"() ({
      %run_scoped3A_69 = tpu.sem_alloc : memref<!tpu.dma_semaphore, #tpu.memory_space<semaphore_mem>>
      %dma_start3A_70 = arith.constant 0 : i32
      %dma_start3A_71 = tpu.memref_slice %arg6[%run_scoped3A_63, %dma_start3A_70] : memref<2x80xi32, #tpu.memory_space<vmem>> -> memref<1x80xi32, #tpu.memory_space<vmem>>
      %dma_start3A_72 = tpu.memref_squeeze %dma_start3A_71 : memref<1x80xi32, #tpu.memory_space<vmem>> -> memref<80xi32, #tpu.memory_space<vmem>>
      %dma_start3A_73 = arith.constant 0 : i32
      %dma_start3A_74 = arith.constant 0 : i32
      %dma_start3A_75 = tpu.memref_slice %arg12[%dma_start3A_73, %dma_start3A_74] : memref<10240x128xf32, #tpu.memory_space<vmem_shared>> -> memref<10240x128xf32, #tpu.memory_space<vmem_shared>>
      tpu.enqueue_indirect_dma source(%arg10 : memref<80x128xf32, #tpu.memory_space<vmem>>) target(%dma_start3A_75 : memref<10240x128xf32, #tpu.memory_space<vmem_shared>>) offsets(%dma_start3A_72 : memref<80xi32, #tpu.memory_space<vmem>>) semaphore(%run_scoped3A_69 : memref<!tpu.dma_semaphore, #tpu.memory_space<semaphore_mem>>) {add = true}
      %dma_wait3A_76 = arith.constant 0 : i32
      %dma_wait3A_77 = tpu.memref_slice %arg6[%run_scoped3A_63, %dma_wait3A_76] : memref<2x80xi32, #tpu.memory_space<vmem>> -> memref<1x80xi32, #tpu.memory_space<vmem>>
      %dma_wait3A_78 = tpu.memref_squeeze %dma_wait3A_77 : memref<1x80xi32, #tpu.memory_space<vmem>> -> memref<80xi32, #tpu.memory_space<vmem>>
      %dma_wait3A_79 = arith.constant 0 : i32
      %dma_wait3A_80 = arith.constant 0 : i32
      %dma_wait3A_81 = tpu.memref_slice %arg12[%dma_wait3A_79, %dma_wait3A_80] : memref<10240x128xf32, #tpu.memory_space<vmem_shared>> -> memref<10240x128xf32, #tpu.memory_space<vmem_shared>>
      tpu.wait_indirect_dma semaphore(%run_scoped3A_69 : memref<!tpu.dma_semaphore, #tpu.memory_space<semaphore_mem>>) src(%arg10 : memref<80x128xf32, #tpu.memory_space<vmem>>) dst(%dma_wait3A_81 : memref<10240x128xf32, #tpu.memory_space<vmem_shared>>)
      tpu.yield
    }) : () -> ()
    %barrier3A_64 = arith.constant 0 : index
    tpu.barrier barrier_id(%barrier3A_64)
    %mul3A_65 = arith.constant 640 : i32
    %mul3A_66 = arith.muli %arg1, %mul3A_65 : i32
    %mul3A_67 = arith.constant 640 : i32
    %mul3A_68 = arith.muli %arg1, %mul3A_67 : i32
    "tpu.region"() ({
      %run_scoped3A_69 = tpu.sem_alloc : memref<!tpu.dma_semaphore, #tpu.memory_space<semaphore_mem>>
      %dma_start3A_70 = arith.constant 0 : i32
      %dma_start3A_71 = tpu.memref_slice %arg5[%arg0, %mul3A_68, %dma_start3A_70] : memref<2x10240x128xf32, #tpu.memory_space<hbm>> -> memref<1x640x128xf32, #tpu.memory_space<hbm>>
      %dma_start3A_72 = tpu.memref_squeeze %dma_start3A_71 : memref<1x640x128xf32, #tpu.memory_space<hbm>> -> memref<640x128xf32, #tpu.memory_space<hbm>>
      %dma_start3A_73 = arith.constant 0 : i32
      %dma_start3A_74 = tpu.memref_slice %arg12[%mul3A_66, %dma_start3A_73] : memref<10240x128xf32, #tpu.memory_space<vmem_shared>> -> memref<640x128xf32, #tpu.memory_space<vmem_shared>>
      tpu.enqueue_dma source(%dma_start3A_74 : memref<640x128xf32, #tpu.memory_space<vmem_shared>>) target(%dma_start3A_72 : memref<640x128xf32, #tpu.memory_space<hbm>>) target_semaphore(%run_scoped3A_69 : memref<!tpu.dma_semaphore, #tpu.memory_space<semaphore_mem>>)
      %dma_wait3A_75 = arith.constant 0 : i32
      %dma_wait3A_76 = tpu.memref_slice %arg5[%arg0, %mul3A_68, %dma_wait3A_75] : memref<2x10240x128xf32, #tpu.memory_space<hbm>> -> memref<1x640x128xf32, #tpu.memory_space<hbm>>
      %dma_wait3A_77 = tpu.memref_squeeze %dma_wait3A_76 : memref<1x640x128xf32, #tpu.memory_space<hbm>> -> memref<640x128xf32, #tpu.memory_space<hbm>>
      %dma_wait3A_78 = arith.constant 0 : i32
      %dma_wait3A_79 = tpu.memref_slice %arg12[%mul3A_66, %dma_wait3A_78] : memref<10240x128xf32, #tpu.memory_space<vmem_shared>> -> memref<640x128xf32, #tpu.memory_space<vmem_shared>>
      tpu.wait_dma2 semaphore(%run_scoped3A_69 : memref<!tpu.dma_semaphore, #tpu.memory_space<semaphore_mem>>) src(%dma_wait3A_79 : memref<640x128xf32, #tpu.memory_space<vmem_shared>>) dst(%dma_wait3A_77 : memref<640x128xf32, #tpu.memory_space<hbm>>)
      tpu.yield
    }) : () -> ()
    return
  }
}

module attributes {stable_mosaic.version = 14 : i64} {
  func.func @_tc_in_body(%arg0: i32, %arg1: memref<2x2x1000x1xf32, #tpu.memory_space<vmem>>, %arg2: memref<1000x128xf32, #tpu.memory_space<vmem>>, %arg3: memref<128x128xf32, #tpu.memory_space<vmem>>, %arg4: memref<1x128xf32, #tpu.memory_space<vmem>>, %arg5: memref<128x128xf32, #tpu.memory_space<vmem>>, %arg6: memref<1000x128xf32, #tpu.memory_space<vmem>>, %arg7: memref<1000x128xf32, #tpu.memory_space<vmem>>) attributes {dimension_semantics = [#tpu.dimension_semantics<arbitrary>], iteration_bounds = array<i64: 10>, scalar_prefetch = 0 : i64, scratch_operands = 0 : i64, tpu.core_type = #tpu.core_type<tc>, window_params = [{transform_indices = @transform_0, window_bounds = array<i64: 2, 2, 1000, 1>}, {transform_indices = @transform_1, window_bounds = array<i64: 1000, 128>}, {pipeline_mode = #tpu.pipeline_mode<synchronous>, transform_indices = @transform_2, window_bounds = array<i64: 128, 128>}, {pipeline_mode = #tpu.pipeline_mode<synchronous>, transform_indices = @transform_3, window_bounds = array<i64: 1, 128>}, {pipeline_mode = #tpu.pipeline_mode<synchronous>, transform_indices = @transform_4, window_bounds = array<i64: 128, 128>}, {transform_indices = @transform_5, window_bounds = array<i64: 1000, 128>}, {transform_indices = @transform_6, window_bounds = array<i64: 1000, 128>}]} {
    %get3A = arith.constant 0 : index
    %get3A_0 = arith.constant 0 : index
    %get3A_1 = arith.constant 0 : index
    %get3A_2 = arith.constant 0 : index
    %get3A_3 = vector.load %arg1[%get3A, %get3A_0, %get3A_1, %get3A_2] : memref<2x2x1000x1xf32, #tpu.memory_space<vmem>>, vector<1x1x1000x1xf32>
    %get3A_4 = vector.shape_cast %get3A_3 : vector<1x1x1000x1xf32> to vector<1000x1xf32>
    %get3A_5 = arith.constant 1 : index
    %get3A_6 = arith.constant 0 : index
    %get3A_7 = arith.constant 0 : index
    %get3A_8 = arith.constant 0 : index
    %get3A_9 = vector.load %arg1[%get3A_5, %get3A_6, %get3A_7, %get3A_8] : memref<2x2x1000x1xf32, #tpu.memory_space<vmem>>, vector<1x1x1000x1xf32>
    %get3A_10 = vector.shape_cast %get3A_9 : vector<1x1x1000x1xf32> to vector<1000x1xf32>
    %add3A = arith.addf %get3A_4, %get3A_10 : vector<1000x1xf32>
    %max3A = arith.constant 1.000000e+00 : f32
    %max3A_11 = vector.broadcast %max3A : f32 to vector<1000x1xf32>
    %max3A_12 = arith.maximumf %add3A, %max3A_11 : vector<1000x1xf32>
    %rsqrt3A = math.rsqrt %max3A_12 : vector<1000x1xf32>
    %get3A_13 = arith.constant 0 : index
    %get3A_14 = arith.constant 0 : index
    %get3A_15 = vector.load %arg2[%get3A_13, %get3A_14] : memref<1000x128xf32, #tpu.memory_space<vmem>>, vector<1000x128xf32>
    %get3A_16 = arith.constant 0 : index
    %get3A_17 = arith.constant 0 : index
    %get3A_18 = vector.load %arg3[%get3A_16, %get3A_17] : memref<128x128xf32, #tpu.memory_space<vmem>>, vector<128x128xf32>
    %dot_general3A = arith.constant dense<0.000000e+00> : vector<1000x128xf32>
    %dot_general3A_19 = tpu.matmul %get3A_15, %get3A_18, %dot_general3A {dimension_numbers = #tpu.dot_dimension_numbers<[1], [0], [0], [1], [0, 0, 1, 1], [], []>, transpose_lhs_hint = false} : vector<1000x128xf32>, vector<128x128xf32>, vector<1000x128xf32> -> vector<1000x128xf32>
    %get3A_20 = arith.constant 0 : index
    %get3A_21 = arith.constant 0 : index
    %get3A_22 = vector.load %arg4[%get3A_20, %get3A_21] : memref<1x128xf32, #tpu.memory_space<vmem>>, vector<1x128xf32>
    %add3A_23 = vector.broadcast %get3A_22 : vector<1x128xf32> to vector<1000x128xf32>
    %add3A_24 = arith.addf %dot_general3A_19, %add3A_23 : vector<1000x128xf32>
    %max3A_25 = arith.constant 0.000000e+00 : f32
    %max3A_26 = vector.broadcast %max3A_25 : f32 to vector<1000x128xf32>
    %max3A_27 = arith.maximumf %add3A_24, %max3A_26 : vector<1000x128xf32>
    %swap3A = arith.constant 0 : index
    %swap3A_28 = arith.constant 0 : index
    %swap3A_29 = vector.load %arg6[%swap3A, %swap3A_28] : memref<1000x128xf32, #tpu.memory_space<vmem>>, vector<1000x128xf32>
    tpu.vector_store %arg6[%swap3A, %swap3A_28], %max3A_27 {strides = array<i32>} : memref<1000x128xf32, #tpu.memory_space<vmem>>, vector<1000x128xf32>,
    %mul3A = vector.broadcast %rsqrt3A : vector<1000x1xf32> to vector<1000x128xf32>
    %mul3A_30 = arith.mulf %max3A_27, %mul3A : vector<1000x128xf32>
    %get3A_31 = arith.constant 0 : index
    %get3A_32 = arith.constant 0 : index
    %get3A_33 = vector.load %arg5[%get3A_31, %get3A_32] : memref<128x128xf32, #tpu.memory_space<vmem>>, vector<128x128xf32>
    %dot_general3A_34 = arith.constant dense<0.000000e+00> : vector<1000x128xf32>
    %dot_general3A_35 = tpu.matmul %mul3A_30, %get3A_33, %dot_general3A_34 {dimension_numbers = #tpu.dot_dimension_numbers<[1], [0], [0], [1], [0, 0, 1, 1], [], []>, transpose_lhs_hint = false} : vector<1000x128xf32>, vector<128x128xf32>, vector<1000x128xf32> -> vector<1000x128xf32>
    %swap3A_36 = arith.constant 0 : index
    %swap3A_37 = arith.constant 0 : index
    %swap3A_38 = vector.load %arg7[%swap3A_36, %swap3A_37] : memref<1000x128xf32, #tpu.memory_space<vmem>>, vector<1000x128xf32>
    tpu.vector_store %arg7[%swap3A_36, %swap3A_37], %dot_general3A_35 {strides = array<i32>} : memref<1000x128xf32, #tpu.memory_space<vmem>>, vector<1000x128xf32>,
    return
  }
  func.func @transform_0(%arg0: i32) -> (i32, i32, i32, i32) {
    %c0_i32 = arith.constant 0 : i32
    %c0_i32_0 = arith.constant 0 : i32
    %c0_i32_1 = arith.constant 0 : i32
    %c0_i32_2 = arith.constant 0 : i32
    return %c0_i32, %c0_i32_0, %arg0, %c0_i32_1 : i32, i32, i32, i32
  }
  func.func @transform_1(%arg0: i32) -> (i32, i32) {
    %c0_i32 = arith.constant 0 : i32
    %c0_i32_0 = arith.constant 0 : i32
    return %arg0, %c0_i32 : i32, i32
  }
  func.func @transform_2(%arg0: i32) -> (i32, i32) {
    %c0_i32 = arith.constant 0 : i32
    %c0_i32_0 = arith.constant 0 : i32
    %c0_i32_1 = arith.constant 0 : i32
    return %c0_i32, %c0_i32_0 : i32, i32
  }
  func.func @transform_3(%arg0: i32) -> (i32, i32) {
    %c0_i32 = arith.constant 0 : i32
    %c0_i32_0 = arith.constant 0 : i32
    %c0_i32_1 = arith.constant 0 : i32
    return %c0_i32, %c0_i32_0 : i32, i32
  }
  func.func @transform_4(%arg0: i32) -> (i32, i32) {
    %c0_i32 = arith.constant 0 : i32
    %c0_i32_0 = arith.constant 0 : i32
    %c0_i32_1 = arith.constant 0 : i32
    return %c0_i32, %c0_i32_0 : i32, i32
  }
  func.func @transform_5(%arg0: i32) -> (i32, i32) {
    %c0_i32 = arith.constant 0 : i32
    %c0_i32_0 = arith.constant 0 : i32
    return %arg0, %c0_i32 : i32, i32
  }
  func.func @transform_6(%arg0: i32) -> (i32, i32) {
    %c0_i32 = arith.constant 0 : i32
    %c0_i32_0 = arith.constant 0 : i32
    return %arg0, %c0_i32 : i32, i32
  }
}

module attributes {stable_mosaic.version = 14 : i64} {
  func.func @_tc_gate_body(%arg0: i32, %arg1: memref<2x2x1000x1xf32, #tpu.memory_space<vmem>>, %arg2: memref<1000x128xf32, #tpu.memory_space<vmem>>, %arg3: memref<2x1000x128xf32, #tpu.memory_space<vmem>>, %arg4: memref<1x128xf32, #tpu.memory_space<vmem>>, %arg5: memref<256x4xf32, #tpu.memory_space<vmem>>, %arg6: memref<1x4xf32, #tpu.memory_space<vmem>>, %arg7: memref<128x128xf32, #tpu.memory_space<vmem>>, %arg8: memref<1000x128xf32, #tpu.memory_space<vmem>>, %arg9: memref<1000x128xf32, #tpu.memory_space<vmem>>) attributes {dimension_semantics = [#tpu.dimension_semantics<arbitrary>], iteration_bounds = array<i64: 10>, scalar_prefetch = 0 : i64, scratch_operands = 0 : i64, tpu.core_type = #tpu.core_type<tc>, window_params = [{transform_indices = @transform_0, window_bounds = array<i64: 2, 2, 1000, 1>}, {transform_indices = @transform_1, window_bounds = array<i64: 1000, 128>}, {transform_indices = @transform_2, window_bounds = array<i64: 2, 1000, 128>}, {pipeline_mode = #tpu.pipeline_mode<synchronous>, transform_indices = @transform_3, window_bounds = array<i64: 1, 128>}, {pipeline_mode = #tpu.pipeline_mode<synchronous>, transform_indices = @transform_4, window_bounds = array<i64: 256, 4>}, {pipeline_mode = #tpu.pipeline_mode<synchronous>, transform_indices = @transform_5, window_bounds = array<i64: 1, 4>}, {pipeline_mode = #tpu.pipeline_mode<synchronous>, transform_indices = @transform_6, window_bounds = array<i64: 128, 128>}, {transform_indices = @transform_7, window_bounds = array<i64: 1000, 128>}, {transform_indices = @transform_8, window_bounds = array<i64: 1000, 128>}]} {
    %get3A = arith.constant 0 : index
    %get3A_0 = arith.constant 0 : index
    %get3A_1 = arith.constant 0 : index
    %get3A_2 = arith.constant 0 : index
    %get3A_3 = vector.load %arg1[%get3A, %get3A_0, %get3A_1, %get3A_2] : memref<2x2x1000x1xf32, #tpu.memory_space<vmem>>, vector<1x1x1000x1xf32>
    %get3A_4 = vector.shape_cast %get3A_3 : vector<1x1x1000x1xf32> to vector<1000x1xf32>
    %get3A_5 = arith.constant 1 : index
    %get3A_6 = arith.constant 0 : index
    %get3A_7 = arith.constant 0 : index
    %get3A_8 = arith.constant 0 : index
    %get3A_9 = vector.load %arg1[%get3A_5, %get3A_6, %get3A_7, %get3A_8] : memref<2x2x1000x1xf32, #tpu.memory_space<vmem>>, vector<1x1x1000x1xf32>
    %get3A_10 = vector.shape_cast %get3A_9 : vector<1x1x1000x1xf32> to vector<1000x1xf32>
    %add3A = arith.addf %get3A_4, %get3A_10 : vector<1000x1xf32>
    %max3A = arith.constant 1.000000e+00 : f32
    %max3A_11 = vector.broadcast %max3A : f32 to vector<1000x1xf32>
    %max3A_12 = arith.maximumf %add3A, %max3A_11 : vector<1000x1xf32>
    %rsqrt3A = math.rsqrt %max3A_12 : vector<1000x1xf32>
    %get3A_13 = arith.constant 0 : index
    %get3A_14 = arith.constant 1 : index
    %get3A_15 = arith.constant 0 : index
    %get3A_16 = arith.constant 0 : index
    %get3A_17 = vector.load %arg1[%get3A_13, %get3A_14, %get3A_15, %get3A_16] : memref<2x2x1000x1xf32, #tpu.memory_space<vmem>>, vector<1x1x1000x1xf32>
    %get3A_18 = vector.shape_cast %get3A_17 : vector<1x1x1000x1xf32> to vector<1000x1xf32>
    %get3A_19 = arith.constant 1 : index
    %get3A_20 = arith.constant 1 : index
    %get3A_21 = arith.constant 0 : index
    %get3A_22 = arith.constant 0 : index
    %get3A_23 = vector.load %arg1[%get3A_19, %get3A_20, %get3A_21, %get3A_22] : memref<2x2x1000x1xf32, #tpu.memory_space<vmem>>, vector<1x1x1000x1xf32>
    %get3A_24 = vector.shape_cast %get3A_23 : vector<1x1x1000x1xf32> to vector<1000x1xf32>
    %add3A_25 = arith.addf %get3A_18, %get3A_24 : vector<1000x1xf32>
    %max3A_26 = arith.constant 1.000000e+00 : f32
    %max3A_27 = vector.broadcast %max3A_26 : f32 to vector<1000x1xf32>
    %max3A_28 = arith.maximumf %add3A_25, %max3A_27 : vector<1000x1xf32>
    %rsqrt3A_29 = math.rsqrt %max3A_28 : vector<1000x1xf32>
    %get3A_30 = arith.constant 0 : index
    %get3A_31 = arith.constant 0 : index
    %get3A_32 = arith.constant 0 : index
    %get3A_33 = vector.load %arg3[%get3A_30, %get3A_31, %get3A_32] : memref<2x1000x128xf32, #tpu.memory_space<vmem>>, vector<1x1000x128xf32>
    %get3A_34 = vector.shape_cast %get3A_33 : vector<1x1000x128xf32> to vector<1000x128xf32>
    %get3A_35 = arith.constant 1 : index
    %get3A_36 = arith.constant 0 : index
    %get3A_37 = arith.constant 0 : index
    %get3A_38 = vector.load %arg3[%get3A_35, %get3A_36, %get3A_37] : memref<2x1000x128xf32, #tpu.memory_space<vmem>>, vector<1x1000x128xf32>
    %get3A_39 = vector.shape_cast %get3A_38 : vector<1x1000x128xf32> to vector<1000x128xf32>
    %add3A_40 = arith.addf %get3A_34, %get3A_39 : vector<1000x128xf32>
    %mul3A = vector.broadcast %rsqrt3A_29 : vector<1000x1xf32> to vector<1000x128xf32>
    %mul3A_41 = arith.mulf %add3A_40, %mul3A : vector<1000x128xf32>
    %get3A_42 = arith.constant 0 : index
    %get3A_43 = arith.constant 0 : index
    %get3A_44 = vector.load %arg4[%get3A_42, %get3A_43] : memref<1x128xf32, #tpu.memory_space<vmem>>, vector<1x128xf32>
    %add3A_45 = vector.broadcast %get3A_44 : vector<1x128xf32> to vector<1000x128xf32>
    %add3A_46 = arith.addf %mul3A_41, %add3A_45 : vector<1000x128xf32>
    %get3A_47 = arith.constant 0 : index
    %get3A_48 = arith.constant 0 : index
    %get3A_49 = vector.load %arg2[%get3A_47, %get3A_48] : memref<1000x128xf32, #tpu.memory_space<vmem>>, vector<1000x128xf32>
    %get3A_50 = arith.constant 0 : index
    %get3A_51 = arith.constant 0 : index
    %get3A_52 = vector.load %arg5[%get3A_50, %get3A_51] : memref<256x4xf32, #tpu.memory_space<vmem>>, vector<256x4xf32>
    %slice3A = vector.extract_strided_slice %get3A_52 {offsets = [0, 0], sizes = [128, 4], strides = [1, 1]} : vector<256x4xf32> to vector<128x4xf32>
    %dot_general3A = arith.constant dense<0.000000e+00> : vector<1000x4xf32>
    %dot_general3A_53 = tpu.matmul %get3A_49, %slice3A, %dot_general3A {dimension_numbers = #tpu.dot_dimension_numbers<[1], [0], [0], [1], [0, 0, 1, 1], [], []>, transpose_lhs_hint = false} : vector<1000x128xf32>, vector<128x4xf32>, vector<1000x4xf32> -> vector<1000x4xf32>
    %slice3A_54 = vector.extract_strided_slice %get3A_52 {offsets = [128, 0], sizes = [128, 4], strides = [1, 1]} : vector<256x4xf32> to vector<128x4xf32>
    %dot_general3A_55 = arith.constant dense<0.000000e+00> : vector<1000x4xf32>
    %dot_general3A_56 = tpu.matmul %add3A_46, %slice3A_54, %dot_general3A_55 {dimension_numbers = #tpu.dot_dimension_numbers<[1], [0], [0], [1], [0, 0, 1, 1], [], []>, transpose_lhs_hint = false} : vector<1000x128xf32>, vector<128x4xf32>, vector<1000x4xf32> -> vector<1000x4xf32>
    %add3A_57 = arith.addf %dot_general3A_53, %dot_general3A_56 : vector<1000x4xf32>
    %get3A_58 = arith.constant 0 : index
    %get3A_59 = arith.constant 0 : index
    %get3A_60 = vector.load %arg6[%get3A_58, %get3A_59] : memref<1x4xf32, #tpu.memory_space<vmem>>, vector<1x4xf32>
    %add3A_61 = vector.broadcast %get3A_60 : vector<1x4xf32> to vector<1000x4xf32>
    %add3A_62 = arith.addf %add3A_57, %add3A_61 : vector<1000x4xf32>
    %logistic3A = arith.negf %add3A_62 : vector<1000x4xf32>
    %logistic3A_63 = math.exp %logistic3A : vector<1000x4xf32>
    %logistic3A_64 = arith.constant 1.000000e+00 : f32
    %logistic3A_65 = vector.broadcast %logistic3A_64 : f32 to vector<1000x4xf32>
    %logistic3A_66 = arith.addf %logistic3A_65, %logistic3A_63 : vector<1000x4xf32>
    %logistic3A_67 = arith.divf %logistic3A_65, %logistic3A_66 : vector<1000x4xf32>
    %slice3A_68 = vector.extract_strided_slice %logistic3A_67 {offsets = [0, 0], sizes = [1000, 1], strides = [1, 1]} : vector<1000x4xf32> to vector<1000x1xf32>
    %mul3A_69 = vector.broadcast %slice3A_68 : vector<1000x1xf32> to vector<1000x128xf32>
    %mul3A_70 = arith.mulf %get3A_49, %mul3A_69 : vector<1000x128xf32>
    %slice3A_71 = vector.extract_strided_slice %logistic3A_67 {offsets = [0, 1], sizes = [1000, 1], strides = [1, 1]} : vector<1000x4xf32> to vector<1000x1xf32>
    %mul3A_72 = vector.broadcast %slice3A_71 : vector<1000x1xf32> to vector<1000x128xf32>
    %mul3A_73 = arith.mulf %add3A_46, %mul3A_72 : vector<1000x128xf32>
    %add3A_74 = arith.addf %mul3A_70, %mul3A_73 : vector<1000x128xf32>
    %swap3A = arith.constant 0 : index
    %swap3A_75 = arith.constant 0 : index
    %swap3A_76 = vector.load %arg8[%swap3A, %swap3A_75] : memref<1000x128xf32, #tpu.memory_space<vmem>>, vector<1000x128xf32>
    tpu.vector_store %arg8[%swap3A, %swap3A_75], %add3A_74 {strides = array<i32>} : memref<1000x128xf32, #tpu.memory_space<vmem>>, vector<1000x128xf32>,
    %slice3A_77 = vector.extract_strided_slice %logistic3A_67 {offsets = [0, 3], sizes = [1000, 1], strides = [1, 1]} : vector<1000x4xf32> to vector<1000x1xf32>
    %mul3A_78 = vector.broadcast %slice3A_77 : vector<1000x1xf32> to vector<1000x128xf32>
    %mul3A_79 = arith.mulf %add3A_46, %mul3A_78 : vector<1000x128xf32>
    %mul3A_80 = vector.broadcast %rsqrt3A : vector<1000x1xf32> to vector<1000x128xf32>
    %mul3A_81 = arith.mulf %mul3A_79, %mul3A_80 : vector<1000x128xf32>
    %get3A_82 = arith.constant 0 : index
    %get3A_83 = arith.constant 0 : index
    %get3A_84 = vector.load %arg7[%get3A_82, %get3A_83] : memref<128x128xf32, #tpu.memory_space<vmem>>, vector<128x128xf32>
    %dot_general3A_85 = arith.constant dense<0.000000e+00> : vector<1000x128xf32>
    %dot_general3A_86 = tpu.matmul %mul3A_81, %get3A_84, %dot_general3A_85 {dimension_numbers = #tpu.dot_dimension_numbers<[1], [0], [0], [1], [0, 0, 1, 1], [], []>, transpose_lhs_hint = false} : vector<1000x128xf32>, vector<128x128xf32>, vector<1000x128xf32> -> vector<1000x128xf32>
    %swap3A_87 = arith.constant 0 : index
    %swap3A_88 = arith.constant 0 : index
    %swap3A_89 = vector.load %arg9[%swap3A_87, %swap3A_88] : memref<1000x128xf32, #tpu.memory_space<vmem>>, vector<1000x128xf32>
    tpu.vector_store %arg9[%swap3A_87, %swap3A_88], %dot_general3A_86 {strides = array<i32>} : memref<1000x128xf32, #tpu.memory_space<vmem>>, vector<1000x128xf32>,
    return
  }
  func.func @transform_0(%arg0: i32) -> (i32, i32, i32, i32) {
    %c0_i32 = arith.constant 0 : i32
    %c0_i32_0 = arith.constant 0 : i32
    %c0_i32_1 = arith.constant 0 : i32
    %c0_i32_2 = arith.constant 0 : i32
    return %c0_i32, %c0_i32_0, %arg0, %c0_i32_1 : i32, i32, i32, i32
  }
  func.func @transform_1(%arg0: i32) -> (i32, i32) {
    %c0_i32 = arith.constant 0 : i32
    %c0_i32_0 = arith.constant 0 : i32
    return %arg0, %c0_i32 : i32, i32
  }
  func.func @transform_2(%arg0: i32) -> (i32, i32, i32) {
    %c0_i32 = arith.constant 0 : i32
    %c0_i32_0 = arith.constant 0 : i32
    %c0_i32_1 = arith.constant 0 : i32
    return %c0_i32, %arg0, %c0_i32_0 : i32, i32, i32
  }
  func.func @transform_3(%arg0: i32) -> (i32, i32) {
    %c0_i32 = arith.constant 0 : i32
    %c0_i32_0 = arith.constant 0 : i32
    %c0_i32_1 = arith.constant 0 : i32
    return %c0_i32, %c0_i32_0 : i32, i32
  }
  func.func @transform_4(%arg0: i32) -> (i32, i32) {
    %c0_i32 = arith.constant 0 : i32
    %c0_i32_0 = arith.constant 0 : i32
    %c0_i32_1 = arith.constant 0 : i32
    return %c0_i32, %c0_i32_0 : i32, i32
  }
  func.func @transform_5(%arg0: i32) -> (i32, i32) {
    %c0_i32 = arith.constant 0 : i32
    %c0_i32_0 = arith.constant 0 : i32
    %c0_i32_1 = arith.constant 0 : i32
    return %c0_i32, %c0_i32_0 : i32, i32
  }
  func.func @transform_6(%arg0: i32) -> (i32, i32) {
    %c0_i32 = arith.constant 0 : i32
    %c0_i32_0 = arith.constant 0 : i32
    %c0_i32_1 = arith.constant 0 : i32
    return %c0_i32, %c0_i32_0 : i32, i32
  }
  func.func @transform_7(%arg0: i32) -> (i32, i32) {
    %c0_i32 = arith.constant 0 : i32
    %c0_i32_0 = arith.constant 0 : i32
    return %arg0, %c0_i32 : i32, i32
  }
  func.func @transform_8(%arg0: i32) -> (i32, i32) {
    %c0_i32 = arith.constant 0 : i32
    %c0_i32_0 = arith.constant 0 : i32
    return %arg0, %c0_i32 : i32, i32
  }
}

module attributes {stable_mosaic.version = 14 : i64} {
  func.func @_tc_out_body(%arg0: i32, %arg1: memref<2x2x1000x1xf32, #tpu.memory_space<vmem>>, %arg2: memref<1000x128xf32, #tpu.memory_space<vmem>>, %arg3: memref<2x1000x128xf32, #tpu.memory_space<vmem>>, %arg4: memref<1x128xf32, #tpu.memory_space<vmem>>, %arg5: memref<256x4xf32, #tpu.memory_space<vmem>>, %arg6: memref<1x4xf32, #tpu.memory_space<vmem>>, %arg7: memref<128x64xf32, #tpu.memory_space<vmem>>, %arg8: memref<1x64xf32, #tpu.memory_space<vmem>>, %arg9: memref<1000x64xf32, #tpu.memory_space<vmem>>) attributes {dimension_semantics = [#tpu.dimension_semantics<arbitrary>], iteration_bounds = array<i64: 10>, scalar_prefetch = 0 : i64, scratch_operands = 0 : i64, tpu.core_type = #tpu.core_type<tc>, window_params = [{transform_indices = @transform_0, window_bounds = array<i64: 2, 2, 1000, 1>}, {transform_indices = @transform_1, window_bounds = array<i64: 1000, 128>}, {transform_indices = @transform_2, window_bounds = array<i64: 2, 1000, 128>}, {pipeline_mode = #tpu.pipeline_mode<synchronous>, transform_indices = @transform_3, window_bounds = array<i64: 1, 128>}, {pipeline_mode = #tpu.pipeline_mode<synchronous>, transform_indices = @transform_4, window_bounds = array<i64: 256, 4>}, {pipeline_mode = #tpu.pipeline_mode<synchronous>, transform_indices = @transform_5, window_bounds = array<i64: 1, 4>}, {pipeline_mode = #tpu.pipeline_mode<synchronous>, transform_indices = @transform_6, window_bounds = array<i64: 128, 64>}, {pipeline_mode = #tpu.pipeline_mode<synchronous>, transform_indices = @transform_7, window_bounds = array<i64: 1, 64>}, {transform_indices = @transform_8, window_bounds = array<i64: 1000, 64>}]} {
    %get3A = arith.constant 0 : index
    %get3A_0 = arith.constant 1 : index
    %get3A_1 = arith.constant 0 : index
    %get3A_2 = arith.constant 0 : index
    %get3A_3 = vector.load %arg1[%get3A, %get3A_0, %get3A_1, %get3A_2] : memref<2x2x1000x1xf32, #tpu.memory_space<vmem>>, vector<1x1x1000x1xf32>
    %get3A_4 = vector.shape_cast %get3A_3 : vector<1x1x1000x1xf32> to vector<1000x1xf32>
    %get3A_5 = arith.constant 1 : index
    %get3A_6 = arith.constant 1 : index
    %get3A_7 = arith.constant 0 : index
    %get3A_8 = arith.constant 0 : index
    %get3A_9 = vector.load %arg1[%get3A_5, %get3A_6, %get3A_7, %get3A_8] : memref<2x2x1000x1xf32, #tpu.memory_space<vmem>>, vector<1x1x1000x1xf32>
    %get3A_10 = vector.shape_cast %get3A_9 : vector<1x1x1000x1xf32> to vector<1000x1xf32>
    %add3A = arith.addf %get3A_4, %get3A_10 : vector<1000x1xf32>
    %max3A = arith.constant 1.000000e+00 : f32
    %max3A_11 = vector.broadcast %max3A : f32 to vector<1000x1xf32>
    %max3A_12 = arith.maximumf %add3A, %max3A_11 : vector<1000x1xf32>
    %rsqrt3A = math.rsqrt %max3A_12 : vector<1000x1xf32>
    %get3A_13 = arith.constant 0 : index
    %get3A_14 = arith.constant 0 : index
    %get3A_15 = arith.constant 0 : index
    %get3A_16 = vector.load %arg3[%get3A_13, %get3A_14, %get3A_15] : memref<2x1000x128xf32, #tpu.memory_space<vmem>>, vector<1x1000x128xf32>
    %get3A_17 = vector.shape_cast %get3A_16 : vector<1x1000x128xf32> to vector<1000x128xf32>
    %get3A_18 = arith.constant 1 : index
    %get3A_19 = arith.constant 0 : index
    %get3A_20 = arith.constant 0 : index
    %get3A_21 = vector.load %arg3[%get3A_18, %get3A_19, %get3A_20] : memref<2x1000x128xf32, #tpu.memory_space<vmem>>, vector<1x1000x128xf32>
    %get3A_22 = vector.shape_cast %get3A_21 : vector<1x1000x128xf32> to vector<1000x128xf32>
    %add3A_23 = arith.addf %get3A_17, %get3A_22 : vector<1000x128xf32>
    %mul3A = vector.broadcast %rsqrt3A : vector<1000x1xf32> to vector<1000x128xf32>
    %mul3A_24 = arith.mulf %add3A_23, %mul3A : vector<1000x128xf32>
    %get3A_25 = arith.constant 0 : index
    %get3A_26 = arith.constant 0 : index
    %get3A_27 = vector.load %arg4[%get3A_25, %get3A_26] : memref<1x128xf32, #tpu.memory_space<vmem>>, vector<1x128xf32>
    %add3A_28 = vector.broadcast %get3A_27 : vector<1x128xf32> to vector<1000x128xf32>
    %add3A_29 = arith.addf %mul3A_24, %add3A_28 : vector<1000x128xf32>
    %get3A_30 = arith.constant 0 : index
    %get3A_31 = arith.constant 0 : index
    %get3A_32 = vector.load %arg2[%get3A_30, %get3A_31] : memref<1000x128xf32, #tpu.memory_space<vmem>>, vector<1000x128xf32>
    %get3A_33 = arith.constant 0 : index
    %get3A_34 = arith.constant 0 : index
    %get3A_35 = vector.load %arg5[%get3A_33, %get3A_34] : memref<256x4xf32, #tpu.memory_space<vmem>>, vector<256x4xf32>
    %slice3A = vector.extract_strided_slice %get3A_35 {offsets = [0, 0], sizes = [128, 4], strides = [1, 1]} : vector<256x4xf32> to vector<128x4xf32>
    %dot_general3A = arith.constant dense<0.000000e+00> : vector<1000x4xf32>
    %dot_general3A_36 = tpu.matmul %get3A_32, %slice3A, %dot_general3A {dimension_numbers = #tpu.dot_dimension_numbers<[1], [0], [0], [1], [0, 0, 1, 1], [], []>, transpose_lhs_hint = false} : vector<1000x128xf32>, vector<128x4xf32>, vector<1000x4xf32> -> vector<1000x4xf32>
    %slice3A_37 = vector.extract_strided_slice %get3A_35 {offsets = [128, 0], sizes = [128, 4], strides = [1, 1]} : vector<256x4xf32> to vector<128x4xf32>
    %dot_general3A_38 = arith.constant dense<0.000000e+00> : vector<1000x4xf32>
    %dot_general3A_39 = tpu.matmul %add3A_29, %slice3A_37, %dot_general3A_38 {dimension_numbers = #tpu.dot_dimension_numbers<[1], [0], [0], [1], [0, 0, 1, 1], [], []>, transpose_lhs_hint = false} : vector<1000x128xf32>, vector<128x4xf32>, vector<1000x4xf32> -> vector<1000x4xf32>
    %add3A_40 = arith.addf %dot_general3A_36, %dot_general3A_39 : vector<1000x4xf32>
    %get3A_41 = arith.constant 0 : index
    %get3A_42 = arith.constant 0 : index
    %get3A_43 = vector.load %arg6[%get3A_41, %get3A_42] : memref<1x4xf32, #tpu.memory_space<vmem>>, vector<1x4xf32>
    %add3A_44 = vector.broadcast %get3A_43 : vector<1x4xf32> to vector<1000x4xf32>
    %add3A_45 = arith.addf %add3A_40, %add3A_44 : vector<1000x4xf32>
    %logistic3A = arith.negf %add3A_45 : vector<1000x4xf32>
    %logistic3A_46 = math.exp %logistic3A : vector<1000x4xf32>
    %logistic3A_47 = arith.constant 1.000000e+00 : f32
    %logistic3A_48 = vector.broadcast %logistic3A_47 : f32 to vector<1000x4xf32>
    %logistic3A_49 = arith.addf %logistic3A_48, %logistic3A_46 : vector<1000x4xf32>
    %logistic3A_50 = arith.divf %logistic3A_48, %logistic3A_49 : vector<1000x4xf32>
    %slice3A_51 = vector.extract_strided_slice %logistic3A_50 {offsets = [0, 0], sizes = [1000, 1], strides = [1, 1]} : vector<1000x4xf32> to vector<1000x1xf32>
    %mul3A_52 = vector.broadcast %slice3A_51 : vector<1000x1xf32> to vector<1000x128xf32>
    %mul3A_53 = arith.mulf %get3A_32, %mul3A_52 : vector<1000x128xf32>
    %slice3A_54 = vector.extract_strided_slice %logistic3A_50 {offsets = [0, 1], sizes = [1000, 1], strides = [1, 1]} : vector<1000x4xf32> to vector<1000x1xf32>
    %mul3A_55 = vector.broadcast %slice3A_54 : vector<1000x1xf32> to vector<1000x128xf32>
    %mul3A_56 = arith.mulf %add3A_29, %mul3A_55 : vector<1000x128xf32>
    %add3A_57 = arith.addf %mul3A_53, %mul3A_56 : vector<1000x128xf32>
    %get3A_58 = arith.constant 0 : index
    %get3A_59 = arith.constant 0 : index
    %get3A_60 = vector.load %arg7[%get3A_58, %get3A_59] : memref<128x64xf32, #tpu.memory_space<vmem>>, vector<128x64xf32>
    %dot_general3A_61 = arith.constant dense<0.000000e+00> : vector<1000x64xf32>
    %dot_general3A_62 = tpu.matmul %add3A_57, %get3A_60, %dot_general3A_61 {dimension_numbers = #tpu.dot_dimension_numbers<[1], [0], [0], [1], [0, 0, 1, 1], [], []>, transpose_lhs_hint = false} : vector<1000x128xf32>, vector<128x64xf32>, vector<1000x64xf32> -> vector<1000x64xf32>
    %get3A_63 = arith.constant 0 : index
    %get3A_64 = arith.constant 0 : index
    %get3A_65 = vector.load %arg8[%get3A_63, %get3A_64] : memref<1x64xf32, #tpu.memory_space<vmem>>, vector<1x64xf32>
    %add3A_66 = vector.broadcast %get3A_65 : vector<1x64xf32> to vector<1000x64xf32>
    %add3A_67 = arith.addf %dot_general3A_62, %add3A_66 : vector<1000x64xf32>
    %swap3A = arith.constant 0 : index
    %swap3A_68 = arith.constant 0 : index
    %swap3A_69 = vector.load %arg9[%swap3A, %swap3A_68] : memref<1000x64xf32, #tpu.memory_space<vmem>>, vector<1000x64xf32>
    tpu.vector_store %arg9[%swap3A, %swap3A_68], %add3A_67 {strides = array<i32>} : memref<1000x64xf32, #tpu.memory_space<vmem>>, vector<1000x64xf32>,
    return
  }
  func.func @transform_0(%arg0: i32) -> (i32, i32, i32, i32) {
    %c0_i32 = arith.constant 0 : i32
    %c0_i32_0 = arith.constant 0 : i32
    %c0_i32_1 = arith.constant 0 : i32
    %c0_i32_2 = arith.constant 0 : i32
    return %c0_i32, %c0_i32_0, %arg0, %c0_i32_1 : i32, i32, i32, i32
  }
  func.func @transform_1(%arg0: i32) -> (i32, i32) {
    %c0_i32 = arith.constant 0 : i32
    %c0_i32_0 = arith.constant 0 : i32
    return %arg0, %c0_i32 : i32, i32
  }
  func.func @transform_2(%arg0: i32) -> (i32, i32, i32) {
    %c0_i32 = arith.constant 0 : i32
    %c0_i32_0 = arith.constant 0 : i32
    %c0_i32_1 = arith.constant 0 : i32
    return %c0_i32, %arg0, %c0_i32_0 : i32, i32, i32
  }
  func.func @transform_3(%arg0: i32) -> (i32, i32) {
    %c0_i32 = arith.constant 0 : i32
    %c0_i32_0 = arith.constant 0 : i32
    %c0_i32_1 = arith.constant 0 : i32
    return %c0_i32, %c0_i32_0 : i32, i32
  }
  func.func @transform_4(%arg0: i32) -> (i32, i32) {
    %c0_i32 = arith.constant 0 : i32
    %c0_i32_0 = arith.constant 0 : i32
    %c0_i32_1 = arith.constant 0 : i32
    return %c0_i32, %c0_i32_0 : i32, i32
  }
  func.func @transform_5(%arg0: i32) -> (i32, i32) {
    %c0_i32 = arith.constant 0 : i32
    %c0_i32_0 = arith.constant 0 : i32
    %c0_i32_1 = arith.constant 0 : i32
    return %c0_i32, %c0_i32_0 : i32, i32
  }
  func.func @transform_6(%arg0: i32) -> (i32, i32) {
    %c0_i32 = arith.constant 0 : i32
    %c0_i32_0 = arith.constant 0 : i32
    %c0_i32_1 = arith.constant 0 : i32
    return %c0_i32, %c0_i32_0 : i32, i32
  }
  func.func @transform_7(%arg0: i32) -> (i32, i32) {
    %c0_i32 = arith.constant 0 : i32
    %c0_i32_0 = arith.constant 0 : i32
    %c0_i32_1 = arith.constant 0 : i32
    return %c0_i32, %c0_i32_0 : i32, i32
  }
  func.func @transform_8(%arg0: i32) -> (i32, i32) {
    %c0_i32 = arith.constant 0 : i32
    %c0_i32_0 = arith.constant 0 : i32
    return %arg0, %c0_i32 : i32, i32
  }
}

</mosaic_0001>

<sc_bundles>
// kernel: kernel.11.cloned.1.call-start
scs
__scs_entry_jumppad:
0x0: {  	(pc) =	sbr.rel $0x88, $3  }
0x1: {  	(tag) =	ssettag $0x0;
	lr =	simm.s32 $0x1  }
0x2: {  	[smem:$0x3F95] =	sst lr;
	_ =	strace $0xD0000000  }
0x3: {  	_ = 	snop  }
0x4: {  	_ = 	snop  }
0x5: {  	_ = 	snop  }
0x6: {  	_ = 	snop  }
0x7: {  	_ = 	snop  }
__scs_overlays_trampoline_lowered:
0x8: {  	[smem:$0x3FA4] =	sst s0  }
0x9: {  	[smem:$0x3FA5] =	sst s1  }
0xa: {  	[smem:$0x3FA6] =	sst s2  }
0xb: {  	[smem:$0x3FA7] =	sst s3  }
0xc: {  	[smem:$0x3FA8] =	sst s4  }
0xd: {  	[smem:$0x3FA9] =	sst s5  }
0xe: {  	[smem:$0x3FAA] =	sst s6  }
0xf: {  	[smem:$0x3FAB] =	sst s7  }
0x10: {  	[smem:$0x3FAC] =	sst s8  }
0x11: {  	[smem:$0x3FAD] =	sst s9;
	s0 =	simm.s32 @!p0 $0x0  }
0x12: {  	s1 =	sld [smem:$0x3F93];
	s0 =	simm.s32 @p0 $0x1  }
0x13: {  	[smem:$0x3FAE] =	sst s0;
	s0 =	simm.s32 @!p1 $0x0  }
0x14: {  	s2 =	sld [smem:$0x3F92];
	s0 =	simm.s32 @p1 $0x1  }
0x15: {  	[smem:$0x3FAF] =	sst s0;
	s0 =	simm.s32 @!p2 $0x0  }
0x16: {  	s3 =	sld [smem:$0x3FDB];
	s0 =	simm.s32 @p2 $0x1  }
0x17: {  	s4 =	simm.s32 $0x1BF5;
	[smem:$0x3FB1] =	sst s0  }
0x18: {  	s0 =	sld [smem:$0x3F94];
	_ =	swait.ge [sflag:s4], $0x0  }
0x19: {  	s7 =	sld [smem:$0x3F95]  }
0x1a: {  	s8 =	sadd.s32 $0xFFFFE003, lr  }
0x1b: {  	s9 =	sadd.s32 $0xFFFFFEF7, lr;
	s5 =	simm.s32 $0xFFFFFFFF;
	p2 =	slt.u32 s8, $0xFFFFF086  }
0x1c: {  	p1 =	slt.u32 s9, $0xF7A;
	s5 =	simm.s32 @!p2 $0x0  }
0x1d: {  	s5 =	simm.s32 @p1 $0x1;
	p0 =	seq.s32 s7, s2  }
0x1e: {  	s7 =	smul.u32 @!p0 $0xF7A, s2;
	p2 =	seq.s32 @!p0 s5, $0x0  }
0x1f: {  	s9 =	smul.u32 $0xF7A, s1;
	s8 =	simm.s32 @!p0 $0x1BF5;
	p2 =	por !p2, p0  }
0x20: {  	[sflag:s8] =	ssyncset.s32 @!p0 $0xFFFFF086;
	s6 =	sadd.s32 @!p0 s3, s7;
	s7 =	simm.s32 @!p0 $0x108  }
0x21: {  	s3 =	sadd.s32 s3, s9;
	s6 =	sadd.s32 @!p0 $0x88, s6;
	s7 =	simm.s32 @p2 $0x1082  }
0x22: {  	[simem:s7], [sflag:s8] =	dma.local @!p0 [hbm:s6], $0xF7A  }
0x23: {  	s9 =	sor.u32 $0xD0000000, s2;
	s6 =	simm.s32 $0x108;
	_ =	swait.ge @!p0 [sflag:s8], $0x0  }
0x24: {  	s3 =	sadd.s32 $0x88, s3;
	s6 =	simm.s32 @!p1 $0x1082;
	[sflag:s4] =	ssyncset.s32 $0xFFFFF086  }
0x25: {  	[simem:s6], [sflag:s4] =	dma.local [hbm:s3], $0xF7A  }
0x26: {  	[smem:$0x3F95] =	sst s1;
	(tag) =	ssettag s2;
	_ =	strace s9  }
0x27: {  	s1 =	sld [smem:$0x3FA5]  }
0x28: {  	s2 =	sld [smem:$0x3FA6]  }
0x29: {  	s4 =	sld [smem:$0x3FA8]  }
0x2a: {  	p0 =	seq.s32 s5, $0x0;
	s5 =	sld [smem:$0x3FA9]  }
0x2b: {  	s6 =	sld [smem:$0x3FAA]  }
0x2c: {  	s7 =	sld [smem:$0x3FAB]  }
0x2d: {  	s3 =	simm.s32 $0x108;
	s8 =	sld [smem:$0x3FAC]  }
0x2e: {  	s3 =	simm.s32 @!p0 $0x1082;
	s9 =	sld [smem:$0x3FAD]  }
0x2f: {  	lr =	sadd.s32 s0, s3;
	s0 =	sld [smem:$0x3FA4]  }
0x30: {  	s3 =	sld [smem:$0x3FA7]  }
0x31: {  	[smem:$0x3FB0] =	sst s10  }
0x32: {  	s10 =	sld [smem:$0x3FAE];
	_ =	sdelay $0x3  }
0x33: {  	p0 =	seq.s32 s10, $0x1;
	s10 =	sld [smem:$0x3FB0];
	_ =	sdelay $0x3  }
0x34: {  	[smem:$0x3FB0] =	sst s10  }
0x35: {  	s10 =	sld [smem:$0x3FAF];
	_ =	sdelay $0x3  }
0x36: {  	p1 =	seq.s32 s10, $0x1;
	s10 =	sld [smem:$0x3FB0];
	_ =	sdelay $0x3  }
0x37: {  	[smem:$0x3FB0] =	sst s10  }
0x38: {  	s10 =	sld [smem:$0x3FB1]  }
0x39: {  	_ = 	snop;
	(pc) =	sbr.ind lr, $3  }
0x3a: {  	_ = 	snop  }
0x3b: {  	_ = 	snop  }
0x3c: {  	p2 =	seq.s32 s10, $0x1;
	s10 =	sld [smem:$0x3FB0]  }
0x3d: {  	_ =	shalt  }
0x3e: {  	_ =	shalt  }
0x3f: {  	_ =	shalt  }
0x40: {  	_ =	shalt  }
0x41: {  	_ =	shalt  }
0x42: {  	_ =	shalt  }
0x43: {  	_ =	shalt  }
0x44: {  	_ =	shalt  }
0x45: {  	_ =	shalt  }
0x46: {  	_ =	shalt  }
0x47: {  	_ =	shalt  }
0x48: {  	_ =	shalt  }
0x49: {  	_ =	shalt  }
0x4a: {  	_ =	shalt  }
0x4b: {  	_ =	shalt  }
0x4c: {  	_ =	shalt  }
0x4d: {  	_ =	shalt  }
0x4e: {  	_ =	shalt  }
0x4f: {  	_ =	shalt  }
0x50: {  	_ =	shalt  }
0x51: {  	_ =	shalt  }
0x52: {  	_ =	shalt  }
0x53: {  	_ =	shalt  }
0x54: {  	_ =	shalt  }
0x55: {  	_ =	shalt  }
0x56: {  	_ =	shalt  }
0x57: {  	_ =	shalt  }
0x58: {  	_ =	shalt  }
0x59: {  	_ =	shalt  }
0x5a: {  	_ =	shalt  }
0x5b: {  	_ =	shalt  }
0x5c: {  	_ =	shalt  }
0x5d: {  	_ =	shalt  }
0x5e: {  	_ =	shalt  }
0x5f: {  	_ =	shalt  }
0x60: {  	_ =	shalt  }
0x61: {  	_ =	shalt  }
0x62: {  	_ =	shalt  }
0x63: {  	_ =	shalt  }
0x64: {  	_ =	shalt  }
0x65: {  	_ =	shalt  }
0x66: {  	_ =	shalt  }
0x67: {  	_ =	shalt  }
0x68: {  	_ =	shalt  }
0x69: {  	_ =	shalt  }
0x6a: {  	_ =	shalt  }
0x6b: {  	_ =	shalt  }
0x6c: {  	_ =	shalt  }
0x6d: {  	_ =	shalt  }
0x6e: {  	_ =	shalt  }
0x6f: {  	_ =	shalt  }
0x70: {  	_ =	shalt  }
0x71: {  	_ =	shalt  }
0x72: {  	_ =	shalt  }
0x73: {  	_ =	shalt  }
0x74: {  	_ =	shalt  }
0x75: {  	_ =	shalt  }
0x76: {  	_ =	shalt  }
0x77: {  	_ =	shalt  }
0x78: {  	_ =	shalt  }
0x79: {  	_ =	shalt  }
0x7a: {  	_ =	shalt  }
0x7b: {  	_ =	shalt  }
0x7c: {  	_ =	shalt  }
0x7d: {  	_ =	shalt  }
0x7e: {  	_ =	shalt  }
0x7f: {  	_ =	shalt  }
0x80: {  	_ =	shalt  }
0x81: {  	_ =	shalt  }
0x82: {  	_ =	shalt  }
0x83: {  	_ =	shalt  }
0x84: {  	_ =	shalt  }
0x85: {  	_ =	shalt  }
0x86: {  	_ =	shalt  }
0x87: {  	_ =	shalt  }
.Lfunc_end0:
.L_simem_size_0:
called_computation.1_lowered:
.L_overlay_start_0:
0x88: {  	s2 =	sld [smem:$0x3FD9]  }
0x89: {  	s3 =	sld [smem:$0x3FFE];
	_ =	sdelay $0x1  }
0x8a: {  	s1 =	srdreg.scid  }
0x8b: {  	s0 =	sand.u32 $0x1, s1  }
0x8c: {  	s17 =	sshll.u32 s0, $0xA;
	s2 =	sadd.s32 s3, s2  }
0x8d: {  	s2 =	sadd.s32 s2, s17  }
0x8e: {  	[smem:$0x3FBC] =	sst s2  }
0x8f: {  	_ = 	snop  }
0x90: {  	s2 =	sld [smem:$0x3FD0];
	(tm) =	ssettm $0x1  }
0x91: {  	s18 =	sld [smem:$0x3FFB];
	_ =	sdelay $0x3  }
0x92: {  	_ =	strace s18  }
0x93: {  	s3 =	sld [smem:$0x3FFC];
	_ =	sdelay $0x3  }
0x94: {  	_ =	strace s3  }
0x95: {  	s3 =	sld [smem:$0x3FFD];
	_ =	sdelay $0x3  }
0x96: {  	_ =	strace s3  }
0x97: {  	_ =	strace $0x8FFFFFFF  }
0x98: {  	s19 =	sld [smem:$0x3FDB];
	_ =	sdelay $0x1  }
0x99: {  	s4 =	simm.s32 $_scs_section_size  }
0x9a: {  	s5 =	simm.s32 $_size__tile_overlayer_lowered;
	s6 =	simm.s32 $_tile_overlayer_lowered  }
0x9b: {  	s22 =	simm.s32 $0x1BFF;
	s21 =	sshll.u32 s6, $0x1;
	s3 =	sadd.s32 s4, s19  }
0x9c: {  	s7 =	simm.s32 $0x0;
	s20 =	sshll.u32 s5, $0x1;
	s5 =	sadd.s32 s21, s3  }
0x9d: {  	[timem:s7], [sflag:s22] =	dma.local [hbm:s5], s20  }
0x9e: {  	_ =	swait.ge [sflag:s22], s20  }
0x9f: {  	s4 =	ssub.s32 $0x0, s20;
	[sflag:s22] =	ssyncset.done $0x0  }
0xa0: {  	[sflag:s22] =	ssyncadd.s32 s4;
	_ =	sdelay $0x1  }
0xa1: {  	s23 =	simm.s32 $0x1B8B  }
0xa2: {  	_ =	swait.ge [sflag:s23], $0x1  }
0xa3: {  	[sflag:s23] =	ssyncset.done $0x0  }
0xa4: {  	s25 =	simm.s32 $0x1B8E;
	s24 =	sld [smem:$0x3FFE];
	[sflag:s23] =	ssyncadd.s32 $0xFFFFFFFF  }
0xa5: {  	s26 =	simm.s32 $execute0_lowered;
	[smem:$0x3FD2] =	sst s25  }
0xa6: {  	s5 =	sshll.u32 s26, $0x1;
	_ =	strace $0x80000049;
	[dreg:$0x1] =	wrdreg $0xFFFFFFFF  }
0xa7: {  	s28 =	simm.s32 $_size_execute0_lowered;
	s3 =	sadd.s32 s3, s5;
	[dreg:$0x0] =	wrdreg $0x0  }
0xa8: {  	s5 =	sshll.u32 s28, $0x1;
	[dreg:$0x2] =	wrdreg s3  }
0xa9: {  	[dreg:$0x3] =	wrdreg s5  }
0xaa: {  	[dreg:$0x4] =	wrdreg $0xC0  }
0xab: {  	_ =	task [dreg:s7], $0x5FFFF  }
0xac: {  	[dreg:$0x1] =	wrdreg $0xFFFFFFFF  }
0xad: {  	[dreg:$0x0] =	wrdreg $0x60  }
0xae: {  	[dreg:$0x2] =	wrdreg s24  }
0xaf: {  	[dreg:$0x3] =	wrdreg s2  }
0xb0: {  	[dreg:$0x4] =	wrdreg $0x54000  }
0xb1: {  	[dreg:$0x5] =	wrdreg $0x9  }
0xb2: {  	_ =	task.clear_ibuf [dreg:s7], $0x6FFFF;
	_ =	strace $0x90000049  }
0xb3: {  	s29 =	simm.s32 $0x9;
	_ =	strace $0x8000004B  }
0xb4: {  	_ =	swait.ge [sflag:s29], $0x1  }
0xb5: {  	[sflag:s29] =	ssyncadd.s32 $0xFFFFFFFF  }
0xb6: {  	_ =	strace $0x9000004B  }
0xb7: {  	_ =	sfence  }
0xb8: {  	s30 =	sld [smem:$0x0];
	_ =	sdelay $0x2  }
0xb9: {  	s31 =	sshll.u32 s1, $0xD;
	s1 =	sshrl.u32 s1, $0x2  }
0xba: {  	s3 =	sand.u32 $0x4000, s31;
	s1 =	sadd.s32 s1, s30  }
0xbb: {  	s0 =	sor.u32 s3, s0;
	s1 =	sshll.u32 s1, $0x11  }
0xbc: {  	s0 =	sor.u32 s1, s0  }
0xbd: {  	s0 =	sadd.s32 $0x8F2B, s0  }
0xbe: {  	[sflag:s0] =	ssyncadd.remote.s32 $0x1  }
0xbf: {  	_ =	sfence.sel $0xFFFF  }
0xc0: {  	[dreg:$0x0] =	wrdreg $0xFFFFFFFF;
	(pc) =	sbr.abs _section_cstart, $3  }
0xc1: {  	[dreg:$0x1] =	wrdreg $0xFFFFFFFF  }
0xc2: {  	_ =	task.clear_ibuf [dreg:s7], $0x2FFFF;
	_ =	strace $0x9FFFFFFF  }
0xc3: {  	(tm) =	ssettm $0x7FFFFFFF  }
tec
execute0_lowered:
.L_overlay_start_1:
0x0: {  	(tag) =	ssettag $0x1  }
0x1: {  	s0 =	rddreg [dreg:$0x0]  }
0x2: {  	s2 =	rddreg [dreg:$0x2]  }
0x3: {  	s3 =	srdreg.scid;
	s4 =	simm.s32 $0x0;
	s1 =	stileid.u32  }
0x4: {  	s28 =	simm.s32 $0x50;
	s29 =	simm.s32 $0x400;
	s30 =	simm.s32 $0x2C00  }
0x5: {  	s31 =	simm.s32 $0x5;
	s3 =	sand.u32 $0x1, s3;
	s8 =	smul.u32 $0x14000, s1  }
0x6: {  	[smem:$0x7FF] =	sst s4;
	s5 =	sadd.s32 $0xCD600, s0;
	s9 =	smul.u32 $0x50000, s1  }
0x7: {  	s6 =	sadd.s32 $0xE200, s0;
	s10 =	sshll.u32 s1, $0x1;
	s14 =	smul.u32 $0xFA00, s1  }
0x8: {  	s25 =	sshll.u32 s1, $0x6;
	s7 =	smul.u32 $0x140000, s3;
	_ =	strace $0x8000004A  }
0x9: {  	s22 =	ssub.s32 $0x2, s3;
	s24 =	sor.u32 s3, s10;
	s3 =	smul.u32 $0x7D00, s3  }
0xa: {  	s10 =	simm.s32 $0x280;
	s23 =	sshrl.u32 s22, $0x1;
	s9 =	sshrl.u32 s9, $0x2  }
0xb: {  	s11 =	smul.u32 $0x7D00, s24;
	s7 =	sadd.s32 s8, s7;
	s8 =	ssub.s32 s22, s23  }
0xc: {  	s9 =	sadd.s32 s9, s2;
	s20 =	sadd.s32 s3, s14;
	s7 =	sshrl.u32 s7, $0x3  }
0xd: {  	s26 =	sadd.s32 $0x4000, s9;
	s12 =	sadd.s32 $0x8000, s9;
	s13 =	sadd.s32 $0xC000, s9  }
0xe: {  	s11 =	sshrl.u32 s11, $0x3;
	s17 =	sadd.s32 $0x10000, s9;
	s19 =	smax.u32 s8, $0x1  }
0xf: {  	s3 =	sadd.s32 $0x700, s20;
	s21 =	sadd.s32 $0x600, s20;
	s22 =	sadd.s32 $0x500, s20  }
0x10: {  	s0 =	sadd.s32 s7, s0;
	s7 =	sor.u32 $0x1C07, s25;
	s16 =	sadd.s32 s6, s11  }
0x11: {  	[dreg:$0x9] =	wrdreg s19;
	s3 =	sshrl.u32 s3, $0x3;
	s8 =	sshrl.u32 s21, $0x3  }
0x12: {  	s19 =	simm.s32 $0x7;
	s23 =	sshrl.u32 s26, $0x3;
	s24 =	sshrl.u32 s12, $0x3  }
0x13: {  	s25 =	sshrl.u32 s13, $0x3;
	s26 =	sshrl.u32 s17, $0x3;
	[dreg:$0x4] =	wrdreg s16  }
0x14: {  	s12 =	simm.s32 $0x180;
	s13 =	simm.s32 $0x1;
	[dreg:$0xc] =	wrdreg s23  }
0x15: {  	s17 =	simm.s32 $0x3;
	s11 =	sadd.s32 $0x20, s16;
	[dreg:$0xd] =	wrdreg s24  }
0x16: {  	s18 =	sadd.s32 $0x40, s16;
	s1 =	sadd.s32 $0x60, s16;
	[dreg:$0xe] =	wrdreg s25  }
0x17: {  	s0 =	sadd.s32 $0xF4800, s0;
	s14 =	sadd.s32 s3, s6;
	[dreg:$0xf] =	wrdreg s26  }
0x18: {  	s15 =	sadd.s32 s8, s6;
	s24 =	simm.s32 $0x200;
	[dreg:$0x5] =	wrdreg s11  }
0x19: {  	s25 =	simm.s32 $0x100;
	s26 =	simm.s32 $0x300;
	[dreg:$0x6] =	wrdreg s18  }
.Ltmp0:
0x1a: {  	s3 =	simm.s32 $0x2;
	[dreg:$0x7] =	wrdreg s1;
	(pc) =	sbr.rel .LBB2_1-.Ltmp0, $4  }
0x1b: {  	s8 =	simm.s32 $0x380;
	[dreg:$0x8] =	wrdreg s0;
	s11 =	sshrl.u32 s22, $0x3  }
0x1c: {  	s0 =	sadd.s32 $0x400, s20;
	s18 =	sshrl.u32 s9, $0x3;
	s9 =	simm.s32 $0x6  }
0x1d: {  	s20 =	simm.s32 $0x0;
	s16 =	sadd.s32 s11, s6;
	[dreg:$0xa] =	wrdreg s0  }
0x1e: {  	s0 =	simm.s32 $0x80;
	s11 =	simm.s32 $0x4;
	[dreg:$0xb] =	wrdreg s18  }
.LBB2_4:
0x1f: {  	_ =	swait.ge [sflag:s31], $0x2800  }
0x20: {  	[sflag:s31] =	ssyncset.done $0x0  }
0x21: {  	[sflag:s31] =	ssyncadd.s32 $0xFFFFD800  }
0x22: {  	[spmem:s2] =	stream.indirect.scatter.add.f32 [tilespmem:s29], [sflag:$0x7], $0x80, s0, s28, $0xb8;
	[tilespmem:$0x19400] =	vst v63  }
0x23: {  	_ =	swait.ge [sflag:s19], $0x2800  }
0x24: {  	[sflag:s19] =	ssyncset.done $0x0  }
0x25: {  	[sflag:s19] =	ssyncadd.s32 $0xFFFFD800  }
0x26: {  	[bflag:$0x0] =	sbarrier.arrive $0xFFFF  }
0x27: {  	s1 =	rddreg [dreg:$0x8]  }
0x28: {  	s18 =	rddreg [dreg:$0xb]  }
0x29: {  	[hbm:s1], [sflag:s7] =	dma.local [spmem:s18], $0x2800  }
0x2a: {  	_ =	swait.ge [sflag:s19], $0x2800  }
0x2b: {  	s20 =	sadd.s32 $0x1, s20;
	s23 =	rddreg [dreg:$0x9]  }
0x2c: {  	p0 =	sne.s32 s20, s23  }
.Ltmp1:
0x2d: {  	_ = 	snop;
	(pc) =	sbr.rel @!p0 .LBB2_5-.Ltmp1, $3  }
0x2e: {  	_ =	sdelay $0x1  }
0x2f: {  	[sflag:s19] =	ssyncset.done $0x0  }
0x30: {  	[sflag:s19] =	ssyncadd.s32 $0xFFFFD800  }
.LBB2_1:
0x31: {  	s1 =	rddreg [dreg:$0x1]  }
0x32: {  	[spmem:s18], [sflag:s7] =	dma.local [hbm:s1], $0x800  }
0x33: {  	_ =	swait.ge [sflag:s19], $0x800  }
0x34: {  	[sflag:s19] =	ssyncset.done $0x0  }
0x35: {  	s23 =	rddreg [dreg:$0xc];
	[sflag:s19] =	ssyncadd.s32 $0xFFFFF800  }
0x36: {  	[spmem:s23], [sflag:s7] =	dma.local [hbm:s1], $0x800  }
0x37: {  	_ =	swait.ge [sflag:s19], $0x800  }
0x38: {  	[sflag:s19] =	ssyncset.done $0x0  }
0x39: {  	s21 =	rddreg [dreg:$0xd];
	[sflag:s19] =	ssyncadd.s32 $0xFFFFF800  }
0x3a: {  	[spmem:s21], [sflag:s7] =	dma.local [hbm:s1], $0x800  }
0x3b: {  	_ =	swait.ge [sflag:s19], $0x800  }
0x3c: {  	[sflag:s19] =	ssyncset.done $0x0  }
0x3d: {  	s22 =	rddreg [dreg:$0xe];
	[sflag:s19] =	ssyncadd.s32 $0xFFFFF800  }
0x3e: {  	[spmem:s22], [sflag:s7] =	dma.local [hbm:s1], $0x800  }
0x3f: {  	_ =	swait.ge [sflag:s19], $0x800  }
0x40: {  	[sflag:s19] =	ssyncset.done $0x0  }
0x41: {  	s23 =	rddreg [dreg:$0xf];
	[sflag:s19] =	ssyncadd.s32 $0xFFFFF800  }
0x42: {  	[spmem:s23], [sflag:s7] =	dma.local [hbm:s1], $0x800  }
0x43: {  	_ =	swait.ge [sflag:s19], $0x800  }
0x44: {  	[sflag:s19] =	ssyncset.done $0x0  }
0x45: {  	s18 =	rddreg [dreg:$0x4];
	[sflag:s19] =	ssyncadd.s32 $0xFFFFF800  }
0x46: {  	[tilespmem:s4], [sflag:$0x7] =	stream.linear.gather [hbm4b:s18+s4], $0x100, $0x38;
	[tilespmem:$0x19400] =	vst v63  }
0x47: {  	_ =	swait.ge [sflag:s19], $0x100  }
0x48: {  	[sflag:s19] =	ssyncset.done $0x0  }
0x49: {  	s21 =	rddreg [dreg:$0x5];
	[sflag:s19] =	ssyncadd.s32 $0xFFFFFF00  }
0x4a: {  	[tilespmem:s24], [sflag:$0x7] =	stream.linear.gather [hbm4b:s21+s4], $0x100, $0x38;
	[tilespmem:$0x19400] =	vst v63  }
0x4b: {  	_ =	swait.ge [sflag:s19], $0x100  }
0x4c: {  	[sflag:s19] =	ssyncset.done $0x0  }
0x4d: {  	s22 =	rddreg [dreg:$0x6];
	[sflag:s19] =	ssyncadd.s32 $0xFFFFFF00  }
0x4e: {  	[tilespmem:s25], [sflag:$0x2] =	stream.linear.gather [hbm4b:s22+s4], $0x100, $0x38;
	[tilespmem:$0x19400] =	vst v63  }
0x4f: {  	s23 =	rddreg [dreg:$0x7]  }
0x50: {  	[tilespmem:s26], [sflag:$0x4] =	stream.linear.gather [hbm4b:s23+s4], $0x100, $0x38;
	[tilespmem:$0x19400] =	vst v63  }
0x51: {  	_ = 	snop  }
0x52: {  	[tilespmem:s29], [sflag:$0x5] =	stream.indirect.gather [hbm4b:s5+s28], $0x80, s4, s28, $0xb8;
	[tilespmem:$0x19400] =	vst v63  }
0x53: {  	_ = 	snop  }
0x54: {  	[tilespmem:s30], [sflag:$0x6] =	stream.indirect.gather [hbm4b:s5+s28], $0x80, s24, s28, $0xb8;
	[tilespmem:$0x19400] =	vst v63  }
0x55: {  	[bflag:$0x0] =	sbarrier.arrive $0xFFFF  }
0x56: {  	s22 =	simm.s32 $0x0;
	s21 =	rddreg [dreg:$0xa]  }
.LBB2_2:
0x57: {  	_ =	swait.ge [sflag:s31], $0x2800  }
0x58: {  	[sflag:s31] =	ssyncset.done $0x0  }
0x59: {  	[sflag:s31] =	ssyncadd.s32 $0xFFFFD800  }
0x5a: {  	[spmem:s2] =	stream.indirect.scatter.add.f32 [tilespmem:s29], [sflag:$0x7], $0x80, s0, s28, $0xb8;
	[tilespmem:$0x19400] =	vst v63  }
0x5b: {  	_ =	swait.ge [sflag:s19], $0x2800  }
0x5c: {  	s23 =	sshrl.u32 s21, $0x3;
	[sflag:s19] =	ssyncset.done $0x0  }
0x5d: {  	s23 =	sadd.s32 s6, s23;
	[sflag:s19] =	ssyncadd.s32 $0xFFFFD800  }
0x5e: {  	[tilespmem:s4], [sflag:$0x1] =	stream.linear.gather [hbm4b:s23+s4], $0x100, $0x38;
	[tilespmem:$0x19400] =	vst v63  }
0x5f: {  	_ =	swait.ge [sflag:s3], $0x100  }
0x60: {  	[sflag:s3] =	ssyncset.done $0x0  }
0x61: {  	[sflag:s3] =	ssyncadd.s32 $0xFFFFFF00  }
0x62: {  	[tilespmem:s29], [sflag:$0x5] =	stream.indirect.gather [hbm4b:s5+s28], $0x80, s25, s28, $0xb8;
	[tilespmem:$0x19400] =	vst v63  }
0x63: {  	_ =	swait.ge [sflag:s9], $0x2800  }
0x64: {  	[sflag:s9] =	ssyncset.done $0x0  }
0x65: {  	[sflag:s9] =	ssyncadd.s32 $0xFFFFD800  }
0x66: {  	[spmem:s2] =	stream.indirect.scatter.add.f32 [tilespmem:s30], [sflag:$0x7], $0x80, s10, s28, $0xb8;
	[tilespmem:$0x19400] =	vst v63  }
0x67: {  	p0 =	seq.s32 s22, $0xF00;
	_ =	swait.ge [sflag:s19], $0x2800  }
0x68: {  	s1 =	simm.s32 @!p0 $0x0;
	[sflag:s19] =	ssyncset.done $0x0  }
0x69: {  	s18 =	simm.s32 @!p0 $0x200;
	s23 =	sadd.s32 @!p0 s22, s16;
	[sflag:s19] =	ssyncadd.s32 $0xFFFFD800  }
0x6a: {  	[tilespmem:s18], [sflag:$0x3] =	stream.linear.gather @!p0 [hbm4b:s23+s1], $0x100, $0x38;
	[tilespmem:$0x19400] =	vst v63  }
0x6b: {  	_ =	swait.ge [sflag:s11], $0x100  }
0x6c: {  	[sflag:s11] =	ssyncset.done $0x0  }
0x6d: {  	[sflag:s11] =	ssyncadd.s32 $0xFFFFFF00  }
0x6e: {  	[tilespmem:s30], [sflag:$0x6] =	stream.indirect.gather [hbm4b:s5+s28], $0x80, s26, s28, $0xb8;
	[tilespmem:$0x19400] =	vst v63  }
0x6f: {  	_ =	swait.ge [sflag:s31], $0x2800  }
0x70: {  	[sflag:s31] =	ssyncset.done $0x0  }
0x71: {  	[sflag:s31] =	ssyncadd.s32 $0xFFFFD800  }
0x72: {  	[spmem:s2] =	stream.indirect.scatter.add.f32 [tilespmem:s29], [sflag:$0x7], $0x80, s12, s28, $0xb8;
	[tilespmem:$0x19400] =	vst v63  }
0x73: {  	_ =	swait.ge [sflag:s19], $0x2800  }
0x74: {  	[sflag:s19] =	ssyncset.done $0x0  }
0x75: {  	s18 =	sadd.s32 @!p0 s22, s15;
	s23 =	simm.s32 @!p0 $0x100;
	[sflag:s19] =	ssyncadd.s32 $0xFFFFD800  }
0x76: {  	[tilespmem:s23], [sflag:$0x2] =	stream.linear.gather @!p0 [hbm4b:s18+s1], $0x100, $0x38;
	[tilespmem:$0x19400] =	vst v63  }
0x77: {  	_ =	swait.ge [sflag:s13], $0x100  }
0x78: {  	[sflag:s13] =	ssyncset.done $0x0  }
0x79: {  	[sflag:s13] =	ssyncadd.s32 $0xFFFFFF00  }
0x7a: {  	[tilespmem:s29], [sflag:$0x5] =	stream.indirect.gather [hbm4b:s5+s28], $0x80, s4, s28, $0xb8;
	[tilespmem:$0x19400] =	vst v63  }
0x7b: {  	_ =	swait.ge [sflag:s9], $0x2800  }
0x7c: {  	[sflag:s9] =	ssyncset.done $0x0  }
.Ltmp2:
0x7d: {  	[sflag:s9] =	ssyncadd.s32 $0xFFFFD800;
	(pc) =	sbr.rel @p0 .LBB2_4-.Ltmp2, $4  }
0x7e: {  	[spmem:s2] =	stream.indirect.scatter.add.f32 [tilespmem:s30], [sflag:$0x7], $0x80, s8, s28, $0xb8;
	[tilespmem:$0x19400] =	vst v63  }
0x7f: {  	_ =	swait.ge [sflag:s19], $0x2800  }
0x80: {  	[sflag:s19] =	ssyncset.done $0x0  }
0x81: {  	[sflag:s19] =	ssyncadd.s32 $0xFFFFD800  }
0x82: {  	s1 =	sadd.s32 s22, s14  }
0x83: {  	[tilespmem:s26], [sflag:$0x4] =	stream.linear.gather [hbm4b:s1+s4], $0x100, $0x38;
	[tilespmem:$0x19400] =	vst v63  }
.Ltmp3:
0x84: {  	_ = 	snop;
	(pc) =	sbr.rel .LBB2_2-.Ltmp3, $4  }
0x85: {  	_ =	swait.ge [sflag:s17], $0x100  }
0x86: {  	[sflag:s17] =	ssyncset.done $0x0  }
0x87: {  	s22 =	sadd.s32 $0x80, s22;
	s21 =	sadd.s32 $0x400, s21;
	[sflag:s17] =	ssyncadd.s32 $0xFFFFFF00  }
0x88: {  	[tilespmem:s30], [sflag:$0x6] =	stream.indirect.gather [hbm4b:s5+s28], $0x80, s24, s28, $0xb8;
	[tilespmem:$0x19400] =	vst v63  }
.LBB2_5:
0x89: {  	_ =	sfence.sel $0x180000  }
0x8a: {  	[bflag:$0x0] =	sbarrier.arrive $0xFFFF  }
0x8b: {  	_ =	strace $0x9000004A  }
0x8c: {  	s0 =	stileid.u32;
	[bflag:$0x2] =	sbarrier.arrive $0xFFFF  }
0x8d: {  	p0 =	sne.s32 s0, $0x0;
	s0 =	rddreg [dreg:$0x3]  }
0x8e: {  	s0 =	sadd.s32 @!p0 $0x100000, s0  }
0x8f: {  	[sflag:s0] =	ssyncadd.tile.s32 @!p0 $0x1;
	_ =	shalt  }
.Lfunc_end2:
_tile_overlayer_lowered:
.L_overlay_start_2:
0x90: {  	(tag) =	ssettag $0x2  }
0x91: {  	s0 =	rddreg [dreg:$0x0];
	s2 =	stileid.u32  }
0x92: {  	s1 =	rddreg [dreg:$0x1];
	p0 =	sne.s32 s2, $0x0  }
0x93: {  	s3 =	rddreg [dreg:$0x2];
	[bflag:$0x3] =	sbarrier.arrive $0xFFFF;
	s2 =	simm.s32 @!p0 $0x1C07  }
0x94: {  	[timem:s3], [sflag:s2] =	dma.local @!p0 [hbm:s0], s1  }
0x95: {  	s0 =	simm.s32 @!p0 $0x7  }
0x96: {  	_ =	swait.ge @!p0 [sflag:s0], s1  }
0x97: {  	s1 =	ssub.s32 @!p0 $0x0, s1;
	[sflag:s0] =	ssyncset.done @!p0 $0x0  }
0x98: {  	[sflag:s0] =	ssyncadd.s32 @!p0 s1  }
0x99: {  	[bflag:$0x3] =	sbarrier.arrive $0xFFFF  }
0x9a: {  	_ =	shalt  }

// kernel: kernel.14.cloned.1.call-start
scs
__scs_entry_jumppad:
0x0: {  	(pc) =	sbr.rel $0x88, $3  }
0x1: {  	(tag) =	ssettag $0x0;
	lr =	simm.s32 $0x1  }
0x2: {  	[smem:$0x3F95] =	sst lr;
	_ =	strace $0xD0000000  }
0x3: {  	_ = 	snop  }
0x4: {  	_ = 	snop  }
0x5: {  	_ = 	snop  }
0x6: {  	_ = 	snop  }
0x7: {  	_ = 	snop  }
__scs_overlays_trampoline_lowered:
0x8: {  	[smem:$0x3FA4] =	sst s0  }
0x9: {  	[smem:$0x3FA5] =	sst s1  }
0xa: {  	[smem:$0x3FA6] =	sst s2  }
0xb: {  	[smem:$0x3FA7] =	sst s3  }
0xc: {  	[smem:$0x3FA8] =	sst s4  }
0xd: {  	[smem:$0x3FA9] =	sst s5  }
0xe: {  	[smem:$0x3FAA] =	sst s6  }
0xf: {  	[smem:$0x3FAB] =	sst s7  }
0x10: {  	[smem:$0x3FAC] =	sst s8  }
0x11: {  	[smem:$0x3FAD] =	sst s9;
	s0 =	simm.s32 @!p0 $0x0  }
0x12: {  	s1 =	sld [smem:$0x3F93];
	s0 =	simm.s32 @p0 $0x1  }
0x13: {  	[smem:$0x3FAE] =	sst s0;
	s0 =	simm.s32 @!p1 $0x0  }
0x14: {  	s2 =	sld [smem:$0x3F92];
	s0 =	simm.s32 @p1 $0x1  }
0x15: {  	[smem:$0x3FAF] =	sst s0;
	s0 =	simm.s32 @!p2 $0x0  }
0x16: {  	s3 =	sld [smem:$0x3FDB];
	s0 =	simm.s32 @p2 $0x1  }
0x17: {  	s4 =	simm.s32 $0x1BF5;
	[smem:$0x3FB1] =	sst s0  }
0x18: {  	s0 =	sld [smem:$0x3F94];
	_ =	swait.ge [sflag:s4], $0x0  }
0x19: {  	s7 =	sld [smem:$0x3F95]  }
0x1a: {  	s8 =	sadd.s32 $0xFFFFE003, lr  }
0x1b: {  	s9 =	sadd.s32 $0xFFFFFEF7, lr;
	s5 =	simm.s32 $0xFFFFFFFF;
	p2 =	slt.u32 s8, $0xFFFFF086  }
0x1c: {  	p1 =	slt.u32 s9, $0xF7A;
	s5 =	simm.s32 @!p2 $0x0  }
0x1d: {  	s5 =	simm.s32 @p1 $0x1;
	p0 =	seq.s32 s7, s2  }
0x1e: {  	s7 =	smul.u32 @!p0 $0xF7A, s2;
	p2 =	seq.s32 @!p0 s5, $0x0  }
0x1f: {  	s9 =	smul.u32 $0xF7A, s1;
	s8 =	simm.s32 @!p0 $0x1BF5;
	p2 =	por !p2, p0  }
0x20: {  	[sflag:s8] =	ssyncset.s32 @!p0 $0xFFFFF086;
	s6 =	sadd.s32 @!p0 s3, s7;
	s7 =	simm.s32 @!p0 $0x108  }
0x21: {  	s3 =	sadd.s32 s3, s9;
	s6 =	sadd.s32 @!p0 $0x88, s6;
	s7 =	simm.s32 @p2 $0x1082  }
0x22: {  	[simem:s7], [sflag:s8] =	dma.local @!p0 [hbm:s6], $0xF7A  }
0x23: {  	s9 =	sor.u32 $0xD0000000, s2;
	s6 =	simm.s32 $0x108;
	_ =	swait.ge @!p0 [sflag:s8], $0x0  }
0x24: {  	s3 =	sadd.s32 $0x88, s3;
	s6 =	simm.s32 @!p1 $0x1082;
	[sflag:s4] =	ssyncset.s32 $0xFFFFF086  }
0x25: {  	[simem:s6], [sflag:s4] =	dma.local [hbm:s3], $0xF7A  }
0x26: {  	[smem:$0x3F95] =	sst s1;
	(tag) =	ssettag s2;
	_ =	strace s9  }
0x27: {  	s1 =	sld [smem:$0x3FA5]  }
0x28: {  	s2 =	sld [smem:$0x3FA6]  }
0x29: {  	s4 =	sld [smem:$0x3FA8]  }
0x2a: {  	p0 =	seq.s32 s5, $0x0;
	s5 =	sld [smem:$0x3FA9]  }
0x2b: {  	s6 =	sld [smem:$0x3FAA]  }
0x2c: {  	s7 =	sld [smem:$0x3FAB]  }
0x2d: {  	s3 =	simm.s32 $0x108;
	s8 =	sld [smem:$0x3FAC]  }
0x2e: {  	s3 =	simm.s32 @!p0 $0x1082;
	s9 =	sld [smem:$0x3FAD]  }
0x2f: {  	lr =	sadd.s32 s0, s3;
	s0 =	sld [smem:$0x3FA4]  }
0x30: {  	s3 =	sld [smem:$0x3FA7]  }
0x31: {  	[smem:$0x3FB0] =	sst s10  }
0x32: {  	s10 =	sld [smem:$0x3FAE];
	_ =	sdelay $0x3  }
0x33: {  	p0 =	seq.s32 s10, $0x1;
	s10 =	sld [smem:$0x3FB0];
	_ =	sdelay $0x3  }
0x34: {  	[smem:$0x3FB0] =	sst s10  }
0x35: {  	s10 =	sld [smem:$0x3FAF];
	_ =	sdelay $0x3  }
0x36: {  	p1 =	seq.s32 s10, $0x1;
	s10 =	sld [smem:$0x3FB0];
	_ =	sdelay $0x3  }
0x37: {  	[smem:$0x3FB0] =	sst s10  }
0x38: {  	s10 =	sld [smem:$0x3FB1]  }
0x39: {  	_ = 	snop;
	(pc) =	sbr.ind lr, $3  }
0x3a: {  	_ = 	snop  }
0x3b: {  	_ = 	snop  }
0x3c: {  	p2 =	seq.s32 s10, $0x1;
	s10 =	sld [smem:$0x3FB0]  }
0x3d: {  	_ =	shalt  }
0x3e: {  	_ =	shalt  }
0x3f: {  	_ =	shalt  }
0x40: {  	_ =	shalt  }
0x41: {  	_ =	shalt  }
0x42: {  	_ =	shalt  }
0x43: {  	_ =	shalt  }
0x44: {  	_ =	shalt  }
0x45: {  	_ =	shalt  }
0x46: {  	_ =	shalt  }
0x47: {  	_ =	shalt  }
0x48: {  	_ =	shalt  }
0x49: {  	_ =	shalt  }
0x4a: {  	_ =	shalt  }
0x4b: {  	_ =	shalt  }
0x4c: {  	_ =	shalt  }
0x4d: {  	_ =	shalt  }
0x4e: {  	_ =	shalt  }
0x4f: {  	_ =	shalt  }
0x50: {  	_ =	shalt  }
0x51: {  	_ =	shalt  }
0x52: {  	_ =	shalt  }
0x53: {  	_ =	shalt  }
0x54: {  	_ =	shalt  }
0x55: {  	_ =	shalt  }
0x56: {  	_ =	shalt  }
0x57: {  	_ =	shalt  }
0x58: {  	_ =	shalt  }
0x59: {  	_ =	shalt  }
0x5a: {  	_ =	shalt  }
0x5b: {  	_ =	shalt  }
0x5c: {  	_ =	shalt  }
0x5d: {  	_ =	shalt  }
0x5e: {  	_ =	shalt  }
0x5f: {  	_ =	shalt  }
0x60: {  	_ =	shalt  }
0x61: {  	_ =	shalt  }
0x62: {  	_ =	shalt  }
0x63: {  	_ =	shalt  }
0x64: {  	_ =	shalt  }
0x65: {  	_ =	shalt  }
0x66: {  	_ =	shalt  }
0x67: {  	_ =	shalt  }
0x68: {  	_ =	shalt  }
0x69: {  	_ =	shalt  }
0x6a: {  	_ =	shalt  }
0x6b: {  	_ =	shalt  }
0x6c: {  	_ =	shalt  }
0x6d: {  	_ =	shalt  }
0x6e: {  	_ =	shalt  }
0x6f: {  	_ =	shalt  }
0x70: {  	_ =	shalt  }
0x71: {  	_ =	shalt  }
0x72: {  	_ =	shalt  }
0x73: {  	_ =	shalt  }
0x74: {  	_ =	shalt  }
0x75: {  	_ =	shalt  }
0x76: {  	_ =	shalt  }
0x77: {  	_ =	shalt  }
0x78: {  	_ =	shalt  }
0x79: {  	_ =	shalt  }
0x7a: {  	_ =	shalt  }
0x7b: {  	_ =	shalt  }
0x7c: {  	_ =	shalt  }
0x7d: {  	_ =	shalt  }
0x7e: {  	_ =	shalt  }
0x7f: {  	_ =	shalt  }
0x80: {  	_ =	shalt  }
0x81: {  	_ =	shalt  }
0x82: {  	_ =	shalt  }
0x83: {  	_ =	shalt  }
0x84: {  	_ =	shalt  }
0x85: {  	_ =	shalt  }
0x86: {  	_ =	shalt  }
0x87: {  	_ =	shalt  }
.Lfunc_end0:
.L_simem_size_0:
called_computation.2_lowered:
.L_overlay_start_0:
0x88: {  	s2 =	sld [smem:$0x3FD9]  }
0x89: {  	s3 =	sld [smem:$0x3FFE];
	_ =	sdelay $0x1  }
0x8a: {  	s1 =	srdreg.scid  }
0x8b: {  	s0 =	sand.u32 $0x1, s1  }
0x8c: {  	s17 =	sshll.u32 s0, $0xA;
	s2 =	sadd.s32 s3, s2  }
0x8d: {  	s2 =	sadd.s32 s2, s17  }
0x8e: {  	[smem:$0x3FBC] =	sst s2  }
0x8f: {  	_ = 	snop  }
0x90: {  	s2 =	sld [smem:$0x3FD0];
	(tm) =	ssettm $0x1  }
0x91: {  	s18 =	sld [smem:$0x3FFB];
	_ =	sdelay $0x3  }
0x92: {  	_ =	strace s18  }
0x93: {  	s3 =	sld [smem:$0x3FFC];
	_ =	sdelay $0x3  }
0x94: {  	_ =	strace s3  }
0x95: {  	s3 =	sld [smem:$0x3FFD];
	_ =	sdelay $0x3  }
0x96: {  	_ =	strace s3  }
0x97: {  	_ =	strace $0x8FFFFFFF  }
0x98: {  	s19 =	sld [smem:$0x3FDB];
	_ =	sdelay $0x1  }
0x99: {  	s4 =	simm.s32 $_scs_section_size  }
0x9a: {  	s5 =	simm.s32 $_size__tile_overlayer_lowered;
	s6 =	simm.s32 $_tile_overlayer_lowered  }
0x9b: {  	s22 =	simm.s32 $0x1BFF;
	s21 =	sshll.u32 s6, $0x1;
	s3 =	sadd.s32 s4, s19  }
0x9c: {  	s7 =	simm.s32 $0x0;
	s20 =	sshll.u32 s5, $0x1;
	s5 =	sadd.s32 s21, s3  }
0x9d: {  	[timem:s7], [sflag:s22] =	dma.local [hbm:s5], s20  }
0x9e: {  	_ =	swait.ge [sflag:s22], s20  }
0x9f: {  	s4 =	ssub.s32 $0x0, s20;
	[sflag:s22] =	ssyncset.done $0x0  }
0xa0: {  	[sflag:s22] =	ssyncadd.s32 s4;
	_ =	sdelay $0x1  }
0xa1: {  	s23 =	simm.s32 $0x1B8B  }
0xa2: {  	_ =	swait.ge [sflag:s23], $0x1  }
0xa3: {  	[sflag:s23] =	ssyncset.done $0x0  }
0xa4: {  	s25 =	simm.s32 $0x1B8E;
	s24 =	sld [smem:$0x3FFE];
	[sflag:s23] =	ssyncadd.s32 $0xFFFFFFFF  }
0xa5: {  	s26 =	simm.s32 $execute0_lowered;
	[smem:$0x3FD2] =	sst s25  }
0xa6: {  	s5 =	sshll.u32 s26, $0x1;
	_ =	strace $0x8000004C;
	[dreg:$0x1] =	wrdreg $0xFFFFFFFF  }
0xa7: {  	s28 =	simm.s32 $_size_execute0_lowered;
	s3 =	sadd.s32 s3, s5;
	[dreg:$0x0] =	wrdreg $0x0  }
0xa8: {  	s5 =	sshll.u32 s28, $0x1;
	[dreg:$0x2] =	wrdreg s3  }
0xa9: {  	[dreg:$0x3] =	wrdreg s5  }
0xaa: {  	[dreg:$0x4] =	wrdreg $0xC0  }
0xab: {  	_ =	task [dreg:s7], $0x5FFFF  }
0xac: {  	[dreg:$0x1] =	wrdreg $0xFFFFFFFF  }
0xad: {  	[dreg:$0x0] =	wrdreg $0x60  }
0xae: {  	[dreg:$0x2] =	wrdreg s24  }
0xaf: {  	[dreg:$0x3] =	wrdreg s2  }
0xb0: {  	[dreg:$0x4] =	wrdreg $0x54000  }
0xb1: {  	[dreg:$0x5] =	wrdreg $0x9  }
0xb2: {  	_ =	task.clear_ibuf [dreg:s7], $0x6FFFF;
	_ =	strace $0x9000004C  }
0xb3: {  	s29 =	simm.s32 $0x9;
	_ =	strace $0x8000004E  }
0xb4: {  	_ =	swait.ge [sflag:s29], $0x1  }
0xb5: {  	[sflag:s29] =	ssyncadd.s32 $0xFFFFFFFF  }
0xb6: {  	_ =	strace $0x9000004E  }
0xb7: {  	_ =	sfence  }
0xb8: {  	s30 =	sld [smem:$0x0];
	_ =	sdelay $0x2  }
0xb9: {  	s31 =	sshll.u32 s1, $0xD;
	s1 =	sshrl.u32 s1, $0x2  }
0xba: {  	s3 =	sand.u32 $0x4000, s31;
	s1 =	sadd.s32 s1, s30  }
0xbb: {  	s0 =	sor.u32 s3, s0;
	s1 =	sshll.u32 s1, $0x11  }
0xbc: {  	s0 =	sor.u32 s1, s0  }
0xbd: {  	s0 =	sadd.s32 $0x8F2B, s0  }
0xbe: {  	[sflag:s0] =	ssyncadd.remote.s32 $0x1  }
0xbf: {  	_ =	sfence.sel $0xFFFF  }
0xc0: {  	[dreg:$0x0] =	wrdreg $0xFFFFFFFF;
	(pc) =	sbr.abs _section_cstart, $3  }
0xc1: {  	[dreg:$0x1] =	wrdreg $0xFFFFFFFF  }
0xc2: {  	_ =	task.clear_ibuf [dreg:s7], $0x2FFFF;
	_ =	strace $0x9FFFFFFF  }
0xc3: {  	(tm) =	ssettm $0x7FFFFFFF  }
tec
execute0_lowered:
.L_overlay_start_1:
0x0: {  	(tag) =	ssettag $0x1  }
0x1: {  	s0 =	rddreg [dreg:$0x0]  }
0x2: {  	s2 =	rddreg [dreg:$0x2]  }
0x3: {  	s3 =	srdreg.scid;
	s4 =	simm.s32 $0x0;
	s1 =	stileid.u32  }
0x4: {  	s28 =	simm.s32 $0x50;
	s29 =	simm.s32 $0x400;
	s30 =	simm.s32 $0x2C00  }
0x5: {  	s31 =	simm.s32 $0x5;
	s3 =	sand.u32 $0x1, s3;
	s8 =	smul.u32 $0x14000, s1  }
0x6: {  	[smem:$0x7FF] =	sst s4;
	s5 =	sadd.s32 $0xCD600, s0;
	s9 =	smul.u32 $0x50000, s1  }
0x7: {  	s6 =	sadd.s32 $0xE200, s0;
	s10 =	sshll.u32 s1, $0x1;
	s14 =	smul.u32 $0xFA00, s1  }
0x8: {  	s25 =	sshll.u32 s1, $0x6;
	s7 =	smul.u32 $0x140000, s3;
	_ =	strace $0x8000004D  }
0x9: {  	s22 =	ssub.s32 $0x2, s3;
	s24 =	sor.u32 s3, s10;
	s3 =	smul.u32 $0x7D00, s3  }
0xa: {  	s10 =	simm.s32 $0x280;
	s23 =	sshrl.u32 s22, $0x1;
	s9 =	sshrl.u32 s9, $0x2  }
0xb: {  	s11 =	smul.u32 $0x7D00, s24;
	s7 =	sadd.s32 s8, s7;
	s8 =	ssub.s32 s22, s23  }
0xc: {  	s9 =	sadd.s32 s9, s2;
	s20 =	sadd.s32 s3, s14;
	s7 =	sshrl.u32 s7, $0x3  }
0xd: {  	s26 =	sadd.s32 $0x4000, s9;
	s12 =	sadd.s32 $0x8000, s9;
	s13 =	sadd.s32 $0xC000, s9  }
0xe: {  	s11 =	sshrl.u32 s11, $0x3;
	s17 =	sadd.s32 $0x10000, s9;
	s19 =	smax.u32 s8, $0x1  }
0xf: {  	s3 =	sadd.s32 $0x700, s20;
	s21 =	sadd.s32 $0x600, s20;
	s22 =	sadd.s32 $0x500, s20  }
0x10: {  	s0 =	sadd.s32 s7, s0;
	s7 =	sor.u32 $0x1C07, s25;
	s16 =	sadd.s32 s6, s11  }
0x11: {  	[dreg:$0x9] =	wrdreg s19;
	s3 =	sshrl.u32 s3, $0x3;
	s8 =	sshrl.u32 s21, $0x3  }
0x12: {  	s19 =	simm.s32 $0x7;
	s23 =	sshrl.u32 s26, $0x3;
	s24 =	sshrl.u32 s12, $0x3  }
0x13: {  	s25 =	sshrl.u32 s13, $0x3;
	s26 =	sshrl.u32 s17, $0x3;
	[dreg:$0x4] =	wrdreg s16  }
0x14: {  	s12 =	simm.s32 $0x180;
	s13 =	simm.s32 $0x1;
	[dreg:$0xc] =	wrdreg s23  }
0x15: {  	s17 =	simm.s32 $0x3;
	s11 =	sadd.s32 $0x20, s16;
	[dreg:$0xd] =	wrdreg s24  }
0x16: {  	s18 =	sadd.s32 $0x40, s16;
	s1 =	sadd.s32 $0x60, s16;
	[dreg:$0xe] =	wrdreg s25  }
0x17: {  	s0 =	sadd.s32 $0xF4800, s0;
	s14 =	sadd.s32 s3, s6;
	[dreg:$0xf] =	wrdreg s26  }
0x18: {  	s15 =	sadd.s32 s8, s6;
	s24 =	simm.s32 $0x200;
	[dreg:$0x5] =	wrdreg s11  }
0x19: {  	s25 =	simm.s32 $0x100;
	s26 =	simm.s32 $0x300;
	[dreg:$0x6] =	wrdreg s18  }
.Ltmp0:
0x1a: {  	s3 =	simm.s32 $0x2;
	[dreg:$0x7] =	wrdreg s1;
	(pc) =	sbr.rel .LBB2_1-.Ltmp0, $4  }
0x1b: {  	s8 =	simm.s32 $0x380;
	[dreg:$0x8] =	wrdreg s0;
	s11 =	sshrl.u32 s22, $0x3  }
0x1c: {  	s0 =	sadd.s32 $0x400, s20;
	s18 =	sshrl.u32 s9, $0x3;
	s9 =	simm.s32 $0x6  }
0x1d: {  	s20 =	simm.s32 $0x0;
	s16 =	sadd.s32 s11, s6;
	[dreg:$0xa] =	wrdreg s0  }
0x1e: {  	s0 =	simm.s32 $0x80;
	s11 =	simm.s32 $0x4;
	[dreg:$0xb] =	wrdreg s18  }
.LBB2_4:
0x1f: {  	_ =	swait.ge [sflag:s31], $0x2800  }
0x20: {  	[sflag:s31] =	ssyncset.done $0x0  }
0x21: {  	[sflag:s31] =	ssyncadd.s32 $0xFFFFD800  }
0x22: {  	[spmem:s2] =	stream.indirect.scatter.add.f32 [tilespmem:s29], [sflag:$0x7], $0x80, s0, s28, $0xb8;
	[tilespmem:$0x19400] =	vst v63  }
0x23: {  	_ =	swait.ge [sflag:s19], $0x2800  }
0x24: {  	[sflag:s19] =	ssyncset.done $0x0  }
0x25: {  	[sflag:s19] =	ssyncadd.s32 $0xFFFFD800  }
0x26: {  	[bflag:$0x0] =	sbarrier.arrive $0xFFFF  }
0x27: {  	s1 =	rddreg [dreg:$0x8]  }
0x28: {  	s18 =	rddreg [dreg:$0xb]  }
0x29: {  	[hbm:s1], [sflag:s7] =	dma.local [spmem:s18], $0x2800  }
0x2a: {  	_ =	swait.ge [sflag:s19], $0x2800  }
0x2b: {  	s20 =	sadd.s32 $0x1, s20;
	s23 =	rddreg [dreg:$0x9]  }
0x2c: {  	p0 =	sne.s32 s20, s23  }
.Ltmp1:
0x2d: {  	_ = 	snop;
	(pc) =	sbr.rel @!p0 .LBB2_5-.Ltmp1, $3  }
0x2e: {  	_ =	sdelay $0x1  }
0x2f: {  	[sflag:s19] =	ssyncset.done $0x0  }
0x30: {  	[sflag:s19] =	ssyncadd.s32 $0xFFFFD800  }
.LBB2_1:
0x31: {  	s1 =	rddreg [dreg:$0x1]  }
0x32: {  	[spmem:s18], [sflag:s7] =	dma.local [hbm:s1], $0x800  }
0x33: {  	_ =	swait.ge [sflag:s19], $0x800  }
0x34: {  	[sflag:s19] =	ssyncset.done $0x0  }
0x35: {  	s23 =	rddreg [dreg:$0xc];
	[sflag:s19] =	ssyncadd.s32 $0xFFFFF800  }
0x36: {  	[spmem:s23], [sflag:s7] =	dma.local [hbm:s1], $0x800  }
0x37: {  	_ =	swait.ge [sflag:s19], $0x800  }
0x38: {  	[sflag:s19] =	ssyncset.done $0x0  }
0x39: {  	s21 =	rddreg [dreg:$0xd];
	[sflag:s19] =	ssyncadd.s32 $0xFFFFF800  }
0x3a: {  	[spmem:s21], [sflag:s7] =	dma.local [hbm:s1], $0x800  }
0x3b: {  	_ =	swait.ge [sflag:s19], $0x800  }
0x3c: {  	[sflag:s19] =	ssyncset.done $0x0  }
0x3d: {  	s22 =	rddreg [dreg:$0xe];
	[sflag:s19] =	ssyncadd.s32 $0xFFFFF800  }
0x3e: {  	[spmem:s22], [sflag:s7] =	dma.local [hbm:s1], $0x800  }
0x3f: {  	_ =	swait.ge [sflag:s19], $0x800  }
0x40: {  	[sflag:s19] =	ssyncset.done $0x0  }
0x41: {  	s23 =	rddreg [dreg:$0xf];
	[sflag:s19] =	ssyncadd.s32 $0xFFFFF800  }
0x42: {  	[spmem:s23], [sflag:s7] =	dma.local [hbm:s1], $0x800  }
0x43: {  	_ =	swait.ge [sflag:s19], $0x800  }
0x44: {  	[sflag:s19] =	ssyncset.done $0x0  }
0x45: {  	s18 =	rddreg [dreg:$0x4];
	[sflag:s19] =	ssyncadd.s32 $0xFFFFF800  }
0x46: {  	[tilespmem:s4], [sflag:$0x7] =	stream.linear.gather [hbm4b:s18+s4], $0x100, $0x38;
	[tilespmem:$0x19400] =	vst v63  }
0x47: {  	_ =	swait.ge [sflag:s19], $0x100  }
0x48: {  	[sflag:s19] =	ssyncset.done $0x0  }
0x49: {  	s21 =	rddreg [dreg:$0x5];
	[sflag:s19] =	ssyncadd.s32 $0xFFFFFF00  }
0x4a: {  	[tilespmem:s24], [sflag:$0x7] =	stream.linear.gather [hbm4b:s21+s4], $0x100, $0x38;
	[tilespmem:$0x19400] =	vst v63  }
0x4b: {  	_ =	swait.ge [sflag:s19], $0x100  }
0x4c: {  	[sflag:s19] =	ssyncset.done $0x0  }
0x4d: {  	s22 =	rddreg [dreg:$0x6];
	[sflag:s19] =	ssyncadd.s32 $0xFFFFFF00  }
0x4e: {  	[tilespmem:s25], [sflag:$0x2] =	stream.linear.gather [hbm4b:s22+s4], $0x100, $0x38;
	[tilespmem:$0x19400] =	vst v63  }
0x4f: {  	s23 =	rddreg [dreg:$0x7]  }
0x50: {  	[tilespmem:s26], [sflag:$0x4] =	stream.linear.gather [hbm4b:s23+s4], $0x100, $0x38;
	[tilespmem:$0x19400] =	vst v63  }
0x51: {  	_ = 	snop  }
0x52: {  	[tilespmem:s29], [sflag:$0x5] =	stream.indirect.gather [hbm4b:s5+s28], $0x80, s4, s28, $0xb8;
	[tilespmem:$0x19400] =	vst v63  }
0x53: {  	_ = 	snop  }
0x54: {  	[tilespmem:s30], [sflag:$0x6] =	stream.indirect.gather [hbm4b:s5+s28], $0x80, s24, s28, $0xb8;
	[tilespmem:$0x19400] =	vst v63  }
0x55: {  	[bflag:$0x0] =	sbarrier.arrive $0xFFFF  }
0x56: {  	s22 =	simm.s32 $0x0;
	s21 =	rddreg [dreg:$0xa]  }
.LBB2_2:
0x57: {  	_ =	swait.ge [sflag:s31], $0x2800  }
0x58: {  	[sflag:s31] =	ssyncset.done $0x0  }
0x59: {  	[sflag:s31] =	ssyncadd.s32 $0xFFFFD800  }
0x5a: {  	[spmem:s2] =	stream.indirect.scatter.add.f32 [tilespmem:s29], [sflag:$0x7], $0x80, s0, s28, $0xb8;
	[tilespmem:$0x19400] =	vst v63  }
0x5b: {  	_ =	swait.ge [sflag:s19], $0x2800  }
0x5c: {  	s23 =	sshrl.u32 s21, $0x3;
	[sflag:s19] =	ssyncset.done $0x0  }
0x5d: {  	s23 =	sadd.s32 s6, s23;
	[sflag:s19] =	ssyncadd.s32 $0xFFFFD800  }
0x5e: {  	[tilespmem:s4], [sflag:$0x1] =	stream.linear.gather [hbm4b:s23+s4], $0x100, $0x38;
	[tilespmem:$0x19400] =	vst v63  }
0x5f: {  	_ =	swait.ge [sflag:s3], $0x100  }
0x60: {  	[sflag:s3] =	ssyncset.done $0x0  }
0x61: {  	[sflag:s3] =	ssyncadd.s32 $0xFFFFFF00  }
0x62: {  	[tilespmem:s29], [sflag:$0x5] =	stream.indirect.gather [hbm4b:s5+s28], $0x80, s25, s28, $0xb8;
	[tilespmem:$0x19400] =	vst v63  }
0x63: {  	_ =	swait.ge [sflag:s9], $0x2800  }
0x64: {  	[sflag:s9] =	ssyncset.done $0x0  }
0x65: {  	[sflag:s9] =	ssyncadd.s32 $0xFFFFD800  }
0x66: {  	[spmem:s2] =	stream.indirect.scatter.add.f32 [tilespmem:s30], [sflag:$0x7], $0x80, s10, s28, $0xb8;
	[tilespmem:$0x19400] =	vst v63  }
0x67: {  	p0 =	seq.s32 s22, $0xF00;
	_ =	swait.ge [sflag:s19], $0x2800  }
0x68: {  	s1 =	simm.s32 @!p0 $0x0;
	[sflag:s19] =	ssyncset.done $0x0  }
0x69: {  	s18 =	simm.s32 @!p0 $0x200;
	s23 =	sadd.s32 @!p0 s22, s16;
	[sflag:s19] =	ssyncadd.s32 $0xFFFFD800  }
0x6a: {  	[tilespmem:s18], [sflag:$0x3] =	stream.linear.gather @!p0 [hbm4b:s23+s1], $0x100, $0x38;
	[tilespmem:$0x19400] =	vst v63  }
0x6b: {  	_ =	swait.ge [sflag:s11], $0x100  }
0x6c: {  	[sflag:s11] =	ssyncset.done $0x0  }
0x6d: {  	[sflag:s11] =	ssyncadd.s32 $0xFFFFFF00  }
0x6e: {  	[tilespmem:s30], [sflag:$0x6] =	stream.indirect.gather [hbm4b:s5+s28], $0x80, s26, s28, $0xb8;
	[tilespmem:$0x19400] =	vst v63  }
0x6f: {  	_ =	swait.ge [sflag:s31], $0x2800  }
0x70: {  	[sflag:s31] =	ssyncset.done $0x0  }
0x71: {  	[sflag:s31] =	ssyncadd.s32 $0xFFFFD800  }
0x72: {  	[spmem:s2] =	stream.indirect.scatter.add.f32 [tilespmem:s29], [sflag:$0x7], $0x80, s12, s28, $0xb8;
	[tilespmem:$0x19400] =	vst v63  }
0x73: {  	_ =	swait.ge [sflag:s19], $0x2800  }
0x74: {  	[sflag:s19] =	ssyncset.done $0x0  }
0x75: {  	s18 =	sadd.s32 @!p0 s22, s15;
	s23 =	simm.s32 @!p0 $0x100;
	[sflag:s19] =	ssyncadd.s32 $0xFFFFD800  }
0x76: {  	[tilespmem:s23], [sflag:$0x2] =	stream.linear.gather @!p0 [hbm4b:s18+s1], $0x100, $0x38;
	[tilespmem:$0x19400] =	vst v63  }
0x77: {  	_ =	swait.ge [sflag:s13], $0x100  }
0x78: {  	[sflag:s13] =	ssyncset.done $0x0  }
0x79: {  	[sflag:s13] =	ssyncadd.s32 $0xFFFFFF00  }
0x7a: {  	[tilespmem:s29], [sflag:$0x5] =	stream.indirect.gather [hbm4b:s5+s28], $0x80, s4, s28, $0xb8;
	[tilespmem:$0x19400] =	vst v63  }
0x7b: {  	_ =	swait.ge [sflag:s9], $0x2800  }
0x7c: {  	[sflag:s9] =	ssyncset.done $0x0  }
.Ltmp2:
0x7d: {  	[sflag:s9] =	ssyncadd.s32 $0xFFFFD800;
	(pc) =	sbr.rel @p0 .LBB2_4-.Ltmp2, $4  }
0x7e: {  	[spmem:s2] =	stream.indirect.scatter.add.f32 [tilespmem:s30], [sflag:$0x7], $0x80, s8, s28, $0xb8;
	[tilespmem:$0x19400] =	vst v63  }
0x7f: {  	_ =	swait.ge [sflag:s19], $0x2800  }
0x80: {  	[sflag:s19] =	ssyncset.done $0x0  }
0x81: {  	[sflag:s19] =	ssyncadd.s32 $0xFFFFD800  }
0x82: {  	s1 =	sadd.s32 s22, s14  }
0x83: {  	[tilespmem:s26], [sflag:$0x4] =	stream.linear.gather [hbm4b:s1+s4], $0x100, $0x38;
	[tilespmem:$0x19400] =	vst v63  }
.Ltmp3:
0x84: {  	_ = 	snop;
	(pc) =	sbr.rel .LBB2_2-.Ltmp3, $4  }
0x85: {  	_ =	swait.ge [sflag:s17], $0x100  }
0x86: {  	[sflag:s17] =	ssyncset.done $0x0  }
0x87: {  	s22 =	sadd.s32 $0x80, s22;
	s21 =	sadd.s32 $0x400, s21;
	[sflag:s17] =	ssyncadd.s32 $0xFFFFFF00  }
0x88: {  	[tilespmem:s30], [sflag:$0x6] =	stream.indirect.gather [hbm4b:s5+s28], $0x80, s24, s28, $0xb8;
	[tilespmem:$0x19400] =	vst v63  }
.LBB2_5:
0x89: {  	_ =	sfence.sel $0x180000  }
0x8a: {  	[bflag:$0x0] =	sbarrier.arrive $0xFFFF  }
0x8b: {  	_ =	strace $0x9000004D  }
0x8c: {  	s0 =	stileid.u32;
	[bflag:$0x2] =	sbarrier.arrive $0xFFFF  }
0x8d: {  	p0 =	sne.s32 s0, $0x0;
	s0 =	rddreg [dreg:$0x3]  }
0x8e: {  	s0 =	sadd.s32 @!p0 $0x100000, s0  }
0x8f: {  	[sflag:s0] =	ssyncadd.tile.s32 @!p0 $0x1;
	_ =	shalt  }
.Lfunc_end2:
_tile_overlayer_lowered:
.L_overlay_start_2:
0x90: {  	(tag) =	ssettag $0x2  }
0x91: {  	s0 =	rddreg [dreg:$0x0];
	s2 =	stileid.u32  }
0x92: {  	s1 =	rddreg [dreg:$0x1];
	p0 =	sne.s32 s2, $0x0  }
0x93: {  	s3 =	rddreg [dreg:$0x2];
	[bflag:$0x3] =	sbarrier.arrive $0xFFFF;
	s2 =	simm.s32 @!p0 $0x1C07  }
0x94: {  	[timem:s3], [sflag:s2] =	dma.local @!p0 [hbm:s0], s1  }
0x95: {  	s0 =	simm.s32 @!p0 $0x7  }
0x96: {  	_ =	swait.ge @!p0 [sflag:s0], s1  }
0x97: {  	s1 =	ssub.s32 @!p0 $0x0, s1;
	[sflag:s0] =	ssyncset.done @!p0 $0x0  }
0x98: {  	[sflag:s0] =	ssyncadd.s32 @!p0 s1  }
0x99: {  	[bflag:$0x3] =	sbarrier.arrive $0xFFFF  }
0x9a: {  	_ =	shalt  }

// kernel: kernel.8.cloned.1.call-start
scs
__scs_entry_jumppad:
0x0: {  	(pc) =	sbr.rel $0x88, $3  }
0x1: {  	(tag) =	ssettag $0x0;
	lr =	simm.s32 $0x1  }
0x2: {  	[smem:$0x3F95] =	sst lr;
	_ =	strace $0xD0000000  }
0x3: {  	_ = 	snop  }
0x4: {  	_ = 	snop  }
0x5: {  	_ = 	snop  }
0x6: {  	_ = 	snop  }
0x7: {  	_ = 	snop  }
__scs_overlays_trampoline_lowered:
0x8: {  	[smem:$0x3FA4] =	sst s0  }
0x9: {  	[smem:$0x3FA5] =	sst s1  }
0xa: {  	[smem:$0x3FA6] =	sst s2  }
0xb: {  	[smem:$0x3FA7] =	sst s3  }
0xc: {  	[smem:$0x3FA8] =	sst s4  }
0xd: {  	[smem:$0x3FA9] =	sst s5  }
0xe: {  	[smem:$0x3FAA] =	sst s6  }
0xf: {  	[smem:$0x3FAB] =	sst s7  }
0x10: {  	[smem:$0x3FAC] =	sst s8  }
0x11: {  	[smem:$0x3FAD] =	sst s9;
	s0 =	simm.s32 @!p0 $0x0  }
0x12: {  	s1 =	sld [smem:$0x3F93];
	s0 =	simm.s32 @p0 $0x1  }
0x13: {  	[smem:$0x3FAE] =	sst s0;
	s0 =	simm.s32 @!p1 $0x0  }
0x14: {  	s2 =	sld [smem:$0x3F92];
	s0 =	simm.s32 @p1 $0x1  }
0x15: {  	[smem:$0x3FAF] =	sst s0;
	s0 =	simm.s32 @!p2 $0x0  }
0x16: {  	s3 =	sld [smem:$0x3FDB];
	s0 =	simm.s32 @p2 $0x1  }
0x17: {  	s4 =	simm.s32 $0x1BF5;
	[smem:$0x3FB1] =	sst s0  }
0x18: {  	s0 =	sld [smem:$0x3F94];
	_ =	swait.ge [sflag:s4], $0x0  }
0x19: {  	s7 =	sld [smem:$0x3F95]  }
0x1a: {  	s8 =	sadd.s32 $0xFFFFE003, lr  }
0x1b: {  	s9 =	sadd.s32 $0xFFFFFEF7, lr;
	s5 =	simm.s32 $0xFFFFFFFF;
	p2 =	slt.u32 s8, $0xFFFFF086  }
0x1c: {  	p1 =	slt.u32 s9, $0xF7A;
	s5 =	simm.s32 @!p2 $0x0  }
0x1d: {  	s5 =	simm.s32 @p1 $0x1;
	p0 =	seq.s32 s7, s2  }
0x1e: {  	s7 =	smul.u32 @!p0 $0xF7A, s2;
	p2 =	seq.s32 @!p0 s5, $0x0  }
0x1f: {  	s9 =	smul.u32 $0xF7A, s1;
	s8 =	simm.s32 @!p0 $0x1BF5;
	p2 =	por !p2, p0  }
0x20: {  	[sflag:s8] =	ssyncset.s32 @!p0 $0xFFFFF086;
	s6 =	sadd.s32 @!p0 s3, s7;
	s7 =	simm.s32 @!p0 $0x108  }
0x21: {  	s3 =	sadd.s32 s3, s9;
	s6 =	sadd.s32 @!p0 $0x88, s6;
	s7 =	simm.s32 @p2 $0x1082  }
0x22: {  	[simem:s7], [sflag:s8] =	dma.local @!p0 [hbm:s6], $0xF7A  }
0x23: {  	s9 =	sor.u32 $0xD0000000, s2;
	s6 =	simm.s32 $0x108;
	_ =	swait.ge @!p0 [sflag:s8], $0x0  }
0x24: {  	s3 =	sadd.s32 $0x88, s3;
	s6 =	simm.s32 @!p1 $0x1082;
	[sflag:s4] =	ssyncset.s32 $0xFFFFF086  }
0x25: {  	[simem:s6], [sflag:s4] =	dma.local [hbm:s3], $0xF7A  }
0x26: {  	[smem:$0x3F95] =	sst s1;
	(tag) =	ssettag s2;
	_ =	strace s9  }
0x27: {  	s1 =	sld [smem:$0x3FA5]  }
0x28: {  	s2 =	sld [smem:$0x3FA6]  }
0x29: {  	s4 =	sld [smem:$0x3FA8]  }
0x2a: {  	p0 =	seq.s32 s5, $0x0;
	s5 =	sld [smem:$0x3FA9]  }
0x2b: {  	s6 =	sld [smem:$0x3FAA]  }
0x2c: {  	s7 =	sld [smem:$0x3FAB]  }
0x2d: {  	s3 =	simm.s32 $0x108;
	s8 =	sld [smem:$0x3FAC]  }
0x2e: {  	s3 =	simm.s32 @!p0 $0x1082;
	s9 =	sld [smem:$0x3FAD]  }
0x2f: {  	lr =	sadd.s32 s0, s3;
	s0 =	sld [smem:$0x3FA4]  }
0x30: {  	s3 =	sld [smem:$0x3FA7]  }
0x31: {  	[smem:$0x3FB0] =	sst s10  }
0x32: {  	s10 =	sld [smem:$0x3FAE];
	_ =	sdelay $0x3  }
0x33: {  	p0 =	seq.s32 s10, $0x1;
	s10 =	sld [smem:$0x3FB0];
	_ =	sdelay $0x3  }
0x34: {  	[smem:$0x3FB0] =	sst s10  }
0x35: {  	s10 =	sld [smem:$0x3FAF];
	_ =	sdelay $0x3  }
0x36: {  	p1 =	seq.s32 s10, $0x1;
	s10 =	sld [smem:$0x3FB0];
	_ =	sdelay $0x3  }
0x37: {  	[smem:$0x3FB0] =	sst s10  }
0x38: {  	s10 =	sld [smem:$0x3FB1]  }
0x39: {  	_ = 	snop;
	(pc) =	sbr.ind lr, $3  }
0x3a: {  	_ = 	snop  }
0x3b: {  	_ = 	snop  }
0x3c: {  	p2 =	seq.s32 s10, $0x1;
	s10 =	sld [smem:$0x3FB0]  }
0x3d: {  	_ =	shalt  }
0x3e: {  	_ =	shalt  }
0x3f: {  	_ =	shalt  }
0x40: {  	_ =	shalt  }
0x41: {  	_ =	shalt  }
0x42: {  	_ =	shalt  }
0x43: {  	_ =	shalt  }
0x44: {  	_ =	shalt  }
0x45: {  	_ =	shalt  }
0x46: {  	_ =	shalt  }
0x47: {  	_ =	shalt  }
0x48: {  	_ =	shalt  }
0x49: {  	_ =	shalt  }
0x4a: {  	_ =	shalt  }
0x4b: {  	_ =	shalt  }
0x4c: {  	_ =	shalt  }
0x4d: {  	_ =	shalt  }
0x4e: {  	_ =	shalt  }
0x4f: {  	_ =	shalt  }
0x50: {  	_ =	shalt  }
0x51: {  	_ =	shalt  }
0x52: {  	_ =	shalt  }
0x53: {  	_ =	shalt  }
0x54: {  	_ =	shalt  }
0x55: {  	_ =	shalt  }
0x56: {  	_ =	shalt  }
0x57: {  	_ =	shalt  }
0x58: {  	_ =	shalt  }
0x59: {  	_ =	shalt  }
0x5a: {  	_ =	shalt  }
0x5b: {  	_ =	shalt  }
0x5c: {  	_ =	shalt  }
0x5d: {  	_ =	shalt  }
0x5e: {  	_ =	shalt  }
0x5f: {  	_ =	shalt  }
0x60: {  	_ =	shalt  }
0x61: {  	_ =	shalt  }
0x62: {  	_ =	shalt  }
0x63: {  	_ =	shalt  }
0x64: {  	_ =	shalt  }
0x65: {  	_ =	shalt  }
0x66: {  	_ =	shalt  }
0x67: {  	_ =	shalt  }
0x68: {  	_ =	shalt  }
0x69: {  	_ =	shalt  }
0x6a: {  	_ =	shalt  }
0x6b: {  	_ =	shalt  }
0x6c: {  	_ =	shalt  }
0x6d: {  	_ =	shalt  }
0x6e: {  	_ =	shalt  }
0x6f: {  	_ =	shalt  }
0x70: {  	_ =	shalt  }
0x71: {  	_ =	shalt  }
0x72: {  	_ =	shalt  }
0x73: {  	_ =	shalt  }
0x74: {  	_ =	shalt  }
0x75: {  	_ =	shalt  }
0x76: {  	_ =	shalt  }
0x77: {  	_ =	shalt  }
0x78: {  	_ =	shalt  }
0x79: {  	_ =	shalt  }
0x7a: {  	_ =	shalt  }
0x7b: {  	_ =	shalt  }
0x7c: {  	_ =	shalt  }
0x7d: {  	_ =	shalt  }
0x7e: {  	_ =	shalt  }
0x7f: {  	_ =	shalt  }
0x80: {  	_ =	shalt  }
0x81: {  	_ =	shalt  }
0x82: {  	_ =	shalt  }
0x83: {  	_ =	shalt  }
0x84: {  	_ =	shalt  }
0x85: {  	_ =	shalt  }
0x86: {  	_ =	shalt  }
0x87: {  	_ =	shalt  }
.Lfunc_end0:
.L_simem_size_0:
called_computation_lowered:
.L_overlay_start_0:
0x88: {  	s2 =	sld [smem:$0x3FD9]  }
0x89: {  	s3 =	sld [smem:$0x3FFE];
	_ =	sdelay $0x1  }
0x8a: {  	s1 =	srdreg.scid  }
0x8b: {  	s0 =	sand.u32 $0x1, s1  }
0x8c: {  	s17 =	sshll.u32 s0, $0xA;
	s2 =	sadd.s32 s3, s2  }
0x8d: {  	s2 =	sadd.s32 s2, s17  }
0x8e: {  	[smem:$0x3FBC] =	sst s2  }
0x8f: {  	_ = 	snop  }
0x90: {  	s2 =	sld [smem:$0x3FD0];
	(tm) =	ssettm $0x1  }
0x91: {  	s18 =	sld [smem:$0x3FFB];
	_ =	sdelay $0x3  }
0x92: {  	_ =	strace s18  }
0x93: {  	s3 =	sld [smem:$0x3FFC];
	_ =	sdelay $0x3  }
0x94: {  	_ =	strace s3  }
0x95: {  	s3 =	sld [smem:$0x3FFD];
	_ =	sdelay $0x3  }
0x96: {  	_ =	strace s3  }
0x97: {  	_ =	strace $0x8FFFFFFF  }
0x98: {  	s19 =	sld [smem:$0x3FDB];
	_ =	sdelay $0x1  }
0x99: {  	s4 =	simm.s32 $_scs_section_size  }
0x9a: {  	s5 =	simm.s32 $_size__tile_overlayer_lowered;
	s6 =	simm.s32 $_tile_overlayer_lowered  }
0x9b: {  	s22 =	simm.s32 $0x1BFF;
	s21 =	sshll.u32 s6, $0x1;
	s3 =	sadd.s32 s4, s19  }
0x9c: {  	s7 =	simm.s32 $0x0;
	s20 =	sshll.u32 s5, $0x1;
	s5 =	sadd.s32 s21, s3  }
0x9d: {  	[timem:s7], [sflag:s22] =	dma.local [hbm:s5], s20  }
0x9e: {  	_ =	swait.ge [sflag:s22], s20  }
0x9f: {  	s4 =	ssub.s32 $0x0, s20;
	[sflag:s22] =	ssyncset.done $0x0  }
0xa0: {  	[sflag:s22] =	ssyncadd.s32 s4;
	_ =	sdelay $0x1  }
0xa1: {  	s23 =	simm.s32 $0x1B8B  }
0xa2: {  	_ =	swait.ge [sflag:s23], $0x1  }
0xa3: {  	[sflag:s23] =	ssyncset.done $0x0  }
0xa4: {  	s25 =	simm.s32 $0x1B8E;
	s24 =	sld [smem:$0x3FFE];
	[sflag:s23] =	ssyncadd.s32 $0xFFFFFFFF  }
0xa5: {  	s26 =	simm.s32 $execute0_lowered;
	[smem:$0x3FD2] =	sst s25  }
0xa6: {  	s5 =	sshll.u32 s26, $0x1;
	_ =	strace $0x80000046;
	[dreg:$0x1] =	wrdreg $0xFFFFFFFF  }
0xa7: {  	s28 =	simm.s32 $_size_execute0_lowered;
	s3 =	sadd.s32 s3, s5;
	[dreg:$0x0] =	wrdreg $0x0  }
0xa8: {  	s5 =	sshll.u32 s28, $0x1;
	[dreg:$0x2] =	wrdreg s3  }
0xa9: {  	[dreg:$0x3] =	wrdreg s5  }
0xaa: {  	[dreg:$0x4] =	wrdreg $0xC0  }
0xab: {  	_ =	task [dreg:s7], $0x5FFFF  }
0xac: {  	[dreg:$0x1] =	wrdreg $0xFFFFFFFF  }
0xad: {  	[dreg:$0x0] =	wrdreg $0x60  }
0xae: {  	[dreg:$0x2] =	wrdreg s2  }
0xaf: {  	[dreg:$0x3] =	wrdreg s24  }
0xb0: {  	[dreg:$0x4] =	wrdreg $0x50800  }
0xb1: {  	[dreg:$0x5] =	wrdreg $0x53000  }
0xb2: {  	[dreg:$0x6] =	wrdreg $0x9  }
0xb3: {  	_ =	task.clear_ibuf [dreg:s7], $0x7FFFF;
	_ =	strace $0x90000046  }
0xb4: {  	s29 =	simm.s32 $0x9;
	_ =	strace $0x80000048  }
0xb5: {  	_ =	swait.ge [sflag:s29], $0x1  }
0xb6: {  	[sflag:s29] =	ssyncadd.s32 $0xFFFFFFFF  }
0xb7: {  	_ =	strace $0x90000048  }
0xb8: {  	_ =	sfence  }
0xb9: {  	s30 =	sld [smem:$0x0];
	_ =	sdelay $0x2  }
0xba: {  	s31 =	sshll.u32 s1, $0xD;
	s1 =	sshrl.u32 s1, $0x2  }
0xbb: {  	s3 =	sand.u32 $0x4000, s31;
	s1 =	sadd.s32 s1, s30  }
0xbc: {  	s0 =	sor.u32 s3, s0;
	s1 =	sshll.u32 s1, $0x11  }
0xbd: {  	s0 =	sor.u32 s1, s0  }
0xbe: {  	s0 =	sadd.s32 $0x8F2B, s0  }
0xbf: {  	[sflag:s0] =	ssyncadd.remote.s32 $0x1  }
0xc0: {  	_ =	sfence.sel $0xFFFF  }
0xc1: {  	[dreg:$0x0] =	wrdreg $0xFFFFFFFF;
	(pc) =	sbr.abs _section_cstart, $3  }
0xc2: {  	[dreg:$0x1] =	wrdreg $0xFFFFFFFF  }
0xc3: {  	_ =	task.clear_ibuf [dreg:s7], $0x2FFFF;
	_ =	strace $0x9FFFFFFF  }
0xc4: {  	(tm) =	ssettm $0x7FFFFFFF  }
0xc5: {  	_ =	shalt  }
tec
execute0_lowered:
.L_overlay_start_1:
0x0: {  	(tag) =	ssettag $0x1  }
0x1: {  	s8 =	rddreg [dreg:$0x0]  }
0x2: {  	s7 =	rddreg [dreg:$0x1]  }
0x3: {  	s1 =	srdreg.scid;
	s2 =	rddreg [dreg:$0x2]  }
0x4: {  	s0 =	stileid.u32;
	s3 =	rddreg [dreg:$0x3]  }
0x5: {  	s4 =	simm.s32 $0x0;
	s17 =	simm.s32 $0x5000;
	s18 =	simm.s32 $0x80  }
0x6: {  	s19 =	simm.s32 $0x1;
	s20 =	simm.s32 $0x20;
	s21 =	simm.s32 $0x10  }
0x7: {  	s22 =	simm.s32 $0x0;
	s9 =	sand.u32 $0x1, s1;
	s29 =	sshll.u32 s0, $0x1  }
0x8: {  	[smem:$0x7FF] =	sst s4;
	s12 =	smul.u32 $0x500, s0;
	s5 =	sadd.s32 $0xCC00, s7  }
0x9: {  	s6 =	sadd.s32 $0xCA00, s7;
	s14 =	smul.u32 $0x280, s0;
	s31 =	sshll.u32 s0, $0x6  }
0xa: {  	s1 =	sor.u32 s9, s29;
	s11 =	smul.u32 $0x5000, s9;
	s9 =	ssub.s32 $0x2, s9  }
0xb: {  	s10 =	smul.u32 $0x500, s1;
	s1 =	rddreg [dreg:$0x4];
	_ =	strace $0x80000047  }
0xc: {  	s30 =	sshrl.u32 s9, $0x1;
	s15 =	sadd.s32 s14, s2;
	s16 =	sadd.s32 s14, s3  }
0xd: {  	s14 =	simm.s32 $0x2;
	s11 =	sadd.s32 s12, s11;
	s12 =	ssub.s32 s9, s30  }
0xe: {  	s13 =	sadd.s32 s10, s7;
	s11 =	sshrl.u32 s11, $0x3;
	s8 =	sadd.s32 s8, s10  }
0xf: {  	s12 =	smax.u32 s12, $0x1;
	s11 =	sadd.s32 s11, s7;
	s7 =	sor.u32 $0x1C02, s31  }
0x10: {  	s9 =	sadd.s32 $0x2A00, s13;
	s13 =	sshrl.u32 s15, $0x3;
	s15 =	sshrl.u32 s16, $0x3  }
0x11: {  	s16 =	simm.s32 $0x2800;
	s10 =	sadd.s32 $0xCE00, s11;
	s11 =	sadd.s32 $0xCE10, s11  }
.LBB2_1:
0x12: {  	[spmem:s13], [sflag:s7] =	dma.local [hbm:s6], $0x50  }
0x13: {  	_ =	swait.ge [sflag:s14], $0x50  }
0x14: {  	[sflag:s14] =	ssyncset.done $0x0  }
0x15: {  	[sflag:s14] =	ssyncadd.s32 $0xFFFFFFB0  }
0x16: {  	[spmem:s15], [sflag:s7] =	dma.local [hbm:s6], $0x50  }
0x17: {  	_ =	swait.ge [sflag:s14], $0x50  }
0x18: {  	[sflag:s14] =	ssyncset.done $0x0  }
0x19: {  	[sflag:s14] =	ssyncadd.s32 $0xFFFFFFB0  }
0x1a: {  	[tilespmem:s4], [sflag:$0x2] =	stream.linear.gather [hbm4b:s8+s4], $0x2800, $0x38;
	[tilespmem:$0x5580] =	vst v63  }
0x1b: {  	_ =	swait.ge [sflag:s14], $0x2800  }
0x1c: {  	[sflag:s14] =	ssyncset.done $0x0  }
0x1d: {  	[sflag:s14] =	ssyncadd.s32 $0xFFFFD800  }
0x1e: {  	[tilespmem:s16], [sflag:$0x2] =	stream.linear.gather [hbm4b:s9+s4], $0x2800, $0x38;
	[tilespmem:$0x5580] =	vst v63  }
0x1f: {  	_ =	swait.ge [sflag:s14], $0x2800  }
0x20: {  	[sflag:s14] =	ssyncset.done $0x0  }
0x21: {  	[sflag:s14] =	ssyncadd.s32 $0xFFFFD800  }
0x22: {  	[tilespmem:s17], [sflag:$0x2] =	stream.linear.gather [hbm4b:s5+s4], $0x80, $0x38;
	[tilespmem:$0x5580] =	vst v63  }
0x23: {  	_ =	swait.ge [sflag:s14], $0x80  }
0x24: {  	[sflag:s14] =	ssyncset.done $0x0  }
0x25: {  	[sflag:s14] =	ssyncadd.s32 $0xFFFFFF80  }
0x26: {  	s23 =	simm.s32 $0x0;
	[bflag:$0x0] =	sbarrier.arrive $0xFFFF  }
0x27: {  	[spmem:s2] =	stream.indirect.scatter.add.f32 [tilespmem:s17], [sflag:$0x1], $0x1, s23, s18, $0xb8;
	[tilespmem:$0x5580] =	vst v63  }
0x28: {  	s24 =	simm.s32 $0x2800;
	s23 =	simm.s32 $0x200  }
.LBB2_2:
0x29: {  	[spmem:s3] =	stream.indirect.scatter.add.f32 [tilespmem:s17], [sflag:$0x1], $0x1, s24, s18, $0xb8;
	[tilespmem:$0x5580] =	vst v63  }
0x2a: {  	s24 =	smov.u32 s23;
	p0 =	sne.s32 s23, $0x9E00  }
.Ltmp0:
0x2b: {  	s23 =	sadd.s32 $0x200, s23;
	(pc) =	sbr.rel @p0 .LBB2_2-.Ltmp0, $4  }
0x2c: {  	_ = 	snop  }
0x2d: {  	s24 =	sshra.s32 s24, $0x2  }
0x2e: {  	[spmem:s2] =	stream.indirect.scatter.add.f32 [tilespmem:s17], [sflag:$0x1], $0x1, s24, s18, $0xb8;
	[tilespmem:$0x5580] =	vst v63  }
0x2f: {  	s24 =	sadd.s32 $0x2800, s24  }
0x30: {  	[spmem:s3] =	stream.indirect.scatter.add.f32 [tilespmem:s17], [sflag:$0x1], $0x1, s24, s18, $0xb8;
	[tilespmem:$0x5580] =	vst v63  }
0x31: {  	_ =	swait.ge [sflag:s19], $0x80  }
0x32: {  	s23 =	simm.s32 $0x9F;
	[sflag:s19] =	ssyncset.done $0x0  }
.LBB2_4:
0x33: {  	p0 =	sne.s32 s23, $0x1;
	s23 =	sadd.s32 $0xFFFFFFFF, s23;
	[sflag:s19] =	ssyncadd.s32 $0xFFFFFF80  }
.Ltmp1:
0x34: {  	(pc) =	sbr.rel @p0 .LBB2_4-.Ltmp1, $3  }
0x35: {  	_ =	sdelay $0x1  }
0x36: {  	_ =	swait.ge [sflag:s19], $0x80  }
0x37: {  	[sflag:s19] =	ssyncset.done $0x0  }
0x38: {  	[sflag:s19] =	ssyncadd.s32 $0xFFFFFF80  }
0x39: {  	[bflag:$0x0] =	sbarrier.arrive $0xFFFF  }
0x3a: {  	[hbm:s10@s20], [sflag:s7] =	dma.strided [spmem:s13@s21], $0x50, s19, $0x10   }
0x3b: {  	s22 =	sadd.s32 $0x1, s22;
	_ =	swait.ge [sflag:s14], $0x50  }
0x3c: {  	p0 =	sne.s32 s22, s12;
	[sflag:s14] =	ssyncset.done $0x0  }
.Ltmp2:
0x3d: {  	[sflag:s14] =	ssyncadd.s32 $0xFFFFFFB0;
	(pc) =	sbr.rel @p0 .LBB2_1-.Ltmp2, $4  }
0x3e: {  	[hbm:s11@s20], [sflag:s7] =	dma.strided [spmem:s15@s21], $0x50, s19, $0x10   }
0x3f: {  	_ =	swait.ge [sflag:s14], $0x50  }
0x40: {  	[sflag:s14] =	ssyncset.done $0x0  }
0x41: {  	[sflag:s14] =	ssyncadd.s32 $0xFFFFFFB0  }
0x42: {  	_ =	sfence.sel $0x180000  }
0x43: {  	[bflag:$0x0] =	sbarrier.arrive $0xFFFF  }
0x44: {  	p0 =	sne.s32 s0, $0x0;
	_ =	strace $0x90000047  }
0x45: {  	s0 =	sadd.s32 @!p0 $0x100000, s1;
	[bflag:$0x2] =	sbarrier.arrive $0xFFFF  }
0x46: {  	[sflag:s0] =	ssyncadd.tile.s32 @!p0 $0x1;
	_ =	shalt  }
.Lfunc_end2:
_tile_overlayer_lowered:
.L_overlay_start_2:
0x47: {  	(tag) =	ssettag $0x2  }
0x48: {  	s0 =	rddreg [dreg:$0x0];
	s2 =	stileid.u32  }
0x49: {  	s1 =	rddreg [dreg:$0x1];
	p0 =	sne.s32 s2, $0x0  }
0x4a: {  	s3 =	rddreg [dreg:$0x2];
	[bflag:$0x3] =	sbarrier.arrive $0xFFFF;
	s2 =	simm.s32 @!p0 $0x1C02  }
0x4b: {  	[timem:s3], [sflag:s2] =	dma.local @!p0 [hbm:s0], s1  }
0x4c: {  	s0 =	simm.s32 @!p0 $0x2  }
0x4d: {  	_ =	swait.ge @!p0 [sflag:s0], s1  }
0x4e: {  	s1 =	ssub.s32 @!p0 $0x0, s1;
	[sflag:s0] =	ssyncset.done @!p0 $0x0  }
0x4f: {  	[sflag:s0] =	ssyncadd.s32 @!p0 s1  }
0x50: {  	[bflag:$0x3] =	sbarrier.arrive $0xFFFF  }
0x51: {  	_ =	shalt  }

</sc_bundles>
